<compile_context>
chip_gen: v7x
topology: tpu7x:2x2x1
jax: 0.10.2.dev20260603
libtpu: 0.0.44.dev20260713+nightly
codegen_flags: <defaults>
</compile_context>

<pallas_src>
import functools
import jax
import jax.numpy as jnp
from jax import lax
from jax.experimental import pallas as pl
from jax.experimental.pallas import tpu as pltpu
from jax.experimental.pallas import tpu_sc as plsc

_TG = 8
_EG = 4


def _table_body(emb_ref, w_ref, b_ref, t_ref):
    t_ref[...] = lax.dot_general(
        w_ref[...], emb_ref[...], (((1,), (1,)), ((), ())),
        preferred_element_type=jnp.float32) + b_ref[...]


def _make_table_t(emb, W, b):
    return pl.pallas_call(
        _table_body,
        out_shape=jax.ShapeDtypeStruct((16, 16), jnp.float32),
    )(emb, W, b.reshape(16, 1))


def _sc_gather(table_flat, idsT):
    T, B = idsT.shape
    t_per = T // _TG
    pairs = (t_per - 1) // 2
    mesh = plsc.VectorSubcoreMesh(core_axis_name="c", subcore_axis_name="s")

    @functools.partial(
        pl.kernel, mesh=mesh,
        out_type=jax.ShapeDtypeStruct((T * 16, B), jnp.float32),
        scratch_types=[
            pltpu.VMEM((256,), jnp.float32),
            pltpu.VMEM((B,), jnp.int32),
            pltpu.VMEM((B,), jnp.int32),
            pltpu.VMEM((B,), jnp.float32),
            pltpu.VMEM((B,), jnp.float32),
            pltpu.SemaphoreType.DMA,
            pltpu.SemaphoreType.DMA,
            pltpu.SemaphoreType.DMA,
            pltpu.SemaphoreType.DMA,
        ],
        compiler_params=pltpu.CompilerParams(needs_layout_passes=False),
    )
    def k(table_hbm, ids_hbm, out_hbm, table_v, idsA, idsB, rows0, rows1,
          isemA, isemB, sem0, sem1):
        wid = lax.axis_index("s") * 2 + lax.axis_index("c")
        t0 = (wid // _EG) * t_per
        e0 = (wid % _EG) * _EG
        t_last = t0 + t_per - 1
        pltpu.sync_copy(table_hbm, table_v)
        ids_bufs = (idsA, idsB)
        isems = (isemA, isemB)
        bufs = (rows0, rows1)
        sems = (sem0, sem1)

        def ids_start(t, p):
            pltpu.async_copy(ids_hbm.at[t], ids_bufs[p], isems[p])

        def ids_wait(p):
            pltpu.make_async_copy(ids_hbm.at[t0], ids_bufs[p],
                                  isems[p]).wait()

        def fill_row(e, ids_v, rows_v):
            e16 = (e0 + e) * 16

            @pl.loop(0, B // 128, unroll=1)
            def _(gb):
                idss = [ids_v[pl.ds((gb * 8 + k) * 16, 16)]
                        for k in range(8)]
                vs = [plsc.load_gather(table_v, [idss[k] + e16])
                      for k in range(8)]
                for k in range(8):
                    rows_v[pl.ds((gb * 8 + k) * 16, 16)] = vs[k]

        def start_out(t, e, rows_v, sem):
            pltpu.async_copy(rows_v, out_hbm.at[t * 16 + e0 + e], sem)

        def wait_out(rows_v, sem):
            pltpu.make_async_copy(rows_v, out_hbm.at[0], sem).wait()

        def do_plane(t, ip, first):
            for e in range(_EG):
                if first and e < 2:
                    pass
                else:
                    wait_out(bufs[e % 2], sems[e % 2])
                fill_row(e, ids_bufs[ip], bufs[e % 2])
                start_out(t, e, bufs[e % 2], sems[e % 2])

        ids_start(t0, 0)
        ids_wait(0)
        ids_start(t0 + 1, 1)
        do_plane(t0, 0, True)

        @pl.loop(0, pairs)
        def _(i):
            ta = t0 + 1 + 2 * i
            ids_wait(1)
            ids_start(ta + 1, 0)
            do_plane(ta, 1, False)
            ids_wait(0)
            ids_start(jnp.minimum(ta + 2, t_last), 1)
            do_plane(ta + 1, 0, False)

        ids_wait(1)
        wait_out(rows0, sem0)
        wait_out(rows1, sem1)

    return k(table_flat, idsT)


def kernel(input_ids, emb, W, b):
    B, T = input_ids.shape
    tableT = _make_table_t(emb, W, b).reshape(256)
    outT = _sc_gather(tableT, input_ids.T)
    return jnp.transpose(outT.reshape(T, 16, B), (2, 0, 1))

# --- scband reference (transcript-rebuilt; emitter-appended) ---
"""Pipeline reference for scband-tiny-backbone-65687229825316 (READ-ONLY COPY).

The authoritative reference and input builder live on the scoring server;
editing this copy changes nothing except your own understanding.
"""

import jax, jax.numpy as jnp
import numpy as np

D = 16
V = 16

def setup_inputs(seed: int = 0) -> dict:
    key = jax.random.key(seed)
    k1, k2, k3, k4 = jax.random.split(key, 4)
    input_ids = jax.random.randint(k1, (16384, 200), 0, V, dtype=jnp.int32)
    emb = jax.random.normal(k2, (V, D), dtype=jnp.float32)
    bound = 1.0 / np.sqrt(D)
    W = jax.random.uniform(k3, (D, D), minval=-bound, maxval=bound, dtype=jnp.float32)
    b = jax.random.uniform(k4, (D,), minval=-bound, maxval=bound, dtype=jnp.float32)
    return {"input_ids": input_ids, "emb": emb, "W": W, "b": b}

def reference(input_ids, emb, W, b):
    # nn.Embedding lookup -> gather rows
    x = jnp.take(emb, input_ids, axis=0)  # (B, T, D)
    # nn.Linear: x @ W.T + b
    out = jnp.einsum('btd,ed->bte', x, W) + b
    return out

if __name__ == "__main__":
    import jax
    _d = setup_inputs()
    print(jax.jit(kernel)(*tuple(_d.values())))

</pallas_src>

<mosaic_0001>
#map = affine_map<(d0, d1) -> (0)>
#map1 = affine_map<(d0, d1) -> (0, 0)>
module attributes {stable_mosaic.version = 14 : i64} {
  func.func @k(%arg0: i32, %arg1: i32, %arg2: memref<256xf32, #tpu.memory_space<hbm>>, %arg3: memref<200x16384xi32, #tpu.memory_space<hbm>>, %arg4: memref<3200x16384xf32, #tpu.memory_space<hbm>>, %arg5: memref<256xf32, #tpu.memory_space<vmem>>, %arg6: memref<16384xi32, #tpu.memory_space<vmem>>, %arg7: memref<16384xi32, #tpu.memory_space<vmem>>, %arg8: memref<16384xf32, #tpu.memory_space<vmem>>, %arg9: memref<16384xf32, #tpu.memory_space<vmem>>, %arg10: memref<!tpu.dma_semaphore, #tpu.memory_space<semaphore_mem>>, %arg11: memref<!tpu.dma_semaphore, #tpu.memory_space<semaphore_mem>>, %arg12: memref<!tpu.dma_semaphore, #tpu.memory_space<semaphore_mem>>, %arg13: memref<!tpu.dma_semaphore, #tpu.memory_space<semaphore_mem>>) attributes {dimension_semantics = [#tpu.dimension_semantics<core_parallel>, #tpu.dimension_semantics<subcore_parallel>], iteration_bounds = array<i64: 2, 16>, scalar_prefetch = 0 : i64, scratch_operands = 9 : i64, tpu.core_type = #tpu.core_type<sc_vector_subcore>, window_params = [{transform_indices = #map}, {transform_indices = #map1}, {transform_indices = #map1}]} {
    %mul3A = arith.constant 2 : i32
    %mul3A_0 = arith.muli %arg1, %mul3A : i32
    %add3A = arith.addi %mul3A_0, %arg0 : i32
    %jit3A = arith.constant 4 : i32
    %div3A = arith.divsi %add3A, %jit3A : i32
    %sign3A = arith.constant 0 : i32
    %sign3A_1 = arith.cmpi sgt, %add3A, %sign3A : i32
    %sign3A_2 = arith.extui %sign3A_1 : i1 to i32
    %sign3A_3 = arith.constant 0 : i32
    %sign3A_4 = arith.cmpi slt, %add3A, %sign3A_3 : i32
    %sign3A_5 = arith.extui %sign3A_4 : i1 to i32
    %sign3A_6 = arith.subi %sign3A_2, %sign3A_5 : i32
    %sign3A_7 = arith.constant 0 : i32
    %sign3A_8 = arith.cmpi sgt, %jit3A, %sign3A_7 : i32
    %sign3A_9 = arith.extui %sign3A_8 : i1 to i32
    %sign3A_10 = arith.constant 0 : i32
    %sign3A_11 = arith.cmpi slt, %jit3A, %sign3A_10 : i32
    %sign3A_12 = arith.extui %sign3A_11 : i1 to i32
    %sign3A_13 = arith.subi %sign3A_9, %sign3A_12 : i32
    %ne3A = arith.cmpi ne, %sign3A_6, %sign3A_13 : i32
    %rem3A = arith.remsi %add3A, %jit3A : i32
    %ne3A_14 = arith.constant 0 : i32
    %ne3A_15 = arith.cmpi ne, %rem3A, %ne3A_14 : i32
    %and3A = arith.andi %ne3A, %ne3A_15 : i1
    %sub3A = arith.constant 1 : i32
    %sub3A_16 = arith.subi %div3A, %sub3A : i32
    %select_n3A = arith.select %and3A, %sub3A_16, %div3A : i32
    %mul3A_17 = arith.constant 25 : i32
    %mul3A_18 = arith.muli %select_n3A, %mul3A_17 : i32
    %jit3A_19 = arith.constant 4 : i32
    %eq3A = arith.constant 0 : i32
    %eq3A_20 = arith.cmpi eq, %jit3A_19, %eq3A : i32
    %jit3A_21 = arith.constant 1 : i32
    %select_n3A_22 = arith.select %eq3A_20, %jit3A_21, %jit3A_19 : i32
    %rem3A_23 = arith.remsi %add3A, %select_n3A_22 : i32
    %ne3A_24 = arith.constant 0 : i32
    %ne3A_25 = arith.cmpi ne, %rem3A_23, %ne3A_24 : i32
    %lt3A = arith.constant 0 : i32
    %lt3A_26 = arith.cmpi slt, %rem3A_23, %lt3A : i32
    %lt3A_27 = arith.constant 0 : i32
    %lt3A_28 = arith.cmpi slt, %select_n3A_22, %lt3A_27 : i32
    %ne3A_29 = arith.xori %lt3A_26, %lt3A_28 : i1
    %and3A_30 = arith.andi %ne3A_29, %ne3A_25 : i1
    %add3A_31 = arith.addi %rem3A_23, %select_n3A_22 : i32
    %select_n3A_32 = arith.select %and3A_30, %add3A_31, %rem3A_23 : i32
    %mul3A_33 = arith.constant 4 : i32
    %mul3A_34 = arith.muli %select_n3A_32, %mul3A_33 : i32
    %add3A_35 = arith.constant 25 : i32
    %add3A_36 = arith.addi %mul3A_18, %add3A_35 : i32
    %sub3A_37 = arith.constant 1 : i32
    %sub3A_38 = arith.subi %add3A_36, %sub3A_37 : i32
    "tpu.region"() ({
      %run_scoped3A = tpu.sem_alloc : memref<!tpu.dma_semaphore, #tpu.memory_space<semaphore_mem>>
      tpu.enqueue_dma source(%arg2 : memref<256xf32, #tpu.memory_space<hbm>>) target(%arg5 : memref<256xf32, #tpu.memory_space<vmem>>) target_semaphore(%run_scoped3A : memref<!tpu.dma_semaphore, #tpu.memory_space<semaphore_mem>>)
      tpu.wait_dma2 semaphore(%run_scoped3A : memref<!tpu.dma_semaphore, #tpu.memory_space<semaphore_mem>>) src(%arg2 : memref<256xf32, #tpu.memory_space<hbm>>) dst(%arg5 : memref<256xf32, #tpu.memory_space<vmem>>)
      tpu.yield
    }) : () -> ()
    %dma_start3A = arith.constant 0 : i32
    %dma_start3A_39 = tpu.memref_slice %arg3[%mul3A_18, %dma_start3A] : memref<200x16384xi32, #tpu.memory_space<hbm>> -> memref<1x16384xi32, #tpu.memory_space<hbm>>
    %dma_start3A_40 = tpu.memref_squeeze %dma_start3A_39 : memref<1x16384xi32, #tpu.memory_space<hbm>> -> memref<16384xi32, #tpu.memory_space<hbm>>
    %dma_start3A_41 = arith.constant 0 : i32
    %dma_start3A_42 = tpu.memref_slice %arg3[%mul3A_18, %dma_start3A_41] : memref<200x16384xi32, #tpu.memory_space<hbm>> -> memref<1x16384xi32, #tpu.memory_space<hbm>>
    %dma_start3A_43 = tpu.memref_squeeze %dma_start3A_42 : memref<1x16384xi32, #tpu.memory_space<hbm>> -> memref<16384xi32, #tpu.memory_space<hbm>>
    tpu.enqueue_dma source(%dma_start3A_43 : memref<16384xi32, #tpu.memory_space<hbm>>) target(%arg6 : memref<16384xi32, #tpu.memory_space<vmem>>) target_semaphore(%arg10 : memref<!tpu.dma_semaphore, #tpu.memory_space<semaphore_mem>>)
    %dma_wait3A = arith.constant 0 : i32
    %dma_wait3A_44 = tpu.memref_slice %arg3[%mul3A_18, %dma_wait3A] : memref<200x16384xi32, #tpu.memory_space<hbm>> -> memref<1x16384xi32, #tpu.memory_space<hbm>>
    %dma_wait3A_45 = tpu.memref_squeeze %dma_wait3A_44 : memref<1x16384xi32, #tpu.memory_space<hbm>> -> memref<16384xi32, #tpu.memory_space<hbm>>
    %dma_wait3A_46 = arith.constant 0 : i32
    %dma_wait3A_47 = tpu.memref_slice %arg3[%mul3A_18, %dma_wait3A_46] : memref<200x16384xi32, #tpu.memory_space<hbm>> -> memref<1x16384xi32, #tpu.memory_space<hbm>>
    %dma_wait3A_48 = tpu.memref_squeeze %dma_wait3A_47 : memref<1x16384xi32, #tpu.memory_space<hbm>> -> memref<16384xi32, #tpu.memory_space<hbm>>
    tpu.wait_dma2 semaphore(%arg10 : memref<!tpu.dma_semaphore, #tpu.memory_space<semaphore_mem>>) src(%dma_wait3A_48 : memref<16384xi32, #tpu.memory_space<hbm>>) dst(%arg6 : memref<16384xi32, #tpu.memory_space<vmem>>)
    %add3A_49 = arith.constant 1 : i32
    %add3A_50 = arith.addi %mul3A_18, %add3A_49 : i32
    %dma_start3A_51 = arith.constant 0 : i32
    %dma_start3A_52 = tpu.memref_slice %arg3[%add3A_50, %dma_start3A_51] : memref<200x16384xi32, #tpu.memory_space<hbm>> -> memref<1x16384xi32, #tpu.memory_space<hbm>>
    %dma_start3A_53 = tpu.memref_squeeze %dma_start3A_52 : memref<1x16384xi32, #tpu.memory_space<hbm>> -> memref<16384xi32, #tpu.memory_space<hbm>>
    %dma_start3A_54 = arith.constant 0 : i32
    %dma_start3A_55 = tpu.memref_slice %arg3[%add3A_50, %dma_start3A_54] : memref<200x16384xi32, #tpu.memory_space<hbm>> -> memref<1x16384xi32, #tpu.memory_space<hbm>>
    %dma_start3A_56 = tpu.memref_squeeze %dma_start3A_55 : memref<1x16384xi32, #tpu.memory_space<hbm>> -> memref<16384xi32, #tpu.memory_space<hbm>>
    tpu.enqueue_dma source(%dma_start3A_56 : memref<16384xi32, #tpu.memory_space<hbm>>) target(%arg7 : memref<16384xi32, #tpu.memory_space<vmem>>) target_semaphore(%arg11 : memref<!tpu.dma_semaphore, #tpu.memory_space<semaphore_mem>>)
    %add3A_57 = arith.constant 0 : i32
    %add3A_58 = arith.addi %mul3A_34, %add3A_57 : i32
    %mul3A_59 = arith.constant 16 : i32
    %mul3A_60 = arith.muli %add3A_58, %mul3A_59 : i32
    %scan3A = arith.constant 0 : i32
    %scan3A_61 = arith.constant 128 : i32
    %scan3A_62 = arith.addi %scan3A, %scan3A_61 : i32
    %scan3A_63 = arith.constant 1 : i32
    scf.for %scan3A_175 = %scan3A to %scan3A_62 step %scan3A_63  : i32 {
      %mul3A_176 = arith.constant 1 : i32
      %mul3A_177 = arith.muli %scan3A_175, %mul3A_176 : i32
      %add3A_178 = arith.constant 0 : i32
      %add3A_179 = arith.addi %add3A_178, %mul3A_177 : i32
      %mul3A_180 = arith.constant 8 : i32
      %mul3A_181 = arith.muli %add3A_179, %mul3A_180 : i32
      %add3A_182 = arith.constant 0 : i32
      %add3A_183 = arith.addi %mul3A_181, %add3A_182 : i32
      %mul3A_184 = arith.constant 16 : i32
      %mul3A_185 = arith.muli %add3A_183, %mul3A_184 : i32
      %get3A = arith.index_cast %mul3A_185 : i32 to index
      %get3A_186 = tpu.vector_load %arg6[%get3A] {strides = array<i32>} : memref<16384xi32, #tpu.memory_space<vmem>>, vector<16xi32>,
      %mul3A_187 = arith.constant 8 : i32
      %mul3A_188 = arith.muli %add3A_179, %mul3A_187 : i32
      %add3A_189 = arith.constant 1 : i32
      %add3A_190 = arith.addi %mul3A_188, %add3A_189 : i32
      %mul3A_191 = arith.constant 16 : i32
      %mul3A_192 = arith.muli %add3A_190, %mul3A_191 : i32
      %get3A_193 = arith.index_cast %mul3A_192 : i32 to index
      %get3A_194 = tpu.vector_load %arg6[%get3A_193] {strides = array<i32>} : memref<16384xi32, #tpu.memory_space<vmem>>, vector<16xi32>,
      %mul3A_195 = arith.constant 8 : i32
      %mul3A_196 = arith.muli %add3A_179, %mul3A_195 : i32
      %add3A_197 = arith.constant 2 : i32
      %add3A_198 = arith.addi %mul3A_196, %add3A_197 : i32
      %mul3A_199 = arith.constant 16 : i32
      %mul3A_200 = arith.muli %add3A_198, %mul3A_199 : i32
      %get3A_201 = arith.index_cast %mul3A_200 : i32 to index
      %get3A_202 = tpu.vector_load %arg6[%get3A_201] {strides = array<i32>} : memref<16384xi32, #tpu.memory_space<vmem>>, vector<16xi32>,
      %mul3A_203 = arith.constant 8 : i32
      %mul3A_204 = arith.muli %add3A_179, %mul3A_203 : i32
      %add3A_205 = arith.constant 3 : i32
      %add3A_206 = arith.addi %mul3A_204, %add3A_205 : i32
      %mul3A_207 = arith.constant 16 : i32
      %mul3A_208 = arith.muli %add3A_206, %mul3A_207 : i32
      %get3A_209 = arith.index_cast %mul3A_208 : i32 to index
      %get3A_210 = tpu.vector_load %arg6[%get3A_209] {strides = array<i32>} : memref<16384xi32, #tpu.memory_space<vmem>>, vector<16xi32>,
      %mul3A_211 = arith.constant 8 : i32
      %mul3A_212 = arith.muli %add3A_179, %mul3A_211 : i32
      %add3A_213 = arith.constant 4 : i32
      %add3A_214 = arith.addi %mul3A_212, %add3A_213 : i32
      %mul3A_215 = arith.constant 16 : i32
      %mul3A_216 = arith.muli %add3A_214, %mul3A_215 : i32
      %get3A_217 = arith.index_cast %mul3A_216 : i32 to index
      %get3A_218 = tpu.vector_load %arg6[%get3A_217] {strides = array<i32>} : memref<16384xi32, #tpu.memory_space<vmem>>, vector<16xi32>,
      %mul3A_219 = arith.constant 8 : i32
      %mul3A_220 = arith.muli %add3A_179, %mul3A_219 : i32
      %add3A_221 = arith.constant 5 : i32
      %add3A_222 = arith.addi %mul3A_220, %add3A_221 : i32
      %mul3A_223 = arith.constant 16 : i32
      %mul3A_224 = arith.muli %add3A_222, %mul3A_223 : i32
      %get3A_225 = arith.index_cast %mul3A_224 : i32 to index
      %get3A_226 = tpu.vector_load %arg6[%get3A_225] {strides = array<i32>} : memref<16384xi32, #tpu.memory_space<vmem>>, vector<16xi32>,
      %mul3A_227 = arith.constant 8 : i32
      %mul3A_228 = arith.muli %add3A_179, %mul3A_227 : i32
      %add3A_229 = arith.constant 6 : i32
      %add3A_230 = arith.addi %mul3A_228, %add3A_229 : i32
      %mul3A_231 = arith.constant 16 : i32
      %mul3A_232 = arith.muli %add3A_230, %mul3A_231 : i32
      %get3A_233 = arith.index_cast %mul3A_232 : i32 to index
      %get3A_234 = tpu.vector_load %arg6[%get3A_233] {strides = array<i32>} : memref<16384xi32, #tpu.memory_space<vmem>>, vector<16xi32>,
      %mul3A_235 = arith.constant 8 : i32
      %mul3A_236 = arith.muli %add3A_179, %mul3A_235 : i32
      %add3A_237 = arith.constant 7 : i32
      %add3A_238 = arith.addi %mul3A_236, %add3A_237 : i32
      %mul3A_239 = arith.constant 16 : i32
      %mul3A_240 = arith.muli %add3A_238, %mul3A_239 : i32
      %get3A_241 = arith.index_cast %mul3A_240 : i32 to index
      %get3A_242 = tpu.vector_load %arg6[%get3A_241] {strides = array<i32>} : memref<16384xi32, #tpu.memory_space<vmem>>, vector<16xi32>,
      %add3A_243 = vector.broadcast %mul3A_60 : i32 to vector<16xi32>
      %add3A_244 = arith.addi %get3A_186, %add3A_243 : vector<16xi32>
      %gather3A = tpu.vector_load_idx %arg5[%add3A_244] : memref<256xf32, #tpu.memory_space<vmem>>[vector<16xi32>], vector<16xf32>,
      %add3A_245 = vector.broadcast %mul3A_60 : i32 to vector<16xi32>
      %add3A_246 = arith.addi %get3A_194, %add3A_245 : vector<16xi32>
      %gather3A_247 = tpu.vector_load_idx %arg5[%add3A_246] : memref<256xf32, #tpu.memory_space<vmem>>[vector<16xi32>], vector<16xf32>,
      %add3A_248 = vector.broadcast %mul3A_60 : i32 to vector<16xi32>
      %add3A_249 = arith.addi %get3A_202, %add3A_248 : vector<16xi32>
      %gather3A_250 = tpu.vector_load_idx %arg5[%add3A_249] : memref<256xf32, #tpu.memory_space<vmem>>[vector<16xi32>], vector<16xf32>,
      %add3A_251 = vector.broadcast %mul3A_60 : i32 to vector<16xi32>
      %add3A_252 = arith.addi %get3A_210, %add3A_251 : vector<16xi32>
      %gather3A_253 = tpu.vector_load_idx %arg5[%add3A_252] : memref<256xf32, #tpu.memory_space<vmem>>[vector<16xi32>], vector<16xf32>,
      %add3A_254 = vector.broadcast %mul3A_60 : i32 to vector<16xi32>
      %add3A_255 = arith.addi %get3A_218, %add3A_254 : vector<16xi32>
      %gather3A_256 = tpu.vector_load_idx %arg5[%add3A_255] : memref<256xf32, #tpu.memory_space<vmem>>[vector<16xi32>], vector<16xf32>,
      %add3A_257 = vector.broadcast %mul3A_60 : i32 to vector<16xi32>
      %add3A_258 = arith.addi %get3A_226, %add3A_257 : vector<16xi32>
      %gather3A_259 = tpu.vector_load_idx %arg5[%add3A_258] : memref<256xf32, #tpu.memory_space<vmem>>[vector<16xi32>], vector<16xf32>,
      %add3A_260 = vector.broadcast %mul3A_60 : i32 to vector<16xi32>
      %add3A_261 = arith.addi %get3A_234, %add3A_260 : vector<16xi32>
      %gather3A_262 = tpu.vector_load_idx %arg5[%add3A_261] : memref<256xf32, #tpu.memory_space<vmem>>[vector<16xi32>], vector<16xf32>,
      %add3A_263 = vector.broadcast %mul3A_60 : i32 to vector<16xi32>
      %add3A_264 = arith.addi %get3A_242, %add3A_263 : vector<16xi32>
      %gather3A_265 = tpu.vector_load_idx %arg5[%add3A_264] : memref<256xf32, #tpu.memory_space<vmem>>[vector<16xi32>], vector<16xf32>,
      %mul3A_266 = arith.constant 8 : i32
      %mul3A_267 = arith.muli %add3A_179, %mul3A_266 : i32
      %add3A_268 = arith.constant 0 : i32
      %add3A_269 = arith.addi %mul3A_267, %add3A_268 : i32
      %mul3A_270 = arith.constant 16 : i32
      %mul3A_271 = arith.muli %add3A_269, %mul3A_270 : i32
      %swap3A = arith.index_cast %mul3A_271 : i32 to index
      %swap3A_272 = tpu.vector_load %arg8[%swap3A] {strides = array<i32>} : memref<16384xf32, #tpu.memory_space<vmem>>, vector<16xf32>,
      tpu.vector_store %arg8[%swap3A], %gather3A {strides = array<i32>} : memref<16384xf32, #tpu.memory_space<vmem>>, vector<16xf32>,
      %mul3A_273 = arith.constant 8 : i32
      %mul3A_274 = arith.muli %add3A_179, %mul3A_273 : i32
      %add3A_275 = arith.constant 1 : i32
      %add3A_276 = arith.addi %mul3A_274, %add3A_275 : i32
      %mul3A_277 = arith.constant 16 : i32
      %mul3A_278 = arith.muli %add3A_276, %mul3A_277 : i32
      %swap3A_279 = arith.index_cast %mul3A_278 : i32 to index
      %swap3A_280 = tpu.vector_load %arg8[%swap3A_279] {strides = array<i32>} : memref<16384xf32, #tpu.memory_space<vmem>>, vector<16xf32>,
      tpu.vector_store %arg8[%swap3A_279], %gather3A_247 {strides = array<i32>} : memref<16384xf32, #tpu.memory_space<vmem>>, vector<16xf32>,
      %mul3A_281 = arith.constant 8 : i32
      %mul3A_282 = arith.muli %add3A_179, %mul3A_281 : i32
      %add3A_283 = arith.constant 2 : i32
      %add3A_284 = arith.addi %mul3A_282, %add3A_283 : i32
      %mul3A_285 = arith.constant 16 : i32
      %mul3A_286 = arith.muli %add3A_284, %mul3A_285 : i32
      %swap3A_287 = arith.index_cast %mul3A_286 : i32 to index
      %swap3A_288 = tpu.vector_load %arg8[%swap3A_287] {strides = array<i32>} : memref<16384xf32, #tpu.memory_space<vmem>>, vector<16xf32>,
      tpu.vector_store %arg8[%swap3A_287], %gather3A_250 {strides = array<i32>} : memref<16384xf32, #tpu.memory_space<vmem>>, vector<16xf32>,
      %mul3A_289 = arith.constant 8 : i32
      %mul3A_290 = arith.muli %add3A_179, %mul3A_289 : i32
      %add3A_291 = arith.constant 3 : i32
      %add3A_292 = arith.addi %mul3A_290, %add3A_291 : i32
      %mul3A_293 = arith.constant 16 : i32
      %mul3A_294 = arith.muli %add3A_292, %mul3A_293 : i32
      %swap3A_295 = arith.index_cast %mul3A_294 : i32 to index
      %swap3A_296 = tpu.vector_load %arg8[%swap3A_295] {strides = array<i32>} : memref<16384xf32, #tpu.memory_space<vmem>>, vector<16xf32>,
      tpu.vector_store %arg8[%swap3A_295], %gather3A_253 {strides = array<i32>} : memref<16384xf32, #tpu.memory_space<vmem>>, vector<16xf32>,
      %mul3A_297 = arith.constant 8 : i32
      %mul3A_298 = arith.muli %add3A_179, %mul3A_297 : i32
      %add3A_299 = arith.constant 4 : i32
      %add3A_300 = arith.addi %mul3A_298, %add3A_299 : i32
      %mul3A_301 = arith.constant 16 : i32
      %mul3A_302 = arith.muli %add3A_300, %mul3A_301 : i32
      %swap3A_303 = arith.index_cast %mul3A_302 : i32 to index
      %swap3A_304 = tpu.vector_load %arg8[%swap3A_303] {strides = array<i32>} : memref<16384xf32, #tpu.memory_space<vmem>>, vector<16xf32>,
      tpu.vector_store %arg8[%swap3A_303], %gather3A_256 {strides = array<i32>} : memref<16384xf32, #tpu.memory_space<vmem>>, vector<16xf32>,
      %mul3A_305 = arith.constant 8 : i32
      %mul3A_306 = arith.muli %add3A_179, %mul3A_305 : i32
      %add3A_307 = arith.constant 5 : i32
      %add3A_308 = arith.addi %mul3A_306, %add3A_307 : i32
      %mul3A_309 = arith.constant 16 : i32
      %mul3A_310 = arith.muli %add3A_308, %mul3A_309 : i32
      %swap3A_311 = arith.index_cast %mul3A_310 : i32 to index
      %swap3A_312 = tpu.vector_load %arg8[%swap3A_311] {strides = array<i32>} : memref<16384xf32, #tpu.memory_space<vmem>>, vector<16xf32>,
      tpu.vector_store %arg8[%swap3A_311], %gather3A_259 {strides = array<i32>} : memref<16384xf32, #tpu.memory_space<vmem>>, vector<16xf32>,
      %mul3A_313 = arith.constant 8 : i32
      %mul3A_314 = arith.muli %add3A_179, %mul3A_313 : i32
      %add3A_315 = arith.constant 6 : i32
      %add3A_316 = arith.addi %mul3A_314, %add3A_315 : i32
      %mul3A_317 = arith.constant 16 : i32
      %mul3A_318 = arith.muli %add3A_316, %mul3A_317 : i32
      %swap3A_319 = arith.index_cast %mul3A_318 : i32 to index
      %swap3A_320 = tpu.vector_load %arg8[%swap3A_319] {strides = array<i32>} : memref<16384xf32, #tpu.memory_space<vmem>>, vector<16xf32>,
      tpu.vector_store %arg8[%swap3A_319], %gather3A_262 {strides = array<i32>} : memref<16384xf32, #tpu.memory_space<vmem>>, vector<16xf32>,
      %mul3A_321 = arith.constant 8 : i32
      %mul3A_322 = arith.muli %add3A_179, %mul3A_321 : i32
      %add3A_323 = arith.constant 7 : i32
      %add3A_324 = arith.addi %mul3A_322, %add3A_323 : i32
      %mul3A_325 = arith.constant 16 : i32
      %mul3A_326 = arith.muli %add3A_324, %mul3A_325 : i32
      %swap3A_327 = arith.index_cast %mul3A_326 : i32 to index
      %swap3A_328 = tpu.vector_load %arg8[%swap3A_327] {strides = array<i32>} : memref<16384xf32, #tpu.memory_space<vmem>>, vector<16xf32>,
      tpu.vector_store %arg8[%swap3A_327], %gather3A_265 {strides = array<i32>} : memref<16384xf32, #tpu.memory_space<vmem>>, vector<16xf32>,
    }
    %scan3A_64 = arith.constant 128 : i32
    %mul3A_65 = arith.constant 16 : i32
    %mul3A_66 = arith.muli %mul3A_18, %mul3A_65 : i32
    %add3A_67 = arith.addi %mul3A_66, %mul3A_34 : i32
    %add3A_68 = arith.constant 0 : i32
    %add3A_69 = arith.addi %add3A_67, %add3A_68 : i32
    %dma_start3A_70 = arith.constant 0 : i32
    %dma_start3A_71 = tpu.memref_slice %arg4[%add3A_69, %dma_start3A_70] : memref<3200x16384xf32, #tpu.memory_space<hbm>> -> memref<1x16384xf32, #tpu.memory_space<hbm>>
    %dma_start3A_72 = tpu.memref_squeeze %dma_start3A_71 : memref<1x16384xf32, #tpu.memory_space<hbm>> -> memref<16384xf32, #tpu.memory_space<hbm>>
    %dma_start3A_73 = arith.constant 0 : i32
    %dma_start3A_74 = tpu.memref_slice %arg4[%add3A_69, %dma_start3A_73] : memref<3200x16384xf32, #tpu.memory_space<hbm>> -> memref<1x16384xf32, #tpu.memory_space<hbm>>
    %dma_start3A_75 = tpu.memref_squeeze %dma_start3A_74 : memref<1x16384xf32, #tpu.memory_space<hbm>> -> memref<16384xf32, #tpu.memory_space<hbm>>
    tpu.enqueue_dma source(%arg8 : memref<16384xf32, #tpu.memory_space<vmem>>) target(%dma_start3A_75 : memref<16384xf32, #tpu.memory_space<hbm>>) target_semaphore(%arg12 : memref<!tpu.dma_semaphore, #tpu.memory_space<semaphore_mem>>)
    %add3A_76 = arith.constant 1 : i32
    %add3A_77 = arith.addi %mul3A_34, %add3A_76 : i32
    %mul3A_78 = arith.constant 16 : i32
    %mul3A_79 = arith.muli %add3A_77, %mul3A_78 : i32
    %scan3A_80 = arith.constant 0 : i32
    %scan3A_81 = arith.constant 128 : i32
    %scan3A_82 = arith.addi %scan3A_80, %scan3A_81 : i32
    %scan3A_83 = arith.constant 1 : i32
    scf.for %scan3A_175 = %scan3A_80 to %scan3A_82 step %scan3A_83  : i32 {
      %mul3A_176 = arith.constant 1 : i32
      %mul3A_177 = arith.muli %scan3A_175, %mul3A_176 : i32
      %add3A_178 = arith.constant 0 : i32
      %add3A_179 = arith.addi %add3A_178, %mul3A_177 : i32
      %mul3A_180 = arith.constant 8 : i32
      %mul3A_181 = arith.muli %add3A_179, %mul3A_180 : i32
      %add3A_182 = arith.constant 0 : i32
      %add3A_183 = arith.addi %mul3A_181, %add3A_182 : i32
      %mul3A_184 = arith.constant 16 : i32
      %mul3A_185 = arith.muli %add3A_183, %mul3A_184 : i32
      %get3A = arith.index_cast %mul3A_185 : i32 to index
      %get3A_186 = tpu.vector_load %arg6[%get3A] {strides = array<i32>} : memref<16384xi32, #tpu.memory_space<vmem>>, vector<16xi32>,
      %mul3A_187 = arith.constant 8 : i32
      %mul3A_188 = arith.muli %add3A_179, %mul3A_187 : i32
      %add3A_189 = arith.constant 1 : i32
      %add3A_190 = arith.addi %mul3A_188, %add3A_189 : i32
      %mul3A_191 = arith.constant 16 : i32
      %mul3A_192 = arith.muli %add3A_190, %mul3A_191 : i32
      %get3A_193 = arith.index_cast %mul3A_192 : i32 to index
      %get3A_194 = tpu.vector_load %arg6[%get3A_193] {strides = array<i32>} : memref<16384xi32, #tpu.memory_space<vmem>>, vector<16xi32>,
      %mul3A_195 = arith.constant 8 : i32
      %mul3A_196 = arith.muli %add3A_179, %mul3A_195 : i32
      %add3A_197 = arith.constant 2 : i32
      %add3A_198 = arith.addi %mul3A_196, %add3A_197 : i32
      %mul3A_199 = arith.constant 16 : i32
      %mul3A_200 = arith.muli %add3A_198, %mul3A_199 : i32
      %get3A_201 = arith.index_cast %mul3A_200 : i32 to index
      %get3A_202 = tpu.vector_load %arg6[%get3A_201] {strides = array<i32>} : memref<16384xi32, #tpu.memory_space<vmem>>, vector<16xi32>,
      %mul3A_203 = arith.constant 8 : i32
      %mul3A_204 = arith.muli %add3A_179, %mul3A_203 : i32
      %add3A_205 = arith.constant 3 : i32
      %add3A_206 = arith.addi %mul3A_204, %add3A_205 : i32
      %mul3A_207 = arith.constant 16 : i32
      %mul3A_208 = arith.muli %add3A_206, %mul3A_207 : i32
      %get3A_209 = arith.index_cast %mul3A_208 : i32 to index
      %get3A_210 = tpu.vector_load %arg6[%get3A_209] {strides = array<i32>} : memref<16384xi32, #tpu.memory_space<vmem>>, vector<16xi32>,
      %mul3A_211 = arith.constant 8 : i32
      %mul3A_212 = arith.muli %add3A_179, %mul3A_211 : i32
      %add3A_213 = arith.constant 4 : i32
      %add3A_214 = arith.addi %mul3A_212, %add3A_213 : i32
      %mul3A_215 = arith.constant 16 : i32
      %mul3A_216 = arith.muli %add3A_214, %mul3A_215 : i32
      %get3A_217 = arith.index_cast %mul3A_216 : i32 to index
      %get3A_218 = tpu.vector_load %arg6[%get3A_217] {strides = array<i32>} : memref<16384xi32, #tpu.memory_space<vmem>>, vector<16xi32>,
      %mul3A_219 = arith.constant 8 : i32
      %mul3A_220 = arith.muli %add3A_179, %mul3A_219 : i32
      %add3A_221 = arith.constant 5 : i32
      %add3A_222 = arith.addi %mul3A_220, %add3A_221 : i32
      %mul3A_223 = arith.constant 16 : i32
      %mul3A_224 = arith.muli %add3A_222, %mul3A_223 : i32
      %get3A_225 = arith.index_cast %mul3A_224 : i32 to index
      %get3A_226 = tpu.vector_load %arg6[%get3A_225] {strides = array<i32>} : memref<16384xi32, #tpu.memory_space<vmem>>, vector<16xi32>,
      %mul3A_227 = arith.constant 8 : i32
      %mul3A_228 = arith.muli %add3A_179, %mul3A_227 : i32
      %add3A_229 = arith.constant 6 : i32
      %add3A_230 = arith.addi %mul3A_228, %add3A_229 : i32
      %mul3A_231 = arith.constant 16 : i32
      %mul3A_232 = arith.muli %add3A_230, %mul3A_231 : i32
      %get3A_233 = arith.index_cast %mul3A_232 : i32 to index
      %get3A_234 = tpu.vector_load %arg6[%get3A_233] {strides = array<i32>} : memref<16384xi32, #tpu.memory_space<vmem>>, vector<16xi32>,
      %mul3A_235 = arith.constant 8 : i32
      %mul3A_236 = arith.muli %add3A_179, %mul3A_235 : i32
      %add3A_237 = arith.constant 7 : i32
      %add3A_238 = arith.addi %mul3A_236, %add3A_237 : i32
      %mul3A_239 = arith.constant 16 : i32
      %mul3A_240 = arith.muli %add3A_238, %mul3A_239 : i32
      %get3A_241 = arith.index_cast %mul3A_240 : i32 to index
      %get3A_242 = tpu.vector_load %arg6[%get3A_241] {strides = array<i32>} : memref<16384xi32, #tpu.memory_space<vmem>>, vector<16xi32>,
      %add3A_243 = vector.broadcast %mul3A_79 : i32 to vector<16xi32>
      %add3A_244 = arith.addi %get3A_186, %add3A_243 : vector<16xi32>
      %gather3A = tpu.vector_load_idx %arg5[%add3A_244] : memref<256xf32, #tpu.memory_space<vmem>>[vector<16xi32>], vector<16xf32>,
      %add3A_245 = vector.broadcast %mul3A_79 : i32 to vector<16xi32>
      %add3A_246 = arith.addi %get3A_194, %add3A_245 : vector<16xi32>
      %gather3A_247 = tpu.vector_load_idx %arg5[%add3A_246] : memref<256xf32, #tpu.memory_space<vmem>>[vector<16xi32>], vector<16xf32>,
      %add3A_248 = vector.broadcast %mul3A_79 : i32 to vector<16xi32>
      %add3A_249 = arith.addi %get3A_202, %add3A_248 : vector<16xi32>
      %gather3A_250 = tpu.vector_load_idx %arg5[%add3A_249] : memref<256xf32, #tpu.memory_space<vmem>>[vector<16xi32>], vector<16xf32>,
      %add3A_251 = vector.broadcast %mul3A_79 : i32 to vector<16xi32>
      %add3A_252 = arith.addi %get3A_210, %add3A_251 : vector<16xi32>
      %gather3A_253 = tpu.vector_load_idx %arg5[%add3A_252] : memref<256xf32, #tpu.memory_space<vmem>>[vector<16xi32>], vector<16xf32>,
      %add3A_254 = vector.broadcast %mul3A_79 : i32 to vector<16xi32>
      %add3A_255 = arith.addi %get3A_218, %add3A_254 : vector<16xi32>
      %gather3A_256 = tpu.vector_load_idx %arg5[%add3A_255] : memref<256xf32, #tpu.memory_space<vmem>>[vector<16xi32>], vector<16xf32>,
      %add3A_257 = vector.broadcast %mul3A_79 : i32 to vector<16xi32>
      %add3A_258 = arith.addi %get3A_226, %add3A_257 : vector<16xi32>
      %gather3A_259 = tpu.vector_load_idx %arg5[%add3A_258] : memref<256xf32, #tpu.memory_space<vmem>>[vector<16xi32>], vector<16xf32>,
      %add3A_260 = vector.broadcast %mul3A_79 : i32 to vector<16xi32>
      %add3A_261 = arith.addi %get3A_234, %add3A_260 : vector<16xi32>
      %gather3A_262 = tpu.vector_load_idx %arg5[%add3A_261] : memref<256xf32, #tpu.memory_space<vmem>>[vector<16xi32>], vector<16xf32>,
      %add3A_263 = vector.broadcast %mul3A_79 : i32 to vector<16xi32>
      %add3A_264 = arith.addi %get3A_242, %add3A_263 : vector<16xi32>
      %gather3A_265 = tpu.vector_load_idx %arg5[%add3A_264] : memref<256xf32, #tpu.memory_space<vmem>>[vector<16xi32>], vector<16xf32>,
      %mul3A_266 = arith.constant 8 : i32
      %mul3A_267 = arith.muli %add3A_179, %mul3A_266 : i32
      %add3A_268 = arith.constant 0 : i32
      %add3A_269 = arith.addi %mul3A_267, %add3A_268 : i32
      %mul3A_270 = arith.constant 16 : i32
      %mul3A_271 = arith.muli %add3A_269, %mul3A_270 : i32
      %swap3A = arith.index_cast %mul3A_271 : i32 to index
      %swap3A_272 = tpu.vector_load %arg9[%swap3A] {strides = array<i32>} : memref<16384xf32, #tpu.memory_space<vmem>>, vector<16xf32>,
      tpu.vector_store %arg9[%swap3A], %gather3A {strides = array<i32>} : memref<16384xf32, #tpu.memory_space<vmem>>, vector<16xf32>,
      %mul3A_273 = arith.constant 8 : i32
      %mul3A_274 = arith.muli %add3A_179, %mul3A_273 : i32
      %add3A_275 = arith.constant 1 : i32
      %add3A_276 = arith.addi %mul3A_274, %add3A_275 : i32
      %mul3A_277 = arith.constant 16 : i32
      %mul3A_278 = arith.muli %add3A_276, %mul3A_277 : i32
      %swap3A_279 = arith.index_cast %mul3A_278 : i32 to index
      %swap3A_280 = tpu.vector_load %arg9[%swap3A_279] {strides = array<i32>} : memref<16384xf32, #tpu.memory_space<vmem>>, vector<16xf32>,
      tpu.vector_store %arg9[%swap3A_279], %gather3A_247 {strides = array<i32>} : memref<16384xf32, #tpu.memory_space<vmem>>, vector<16xf32>,
      %mul3A_281 = arith.constant 8 : i32
      %mul3A_282 = arith.muli %add3A_179, %mul3A_281 : i32
      %add3A_283 = arith.constant 2 : i32
      %add3A_284 = arith.addi %mul3A_282, %add3A_283 : i32
      %mul3A_285 = arith.constant 16 : i32
      %mul3A_286 = arith.muli %add3A_284, %mul3A_285 : i32
      %swap3A_287 = arith.index_cast %mul3A_286 : i32 to index
      %swap3A_288 = tpu.vector_load %arg9[%swap3A_287] {strides = array<i32>} : memref<16384xf32, #tpu.memory_space<vmem>>, vector<16xf32>,
      tpu.vector_store %arg9[%swap3A_287], %gather3A_250 {strides = array<i32>} : memref<16384xf32, #tpu.memory_space<vmem>>, vector<16xf32>,
      %mul3A_289 = arith.constant 8 : i32
      %mul3A_290 = arith.muli %add3A_179, %mul3A_289 : i32
      %add3A_291 = arith.constant 3 : i32
      %add3A_292 = arith.addi %mul3A_290, %add3A_291 : i32
      %mul3A_293 = arith.constant 16 : i32
      %mul3A_294 = arith.muli %add3A_292, %mul3A_293 : i32
      %swap3A_295 = arith.index_cast %mul3A_294 : i32 to index
      %swap3A_296 = tpu.vector_load %arg9[%swap3A_295] {strides = array<i32>} : memref<16384xf32, #tpu.memory_space<vmem>>, vector<16xf32>,
      tpu.vector_store %arg9[%swap3A_295], %gather3A_253 {strides = array<i32>} : memref<16384xf32, #tpu.memory_space<vmem>>, vector<16xf32>,
      %mul3A_297 = arith.constant 8 : i32
      %mul3A_298 = arith.muli %add3A_179, %mul3A_297 : i32
      %add3A_299 = arith.constant 4 : i32
      %add3A_300 = arith.addi %mul3A_298, %add3A_299 : i32
      %mul3A_301 = arith.constant 16 : i32
      %mul3A_302 = arith.muli %add3A_300, %mul3A_301 : i32
      %swap3A_303 = arith.index_cast %mul3A_302 : i32 to index
      %swap3A_304 = tpu.vector_load %arg9[%swap3A_303] {strides = array<i32>} : memref<16384xf32, #tpu.memory_space<vmem>>, vector<16xf32>,
      tpu.vector_store %arg9[%swap3A_303], %gather3A_256 {strides = array<i32>} : memref<16384xf32, #tpu.memory_space<vmem>>, vector<16xf32>,
      %mul3A_305 = arith.constant 8 : i32
      %mul3A_306 = arith.muli %add3A_179, %mul3A_305 : i32
      %add3A_307 = arith.constant 5 : i32
      %add3A_308 = arith.addi %mul3A_306, %add3A_307 : i32
      %mul3A_309 = arith.constant 16 : i32
      %mul3A_310 = arith.muli %add3A_308, %mul3A_309 : i32
      %swap3A_311 = arith.index_cast %mul3A_310 : i32 to index
      %swap3A_312 = tpu.vector_load %arg9[%swap3A_311] {strides = array<i32>} : memref<16384xf32, #tpu.memory_space<vmem>>, vector<16xf32>,
      tpu.vector_store %arg9[%swap3A_311], %gather3A_259 {strides = array<i32>} : memref<16384xf32, #tpu.memory_space<vmem>>, vector<16xf32>,
      %mul3A_313 = arith.constant 8 : i32
      %mul3A_314 = arith.muli %add3A_179, %mul3A_313 : i32
      %add3A_315 = arith.constant 6 : i32
      %add3A_316 = arith.addi %mul3A_314, %add3A_315 : i32
      %mul3A_317 = arith.constant 16 : i32
      %mul3A_318 = arith.muli %add3A_316, %mul3A_317 : i32
      %swap3A_319 = arith.index_cast %mul3A_318 : i32 to index
      %swap3A_320 = tpu.vector_load %arg9[%swap3A_319] {strides = array<i32>} : memref<16384xf32, #tpu.memory_space<vmem>>, vector<16xf32>,
      tpu.vector_store %arg9[%swap3A_319], %gather3A_262 {strides = array<i32>} : memref<16384xf32, #tpu.memory_space<vmem>>, vector<16xf32>,
      %mul3A_321 = arith.constant 8 : i32
      %mul3A_322 = arith.muli %add3A_179, %mul3A_321 : i32
      %add3A_323 = arith.constant 7 : i32
      %add3A_324 = arith.addi %mul3A_322, %add3A_323 : i32
      %mul3A_325 = arith.constant 16 : i32
      %mul3A_326 = arith.muli %add3A_324, %mul3A_325 : i32
      %swap3A_327 = arith.index_cast %mul3A_326 : i32 to index
      %swap3A_328 = tpu.vector_load %arg9[%swap3A_327] {strides = array<i32>} : memref<16384xf32, #tpu.memory_space<vmem>>, vector<16xf32>,
      tpu.vector_store %arg9[%swap3A_327], %gather3A_265 {strides = array<i32>} : memref<16384xf32, #tpu.memory_space<vmem>>, vector<16xf32>,
    }
    %scan3A_84 = arith.constant 128 : i32
    %mul3A_85 = arith.constant 16 : i32
    %mul3A_86 = arith.muli %mul3A_18, %mul3A_85 : i32
    %add3A_87 = arith.addi %mul3A_86, %mul3A_34 : i32
    %add3A_88 = arith.constant 1 : i32
    %add3A_89 = arith.addi %add3A_87, %add3A_88 : i32
    %dma_start3A_90 = arith.constant 0 : i32
    %dma_start3A_91 = tpu.memref_slice %arg4[%add3A_89, %dma_start3A_90] : memref<3200x16384xf32, #tpu.memory_space<hbm>> -> memref<1x16384xf32, #tpu.memory_space<hbm>>
    %dma_start3A_92 = tpu.memref_squeeze %dma_start3A_91 : memref<1x16384xf32, #tpu.memory_space<hbm>> -> memref<16384xf32, #tpu.memory_space<hbm>>
    %dma_start3A_93 = arith.constant 0 : i32
    %dma_start3A_94 = tpu.memref_slice %arg4[%add3A_89, %dma_start3A_93] : memref<3200x16384xf32, #tpu.memory_space<hbm>> -> memref<1x16384xf32, #tpu.memory_space<hbm>>
    %dma_start3A_95 = tpu.memref_squeeze %dma_start3A_94 : memref<1x16384xf32, #tpu.memory_space<hbm>> -> memref<16384xf32, #tpu.memory_space<hbm>>
    tpu.enqueue_dma source(%arg9 : memref<16384xf32, #tpu.memory_space<vmem>>) target(%dma_start3A_95 : memref<16384xf32, #tpu.memory_space<hbm>>) target_semaphore(%arg13 : memref<!tpu.dma_semaphore, #tpu.memory_space<semaphore_mem>>)
    %dma_wait3A_96 = arith.constant 0 : i32
    %dma_wait3A_97 = arith.constant 0 : i32
    %dma_wait3A_98 = tpu.memref_slice %arg4[%dma_wait3A_96, %dma_wait3A_97] : memref<3200x16384xf32, #tpu.memory_space<hbm>> -> memref<1x16384xf32, #tpu.memory_space<hbm>>
    %dma_wait3A_99 = tpu.memref_squeeze %dma_wait3A_98 : memref<1x16384xf32, #tpu.memory_space<hbm>> -> memref<16384xf32, #tpu.memory_space<hbm>>
    %dma_wait3A_100 = arith.constant 0 : i32
    %dma_wait3A_101 = tpu.memref_slice %arg4[%dma_wait3A_96, %dma_wait3A_100] : memref<3200x16384xf32, #tpu.memory_space<hbm>> -> memref<1x16384xf32, #tpu.memory_space<hbm>>
    %dma_wait3A_102 = tpu.memref_squeeze %dma_wait3A_101 : memref<1x16384xf32, #tpu.memory_space<hbm>> -> memref<16384xf32, #tpu.memory_space<hbm>>
    tpu.wait_dma2 semaphore(%arg12 : memref<!tpu.dma_semaphore, #tpu.memory_space<semaphore_mem>>) src(%arg8 : memref<16384xf32, #tpu.memory_space<vmem>>) dst(%dma_wait3A_102 : memref<16384xf32, #tpu.memory_space<hbm>>)
    %add3A_103 = arith.constant 2 : i32
    %add3A_104 = arith.addi %mul3A_34, %add3A_103 : i32
    %mul3A_105 = arith.constant 16 : i32
    %mul3A_106 = arith.muli %add3A_104, %mul3A_105 : i32
    %scan3A_107 = arith.constant 0 : i32
    %scan3A_108 = arith.constant 128 : i32
    %scan3A_109 = arith.addi %scan3A_107, %scan3A_108 : i32
    %scan3A_110 = arith.constant 1 : i32
    scf.for %scan3A_175 = %scan3A_107 to %scan3A_109 step %scan3A_110  : i32 {
      %mul3A_176 = arith.constant 1 : i32
      %mul3A_177 = arith.muli %scan3A_175, %mul3A_176 : i32
      %add3A_178 = arith.constant 0 : i32
      %add3A_179 = arith.addi %add3A_178, %mul3A_177 : i32
      %mul3A_180 = arith.constant 8 : i32
      %mul3A_181 = arith.muli %add3A_179, %mul3A_180 : i32
      %add3A_182 = arith.constant 0 : i32
      %add3A_183 = arith.addi %mul3A_181, %add3A_182 : i32
      %mul3A_184 = arith.constant 16 : i32
      %mul3A_185 = arith.muli %add3A_183, %mul3A_184 : i32
      %get3A = arith.index_cast %mul3A_185 : i32 to index
      %get3A_186 = tpu.vector_load %arg6[%get3A] {strides = array<i32>} : memref<16384xi32, #tpu.memory_space<vmem>>, vector<16xi32>,
      %mul3A_187 = arith.constant 8 : i32
      %mul3A_188 = arith.muli %add3A_179, %mul3A_187 : i32
      %add3A_189 = arith.constant 1 : i32
      %add3A_190 = arith.addi %mul3A_188, %add3A_189 : i32
      %mul3A_191 = arith.constant 16 : i32
      %mul3A_192 = arith.muli %add3A_190, %mul3A_191 : i32
      %get3A_193 = arith.index_cast %mul3A_192 : i32 to index
      %get3A_194 = tpu.vector_load %arg6[%get3A_193] {strides = array<i32>} : memref<16384xi32, #tpu.memory_space<vmem>>, vector<16xi32>,
      %mul3A_195 = arith.constant 8 : i32
      %mul3A_196 = arith.muli %add3A_179, %mul3A_195 : i32
      %add3A_197 = arith.constant 2 : i32
      %add3A_198 = arith.addi %mul3A_196, %add3A_197 : i32
      %mul3A_199 = arith.constant 16 : i32
      %mul3A_200 = arith.muli %add3A_198, %mul3A_199 : i32
      %get3A_201 = arith.index_cast %mul3A_200 : i32 to index
      %get3A_202 = tpu.vector_load %arg6[%get3A_201] {strides = array<i32>} : memref<16384xi32, #tpu.memory_space<vmem>>, vector<16xi32>,
      %mul3A_203 = arith.constant 8 : i32
      %mul3A_204 = arith.muli %add3A_179, %mul3A_203 : i32
      %add3A_205 = arith.constant 3 : i32
      %add3A_206 = arith.addi %mul3A_204, %add3A_205 : i32
      %mul3A_207 = arith.constant 16 : i32
      %mul3A_208 = arith.muli %add3A_206, %mul3A_207 : i32
      %get3A_209 = arith.index_cast %mul3A_208 : i32 to index
      %get3A_210 = tpu.vector_load %arg6[%get3A_209] {strides = array<i32>} : memref<16384xi32, #tpu.memory_space<vmem>>, vector<16xi32>,
      %mul3A_211 = arith.constant 8 : i32
      %mul3A_212 = arith.muli %add3A_179, %mul3A_211 : i32
      %add3A_213 = arith.constant 4 : i32
      %add3A_214 = arith.addi %mul3A_212, %add3A_213 : i32
      %mul3A_215 = arith.constant 16 : i32
      %mul3A_216 = arith.muli %add3A_214, %mul3A_215 : i32
      %get3A_217 = arith.index_cast %mul3A_216 : i32 to index
      %get3A_218 = tpu.vector_load %arg6[%get3A_217] {strides = array<i32>} : memref<16384xi32, #tpu.memory_space<vmem>>, vector<16xi32>,
      %mul3A_219 = arith.constant 8 : i32
      %mul3A_220 = arith.muli %add3A_179, %mul3A_219 : i32
      %add3A_221 = arith.constant 5 : i32
      %add3A_222 = arith.addi %mul3A_220, %add3A_221 : i32
      %mul3A_223 = arith.constant 16 : i32
      %mul3A_224 = arith.muli %add3A_222, %mul3A_223 : i32
      %get3A_225 = arith.index_cast %mul3A_224 : i32 to index
      %get3A_226 = tpu.vector_load %arg6[%get3A_225] {strides = array<i32>} : memref<16384xi32, #tpu.memory_space<vmem>>, vector<16xi32>,
      %mul3A_227 = arith.constant 8 : i32
      %mul3A_228 = arith.muli %add3A_179, %mul3A_227 : i32
      %add3A_229 = arith.constant 6 : i32
      %add3A_230 = arith.addi %mul3A_228, %add3A_229 : i32
      %mul3A_231 = arith.constant 16 : i32
      %mul3A_232 = arith.muli %add3A_230, %mul3A_231 : i32
      %get3A_233 = arith.index_cast %mul3A_232 : i32 to index
      %get3A_234 = tpu.vector_load %arg6[%get3A_233] {strides = array<i32>} : memref<16384xi32, #tpu.memory_space<vmem>>, vector<16xi32>,
      %mul3A_235 = arith.constant 8 : i32
      %mul3A_236 = arith.muli %add3A_179, %mul3A_235 : i32
      %add3A_237 = arith.constant 7 : i32
      %add3A_238 = arith.addi %mul3A_236, %add3A_237 : i32
      %mul3A_239 = arith.constant 16 : i32
      %mul3A_240 = arith.muli %add3A_238, %mul3A_239 : i32
      %get3A_241 = arith.index_cast %mul3A_240 : i32 to index
      %get3A_242 = tpu.vector_load %arg6[%get3A_241] {strides = array<i32>} : memref<16384xi32, #tpu.memory_space<vmem>>, vector<16xi32>,
      %add3A_243 = vector.broadcast %mul3A_106 : i32 to vector<16xi32>
      %add3A_244 = arith.addi %get3A_186, %add3A_243 : vector<16xi32>
      %gather3A = tpu.vector_load_idx %arg5[%add3A_244] : memref<256xf32, #tpu.memory_space<vmem>>[vector<16xi32>], vector<16xf32>,
      %add3A_245 = vector.broadcast %mul3A_106 : i32 to vector<16xi32>
      %add3A_246 = arith.addi %get3A_194, %add3A_245 : vector<16xi32>
      %gather3A_247 = tpu.vector_load_idx %arg5[%add3A_246] : memref<256xf32, #tpu.memory_space<vmem>>[vector<16xi32>], vector<16xf32>,
      %add3A_248 = vector.broadcast %mul3A_106 : i32 to vector<16xi32>
      %add3A_249 = arith.addi %get3A_202, %add3A_248 : vector<16xi32>
      %gather3A_250 = tpu.vector_load_idx %arg5[%add3A_249] : memref<256xf32, #tpu.memory_space<vmem>>[vector<16xi32>], vector<16xf32>,
      %add3A_251 = vector.broadcast %mul3A_106 : i32 to vector<16xi32>
      %add3A_252 = arith.addi %get3A_210, %add3A_251 : vector<16xi32>
      %gather3A_253 = tpu.vector_load_idx %arg5[%add3A_252] : memref<256xf32, #tpu.memory_space<vmem>>[vector<16xi32>], vector<16xf32>,
      %add3A_254 = vector.broadcast %mul3A_106 : i32 to vector<16xi32>
      %add3A_255 = arith.addi %get3A_218, %add3A_254 : vector<16xi32>
      %gather3A_256 = tpu.vector_load_idx %arg5[%add3A_255] : memref<256xf32, #tpu.memory_space<vmem>>[vector<16xi32>], vector<16xf32>,
      %add3A_257 = vector.broadcast %mul3A_106 : i32 to vector<16xi32>
      %add3A_258 = arith.addi %get3A_226, %add3A_257 : vector<16xi32>
      %gather3A_259 = tpu.vector_load_idx %arg5[%add3A_258] : memref<256xf32, #tpu.memory_space<vmem>>[vector<16xi32>], vector<16xf32>,
      %add3A_260 = vector.broadcast %mul3A_106 : i32 to vector<16xi32>
      %add3A_261 = arith.addi %get3A_234, %add3A_260 : vector<16xi32>
      %gather3A_262 = tpu.vector_load_idx %arg5[%add3A_261] : memref<256xf32, #tpu.memory_space<vmem>>[vector<16xi32>], vector<16xf32>,
      %add3A_263 = vector.broadcast %mul3A_106 : i32 to vector<16xi32>
      %add3A_264 = arith.addi %get3A_242, %add3A_263 : vector<16xi32>
      %gather3A_265 = tpu.vector_load_idx %arg5[%add3A_264] : memref<256xf32, #tpu.memory_space<vmem>>[vector<16xi32>], vector<16xf32>,
      %mul3A_266 = arith.constant 8 : i32
      %mul3A_267 = arith.muli %add3A_179, %mul3A_266 : i32
      %add3A_268 = arith.constant 0 : i32
      %add3A_269 = arith.addi %mul3A_267, %add3A_268 : i32
      %mul3A_270 = arith.constant 16 : i32
      %mul3A_271 = arith.muli %add3A_269, %mul3A_270 : i32
      %swap3A = arith.index_cast %mul3A_271 : i32 to index
      %swap3A_272 = tpu.vector_load %arg8[%swap3A] {strides = array<i32>} : memref<16384xf32, #tpu.memory_space<vmem>>, vector<16xf32>,
      tpu.vector_store %arg8[%swap3A], %gather3A {strides = array<i32>} : memref<16384xf32, #tpu.memory_space<vmem>>, vector<16xf32>,
      %mul3A_273 = arith.constant 8 : i32
      %mul3A_274 = arith.muli %add3A_179, %mul3A_273 : i32
      %add3A_275 = arith.constant 1 : i32
      %add3A_276 = arith.addi %mul3A_274, %add3A_275 : i32
      %mul3A_277 = arith.constant 16 : i32
      %mul3A_278 = arith.muli %add3A_276, %mul3A_277 : i32
      %swap3A_279 = arith.index_cast %mul3A_278 : i32 to index
      %swap3A_280 = tpu.vector_load %arg8[%swap3A_279] {strides = array<i32>} : memref<16384xf32, #tpu.memory_space<vmem>>, vector<16xf32>,
      tpu.vector_store %arg8[%swap3A_279], %gather3A_247 {strides = array<i32>} : memref<16384xf32, #tpu.memory_space<vmem>>, vector<16xf32>,
      %mul3A_281 = arith.constant 8 : i32
      %mul3A_282 = arith.muli %add3A_179, %mul3A_281 : i32
      %add3A_283 = arith.constant 2 : i32
      %add3A_284 = arith.addi %mul3A_282, %add3A_283 : i32
      %mul3A_285 = arith.constant 16 : i32
      %mul3A_286 = arith.muli %add3A_284, %mul3A_285 : i32
      %swap3A_287 = arith.index_cast %mul3A_286 : i32 to index
      %swap3A_288 = tpu.vector_load %arg8[%swap3A_287] {strides = array<i32>} : memref<16384xf32, #tpu.memory_space<vmem>>, vector<16xf32>,
      tpu.vector_store %arg8[%swap3A_287], %gather3A_250 {strides = array<i32>} : memref<16384xf32, #tpu.memory_space<vmem>>, vector<16xf32>,
      %mul3A_289 = arith.constant 8 : i32
      %mul3A_290 = arith.muli %add3A_179, %mul3A_289 : i32
      %add3A_291 = arith.constant 3 : i32
      %add3A_292 = arith.addi %mul3A_290, %add3A_291 : i32
      %mul3A_293 = arith.constant 16 : i32
      %mul3A_294 = arith.muli %add3A_292, %mul3A_293 : i32
      %swap3A_295 = arith.index_cast %mul3A_294 : i32 to index
      %swap3A_296 = tpu.vector_load %arg8[%swap3A_295] {strides = array<i32>} : memref<16384xf32, #tpu.memory_space<vmem>>, vector<16xf32>,
      tpu.vector_store %arg8[%swap3A_295], %gather3A_253 {strides = array<i32>} : memref<16384xf32, #tpu.memory_space<vmem>>, vector<16xf32>,
      %mul3A_297 = arith.constant 8 : i32
      %mul3A_298 = arith.muli %add3A_179, %mul3A_297 : i32
      %add3A_299 = arith.constant 4 : i32
      %add3A_300 = arith.addi %mul3A_298, %add3A_299 : i32
      %mul3A_301 = arith.constant 16 : i32
      %mul3A_302 = arith.muli %add3A_300, %mul3A_301 : i32
      %swap3A_303 = arith.index_cast %mul3A_302 : i32 to index
      %swap3A_304 = tpu.vector_load %arg8[%swap3A_303] {strides = array<i32>} : memref<16384xf32, #tpu.memory_space<vmem>>, vector<16xf32>,
      tpu.vector_store %arg8[%swap3A_303], %gather3A_256 {strides = array<i32>} : memref<16384xf32, #tpu.memory_space<vmem>>, vector<16xf32>,
      %mul3A_305 = arith.constant 8 : i32
      %mul3A_306 = arith.muli %add3A_179, %mul3A_305 : i32
      %add3A_307 = arith.constant 5 : i32
      %add3A_308 = arith.addi %mul3A_306, %add3A_307 : i32
      %mul3A_309 = arith.constant 16 : i32
      %mul3A_310 = arith.muli %add3A_308, %mul3A_309 : i32
      %swap3A_311 = arith.index_cast %mul3A_310 : i32 to index
      %swap3A_312 = tpu.vector_load %arg8[%swap3A_311] {strides = array<i32>} : memref<16384xf32, #tpu.memory_space<vmem>>, vector<16xf32>,
      tpu.vector_store %arg8[%swap3A_311], %gather3A_259 {strides = array<i32>} : memref<16384xf32, #tpu.memory_space<vmem>>, vector<16xf32>,
      %mul3A_313 = arith.constant 8 : i32
      %mul3A_314 = arith.muli %add3A_179, %mul3A_313 : i32
      %add3A_315 = arith.constant 6 : i32
      %add3A_316 = arith.addi %mul3A_314, %add3A_315 : i32
      %mul3A_317 = arith.constant 16 : i32
      %mul3A_318 = arith.muli %add3A_316, %mul3A_317 : i32
      %swap3A_319 = arith.index_cast %mul3A_318 : i32 to index
      %swap3A_320 = tpu.vector_load %arg8[%swap3A_319] {strides = array<i32>} : memref<16384xf32, #tpu.memory_space<vmem>>, vector<16xf32>,
      tpu.vector_store %arg8[%swap3A_319], %gather3A_262 {strides = array<i32>} : memref<16384xf32, #tpu.memory_space<vmem>>, vector<16xf32>,
      %mul3A_321 = arith.constant 8 : i32
      %mul3A_322 = arith.muli %add3A_179, %mul3A_321 : i32
      %add3A_323 = arith.constant 7 : i32
      %add3A_324 = arith.addi %mul3A_322, %add3A_323 : i32
      %mul3A_325 = arith.constant 16 : i32
      %mul3A_326 = arith.muli %add3A_324, %mul3A_325 : i32
      %swap3A_327 = arith.index_cast %mul3A_326 : i32 to index
      %swap3A_328 = tpu.vector_load %arg8[%swap3A_327] {strides = array<i32>} : memref<16384xf32, #tpu.memory_space<vmem>>, vector<16xf32>,
      tpu.vector_store %arg8[%swap3A_327], %gather3A_265 {strides = array<i32>} : memref<16384xf32, #tpu.memory_space<vmem>>, vector<16xf32>,
    }
    %scan3A_111 = arith.constant 128 : i32
    %mul3A_112 = arith.constant 16 : i32
    %mul3A_113 = arith.muli %mul3A_18, %mul3A_112 : i32
    %add3A_114 = arith.addi %mul3A_113, %mul3A_34 : i32
    %add3A_115 = arith.constant 2 : i32
    %add3A_116 = arith.addi %add3A_114, %add3A_115 : i32
    %dma_start3A_117 = arith.constant 0 : i32
    %dma_start3A_118 = tpu.memref_slice %arg4[%add3A_116, %dma_start3A_117] : memref<3200x16384xf32, #tpu.memory_space<hbm>> -> memref<1x16384xf32, #tpu.memory_space<hbm>>
    %dma_start3A_119 = tpu.memref_squeeze %dma_start3A_118 : memref<1x16384xf32, #tpu.memory_space<hbm>> -> memref<16384xf32, #tpu.memory_space<hbm>>
    %dma_start3A_120 = arith.constant 0 : i32
    %dma_start3A_121 = tpu.memref_slice %arg4[%add3A_116, %dma_start3A_120] : memref<3200x16384xf32, #tpu.memory_space<hbm>> -> memref<1x16384xf32, #tpu.memory_space<hbm>>
    %dma_start3A_122 = tpu.memref_squeeze %dma_start3A_121 : memref<1x16384xf32, #tpu.memory_space<hbm>> -> memref<16384xf32, #tpu.memory_space<hbm>>
    tpu.enqueue_dma source(%arg8 : memref<16384xf32, #tpu.memory_space<vmem>>) target(%dma_start3A_122 : memref<16384xf32, #tpu.memory_space<hbm>>) target_semaphore(%arg12 : memref<!tpu.dma_semaphore, #tpu.memory_space<semaphore_mem>>)
    %dma_wait3A_123 = arith.constant 0 : i32
    %dma_wait3A_124 = arith.constant 0 : i32
    %dma_wait3A_125 = tpu.memref_slice %arg4[%dma_wait3A_123, %dma_wait3A_124] : memref<3200x16384xf32, #tpu.memory_space<hbm>> -> memref<1x16384xf32, #tpu.memory_space<hbm>>
    %dma_wait3A_126 = tpu.memref_squeeze %dma_wait3A_125 : memref<1x16384xf32, #tpu.memory_space<hbm>> -> memref<16384xf32, #tpu.memory_space<hbm>>
    %dma_wait3A_127 = arith.constant 0 : i32
    %dma_wait3A_128 = tpu.memref_slice %arg4[%dma_wait3A_123, %dma_wait3A_127] : memref<3200x16384xf32, #tpu.memory_space<hbm>> -> memref<1x16384xf32, #tpu.memory_space<hbm>>
    %dma_wait3A_129 = tpu.memref_squeeze %dma_wait3A_128 : memref<1x16384xf32, #tpu.memory_space<hbm>> -> memref<16384xf32, #tpu.memory_space<hbm>>
    tpu.wait_dma2 semaphore(%arg13 : memref<!tpu.dma_semaphore, #tpu.memory_space<semaphore_mem>>) src(%arg9 : memref<16384xf32, #tpu.memory_space<vmem>>) dst(%dma_wait3A_129 : memref<16384xf32, #tpu.memory_space<hbm>>)
    %add3A_130 = arith.constant 3 : i32
    %add3A_131 = arith.addi %mul3A_34, %add3A_130 : i32
    %mul3A_132 = arith.constant 16 : i32
    %mul3A_133 = arith.muli %add3A_131, %mul3A_132 : i32
    %scan3A_134 = arith.constant 0 : i32
    %scan3A_135 = arith.constant 128 : i32
    %scan3A_136 = arith.addi %scan3A_134, %scan3A_135 : i32
    %scan3A_137 = arith.constant 1 : i32
    scf.for %scan3A_175 = %scan3A_134 to %scan3A_136 step %scan3A_137  : i32 {
      %mul3A_176 = arith.constant 1 : i32
      %mul3A_177 = arith.muli %scan3A_175, %mul3A_176 : i32
      %add3A_178 = arith.constant 0 : i32
      %add3A_179 = arith.addi %add3A_178, %mul3A_177 : i32
      %mul3A_180 = arith.constant 8 : i32
      %mul3A_181 = arith.muli %add3A_179, %mul3A_180 : i32
      %add3A_182 = arith.constant 0 : i32
      %add3A_183 = arith.addi %mul3A_181, %add3A_182 : i32
      %mul3A_184 = arith.constant 16 : i32
      %mul3A_185 = arith.muli %add3A_183, %mul3A_184 : i32
      %get3A = arith.index_cast %mul3A_185 : i32 to index
      %get3A_186 = tpu.vector_load %arg6[%get3A] {strides = array<i32>} : memref<16384xi32, #tpu.memory_space<vmem>>, vector<16xi32>,
      %mul3A_187 = arith.constant 8 : i32
      %mul3A_188 = arith.muli %add3A_179, %mul3A_187 : i32
      %add3A_189 = arith.constant 1 : i32
      %add3A_190 = arith.addi %mul3A_188, %add3A_189 : i32
      %mul3A_191 = arith.constant 16 : i32
      %mul3A_192 = arith.muli %add3A_190, %mul3A_191 : i32
      %get3A_193 = arith.index_cast %mul3A_192 : i32 to index
      %get3A_194 = tpu.vector_load %arg6[%get3A_193] {strides = array<i32>} : memref<16384xi32, #tpu.memory_space<vmem>>, vector<16xi32>,
      %mul3A_195 = arith.constant 8 : i32
      %mul3A_196 = arith.muli %add3A_179, %mul3A_195 : i32
      %add3A_197 = arith.constant 2 : i32
      %add3A_198 = arith.addi %mul3A_196, %add3A_197 : i32
      %mul3A_199 = arith.constant 16 : i32
      %mul3A_200 = arith.muli %add3A_198, %mul3A_199 : i32
      %get3A_201 = arith.index_cast %mul3A_200 : i32 to index
      %get3A_202 = tpu.vector_load %arg6[%get3A_201] {strides = array<i32>} : memref<16384xi32, #tpu.memory_space<vmem>>, vector<16xi32>,
      %mul3A_203 = arith.constant 8 : i32
      %mul3A_204 = arith.muli %add3A_179, %mul3A_203 : i32
      %add3A_205 = arith.constant 3 : i32
      %add3A_206 = arith.addi %mul3A_204, %add3A_205 : i32
      %mul3A_207 = arith.constant 16 : i32
      %mul3A_208 = arith.muli %add3A_206, %mul3A_207 : i32
      %get3A_209 = arith.index_cast %mul3A_208 : i32 to index
      %get3A_210 = tpu.vector_load %arg6[%get3A_209] {strides = array<i32>} : memref<16384xi32, #tpu.memory_space<vmem>>, vector<16xi32>,
      %mul3A_211 = arith.constant 8 : i32
      %mul3A_212 = arith.muli %add3A_179, %mul3A_211 : i32
      %add3A_213 = arith.constant 4 : i32
      %add3A_214 = arith.addi %mul3A_212, %add3A_213 : i32
      %mul3A_215 = arith.constant 16 : i32
      %mul3A_216 = arith.muli %add3A_214, %mul3A_215 : i32
      %get3A_217 = arith.index_cast %mul3A_216 : i32 to index
      %get3A_218 = tpu.vector_load %arg6[%get3A_217] {strides = array<i32>} : memref<16384xi32, #tpu.memory_space<vmem>>, vector<16xi32>,
      %mul3A_219 = arith.constant 8 : i32
      %mul3A_220 = arith.muli %add3A_179, %mul3A_219 : i32
      %add3A_221 = arith.constant 5 : i32
      %add3A_222 = arith.addi %mul3A_220, %add3A_221 : i32
      %mul3A_223 = arith.constant 16 : i32
      %mul3A_224 = arith.muli %add3A_222, %mul3A_223 : i32
      %get3A_225 = arith.index_cast %mul3A_224 : i32 to index
      %get3A_226 = tpu.vector_load %arg6[%get3A_225] {strides = array<i32>} : memref<16384xi32, #tpu.memory_space<vmem>>, vector<16xi32>,
      %mul3A_227 = arith.constant 8 : i32
      %mul3A_228 = arith.muli %add3A_179, %mul3A_227 : i32
      %add3A_229 = arith.constant 6 : i32
      %add3A_230 = arith.addi %mul3A_228, %add3A_229 : i32
      %mul3A_231 = arith.constant 16 : i32
      %mul3A_232 = arith.muli %add3A_230, %mul3A_231 : i32
      %get3A_233 = arith.index_cast %mul3A_232 : i32 to index
      %get3A_234 = tpu.vector_load %arg6[%get3A_233] {strides = array<i32>} : memref<16384xi32, #tpu.memory_space<vmem>>, vector<16xi32>,
      %mul3A_235 = arith.constant 8 : i32
      %mul3A_236 = arith.muli %add3A_179, %mul3A_235 : i32
      %add3A_237 = arith.constant 7 : i32
      %add3A_238 = arith.addi %mul3A_236, %add3A_237 : i32
      %mul3A_239 = arith.constant 16 : i32
      %mul3A_240 = arith.muli %add3A_238, %mul3A_239 : i32
      %get3A_241 = arith.index_cast %mul3A_240 : i32 to index
      %get3A_242 = tpu.vector_load %arg6[%get3A_241] {strides = array<i32>} : memref<16384xi32, #tpu.memory_space<vmem>>, vector<16xi32>,
      %add3A_243 = vector.broadcast %mul3A_133 : i32 to vector<16xi32>
      %add3A_244 = arith.addi %get3A_186, %add3A_243 : vector<16xi32>
      %gather3A = tpu.vector_load_idx %arg5[%add3A_244] : memref<256xf32, #tpu.memory_space<vmem>>[vector<16xi32>], vector<16xf32>,
      %add3A_245 = vector.broadcast %mul3A_133 : i32 to vector<16xi32>
      %add3A_246 = arith.addi %get3A_194, %add3A_245 : vector<16xi32>
      %gather3A_247 = tpu.vector_load_idx %arg5[%add3A_246] : memref<256xf32, #tpu.memory_space<vmem>>[vector<16xi32>], vector<16xf32>,
      %add3A_248 = vector.broadcast %mul3A_133 : i32 to vector<16xi32>
      %add3A_249 = arith.addi %get3A_202, %add3A_248 : vector<16xi32>
      %gather3A_250 = tpu.vector_load_idx %arg5[%add3A_249] : memref<256xf32, #tpu.memory_space<vmem>>[vector<16xi32>], vector<16xf32>,
      %add3A_251 = vector.broadcast %mul3A_133 : i32 to vector<16xi32>
      %add3A_252 = arith.addi %get3A_210, %add3A_251 : vector<16xi32>
      %gather3A_253 = tpu.vector_load_idx %arg5[%add3A_252] : memref<256xf32, #tpu.memory_space<vmem>>[vector<16xi32>], vector<16xf32>,
      %add3A_254 = vector.broadcast %mul3A_133 : i32 to vector<16xi32>
      %add3A_255 = arith.addi %get3A_218, %add3A_254 : vector<16xi32>
      %gather3A_256 = tpu.vector_load_idx %arg5[%add3A_255] : memref<256xf32, #tpu.memory_space<vmem>>[vector<16xi32>], vector<16xf32>,
      %add3A_257 = vector.broadcast %mul3A_133 : i32 to vector<16xi32>
      %add3A_258 = arith.addi %get3A_226, %add3A_257 : vector<16xi32>
      %gather3A_259 = tpu.vector_load_idx %arg5[%add3A_258] : memref<256xf32, #tpu.memory_space<vmem>>[vector<16xi32>], vector<16xf32>,
      %add3A_260 = vector.broadcast %mul3A_133 : i32 to vector<16xi32>
      %add3A_261 = arith.addi %get3A_234, %add3A_260 : vector<16xi32>
      %gather3A_262 = tpu.vector_load_idx %arg5[%add3A_261] : memref<256xf32, #tpu.memory_space<vmem>>[vector<16xi32>], vector<16xf32>,
      %add3A_263 = vector.broadcast %mul3A_133 : i32 to vector<16xi32>
      %add3A_264 = arith.addi %get3A_242, %add3A_263 : vector<16xi32>
      %gather3A_265 = tpu.vector_load_idx %arg5[%add3A_264] : memref<256xf32, #tpu.memory_space<vmem>>[vector<16xi32>], vector<16xf32>,
      %mul3A_266 = arith.constant 8 : i32
      %mul3A_267 = arith.muli %add3A_179, %mul3A_266 : i32
      %add3A_268 = arith.constant 0 : i32
      %add3A_269 = arith.addi %mul3A_267, %add3A_268 : i32
      %mul3A_270 = arith.constant 16 : i32
      %mul3A_271 = arith.muli %add3A_269, %mul3A_270 : i32
      %swap3A = arith.index_cast %mul3A_271 : i32 to index
      %swap3A_272 = tpu.vector_load %arg9[%swap3A] {strides = array<i32>} : memref<16384xf32, #tpu.memory_space<vmem>>, vector<16xf32>,
      tpu.vector_store %arg9[%swap3A], %gather3A {strides = array<i32>} : memref<16384xf32, #tpu.memory_space<vmem>>, vector<16xf32>,
      %mul3A_273 = arith.constant 8 : i32
      %mul3A_274 = arith.muli %add3A_179, %mul3A_273 : i32
      %add3A_275 = arith.constant 1 : i32
      %add3A_276 = arith.addi %mul3A_274, %add3A_275 : i32
      %mul3A_277 = arith.constant 16 : i32
      %mul3A_278 = arith.muli %add3A_276, %mul3A_277 : i32
      %swap3A_279 = arith.index_cast %mul3A_278 : i32 to index
      %swap3A_280 = tpu.vector_load %arg9[%swap3A_279] {strides = array<i32>} : memref<16384xf32, #tpu.memory_space<vmem>>, vector<16xf32>,
      tpu.vector_store %arg9[%swap3A_279], %gather3A_247 {strides = array<i32>} : memref<16384xf32, #tpu.memory_space<vmem>>, vector<16xf32>,
      %mul3A_281 = arith.constant 8 : i32
      %mul3A_282 = arith.muli %add3A_179, %mul3A_281 : i32
      %add3A_283 = arith.constant 2 : i32
      %add3A_284 = arith.addi %mul3A_282, %add3A_283 : i32
      %mul3A_285 = arith.constant 16 : i32
      %mul3A_286 = arith.muli %add3A_284, %mul3A_285 : i32
      %swap3A_287 = arith.index_cast %mul3A_286 : i32 to index
      %swap3A_288 = tpu.vector_load %arg9[%swap3A_287] {strides = array<i32>} : memref<16384xf32, #tpu.memory_space<vmem>>, vector<16xf32>,
      tpu.vector_store %arg9[%swap3A_287], %gather3A_250 {strides = array<i32>} : memref<16384xf32, #tpu.memory_space<vmem>>, vector<16xf32>,
      %mul3A_289 = arith.constant 8 : i32
      %mul3A_290 = arith.muli %add3A_179, %mul3A_289 : i32
      %add3A_291 = arith.constant 3 : i32
      %add3A_292 = arith.addi %mul3A_290, %add3A_291 : i32
      %mul3A_293 = arith.constant 16 : i32
      %mul3A_294 = arith.muli %add3A_292, %mul3A_293 : i32
      %swap3A_295 = arith.index_cast %mul3A_294 : i32 to index
      %swap3A_296 = tpu.vector_load %arg9[%swap3A_295] {strides = array<i32>} : memref<16384xf32, #tpu.memory_space<vmem>>, vector<16xf32>,
      tpu.vector_store %arg9[%swap3A_295], %gather3A_253 {strides = array<i32>} : memref<16384xf32, #tpu.memory_space<vmem>>, vector<16xf32>,
      %mul3A_297 = arith.constant 8 : i32
      %mul3A_298 = arith.muli %add3A_179, %mul3A_297 : i32
      %add3A_299 = arith.constant 4 : i32
      %add3A_300 = arith.addi %mul3A_298, %add3A_299 : i32
      %mul3A_301 = arith.constant 16 : i32
      %mul3A_302 = arith.muli %add3A_300, %mul3A_301 : i32
      %swap3A_303 = arith.index_cast %mul3A_302 : i32 to index
      %swap3A_304 = tpu.vector_load %arg9[%swap3A_303] {strides = array<i32>} : memref<16384xf32, #tpu.memory_space<vmem>>, vector<16xf32>,
      tpu.vector_store %arg9[%swap3A_303], %gather3A_256 {strides = array<i32>} : memref<16384xf32, #tpu.memory_space<vmem>>, vector<16xf32>,
      %mul3A_305 = arith.constant 8 : i32
      %mul3A_306 = arith.muli %add3A_179, %mul3A_305 : i32
      %add3A_307 = arith.constant 5 : i32
      %add3A_308 = arith.addi %mul3A_306, %add3A_307 : i32
      %mul3A_309 = arith.constant 16 : i32
      %mul3A_310 = arith.muli %add3A_308, %mul3A_309 : i32
      %swap3A_311 = arith.index_cast %mul3A_310 : i32 to index
      %swap3A_312 = tpu.vector_load %arg9[%swap3A_311] {strides = array<i32>} : memref<16384xf32, #tpu.memory_space<vmem>>, vector<16xf32>,
      tpu.vector_store %arg9[%swap3A_311], %gather3A_259 {strides = array<i32>} : memref<16384xf32, #tpu.memory_space<vmem>>, vector<16xf32>,
      %mul3A_313 = arith.constant 8 : i32
      %mul3A_314 = arith.muli %add3A_179, %mul3A_313 : i32
      %add3A_315 = arith.constant 6 : i32
      %add3A_316 = arith.addi %mul3A_314, %add3A_315 : i32
      %mul3A_317 = arith.constant 16 : i32
      %mul3A_318 = arith.muli %add3A_316, %mul3A_317 : i32
      %swap3A_319 = arith.index_cast %mul3A_318 : i32 to index
      %swap3A_320 = tpu.vector_load %arg9[%swap3A_319] {strides = array<i32>} : memref<16384xf32, #tpu.memory_space<vmem>>, vector<16xf32>,
      tpu.vector_store %arg9[%swap3A_319], %gather3A_262 {strides = array<i32>} : memref<16384xf32, #tpu.memory_space<vmem>>, vector<16xf32>,
      %mul3A_321 = arith.constant 8 : i32
      %mul3A_322 = arith.muli %add3A_179, %mul3A_321 : i32
      %add3A_323 = arith.constant 7 : i32
      %add3A_324 = arith.addi %mul3A_322, %add3A_323 : i32
      %mul3A_325 = arith.constant 16 : i32
      %mul3A_326 = arith.muli %add3A_324, %mul3A_325 : i32
      %swap3A_327 = arith.index_cast %mul3A_326 : i32 to index
      %swap3A_328 = tpu.vector_load %arg9[%swap3A_327] {strides = array<i32>} : memref<16384xf32, #tpu.memory_space<vmem>>, vector<16xf32>,
      tpu.vector_store %arg9[%swap3A_327], %gather3A_265 {strides = array<i32>} : memref<16384xf32, #tpu.memory_space<vmem>>, vector<16xf32>,
    }
    %scan3A_138 = arith.constant 128 : i32
    %mul3A_139 = arith.constant 16 : i32
    %mul3A_140 = arith.muli %mul3A_18, %mul3A_139 : i32
    %add3A_141 = arith.addi %mul3A_140, %mul3A_34 : i32
    %add3A_142 = arith.constant 3 : i32
    %add3A_143 = arith.addi %add3A_141, %add3A_142 : i32
    %dma_start3A_144 = arith.constant 0 : i32
    %dma_start3A_145 = tpu.memref_slice %arg4[%add3A_143, %dma_start3A_144] : memref<3200x16384xf32, #tpu.memory_space<hbm>> -> memref<1x16384xf32, #tpu.memory_space<hbm>>
    %dma_start3A_146 = tpu.memref_squeeze %dma_start3A_145 : memref<1x16384xf32, #tpu.memory_space<hbm>> -> memref<16384xf32, #tpu.memory_space<hbm>>
    %dma_start3A_147 = arith.constant 0 : i32
    %dma_start3A_148 = tpu.memref_slice %arg4[%add3A_143, %dma_start3A_147] : memref<3200x16384xf32, #tpu.memory_space<hbm>> -> memref<1x16384xf32, #tpu.memory_space<hbm>>
    %dma_start3A_149 = tpu.memref_squeeze %dma_start3A_148 : memref<1x16384xf32, #tpu.memory_space<hbm>> -> memref<16384xf32, #tpu.memory_space<hbm>>
    tpu.enqueue_dma source(%arg9 : memref<16384xf32, #tpu.memory_space<vmem>>) target(%dma_start3A_149 : memref<16384xf32, #tpu.memory_space<hbm>>) target_semaphore(%arg13 : memref<!tpu.dma_semaphore, #tpu.memory_space<semaphore_mem>>)
    %scan3A_150 = arith.constant 0 : i32
    %scan3A_151 = arith.constant 12 : i32
    %scan3A_152 = arith.addi %scan3A_150, %scan3A_151 : i32
    %scan3A_153 = arith.constant 1 : i32
    scf.for %scan3A_175 = %scan3A_150 to %scan3A_152 step %scan3A_153  : i32 {
      %mul3A_176 = arith.constant 1 : i32
      %mul3A_177 = arith.muli %scan3A_175, %mul3A_176 : i32
      %add3A_178 = arith.constant 0 : i32
      %add3A_179 = arith.addi %add3A_178, %mul3A_177 : i32
      %add3A_180 = arith.constant 1 : i32
      %add3A_181 = arith.addi %mul3A_18, %add3A_180 : i32
      %mul3A_182 = arith.constant 2 : i32
      %mul3A_183 = arith.muli %mul3A_182, %add3A_179 : i32
      %add3A_184 = arith.addi %add3A_181, %mul3A_183 : i32
      %dma_wait3A_185 = arith.constant 0 : i32
      %dma_wait3A_186 = tpu.memref_slice %arg3[%mul3A_18, %dma_wait3A_185] : memref<200x16384xi32, #tpu.memory_space<hbm>> -> memref<1x16384xi32, #tpu.memory_space<hbm>>
      %dma_wait3A_187 = tpu.memref_squeeze %dma_wait3A_186 : memref<1x16384xi32, #tpu.memory_space<hbm>> -> memref<16384xi32, #tpu.memory_space<hbm>>
      %dma_wait3A_188 = arith.constant 0 : i32
      %dma_wait3A_189 = tpu.memref_slice %arg3[%mul3A_18, %dma_wait3A_188] : memref<200x16384xi32, #tpu.memory_space<hbm>> -> memref<1x16384xi32, #tpu.memory_space<hbm>>
      %dma_wait3A_190 = tpu.memref_squeeze %dma_wait3A_189 : memref<1x16384xi32, #tpu.memory_space<hbm>> -> memref<16384xi32, #tpu.memory_space<hbm>>
      tpu.wait_dma2 semaphore(%arg11 : memref<!tpu.dma_semaphore, #tpu.memory_space<semaphore_mem>>) src(%dma_wait3A_190 : memref<16384xi32, #tpu.memory_space<hbm>>) dst(%arg7 : memref<16384xi32, #tpu.memory_space<vmem>>)
      %add3A_191 = arith.constant 1 : i32
      %add3A_192 = arith.addi %add3A_184, %add3A_191 : i32
      %dma_start3A_193 = arith.constant 0 : i32
      %dma_start3A_194 = tpu.memref_slice %arg3[%add3A_192, %dma_start3A_193] : memref<200x16384xi32, #tpu.memory_space<hbm>> -> memref<1x16384xi32, #tpu.memory_space<hbm>>
      %dma_start3A_195 = tpu.memref_squeeze %dma_start3A_194 : memref<1x16384xi32, #tpu.memory_space<hbm>> -> memref<16384xi32, #tpu.memory_space<hbm>>
      %dma_start3A_196 = arith.constant 0 : i32
      %dma_start3A_197 = tpu.memref_slice %arg3[%add3A_192, %dma_start3A_196] : memref<200x16384xi32, #tpu.memory_space<hbm>> -> memref<1x16384xi32, #tpu.memory_space<hbm>>
      %dma_start3A_198 = tpu.memref_squeeze %dma_start3A_197 : memref<1x16384xi32, #tpu.memory_space<hbm>> -> memref<16384xi32, #tpu.memory_space<hbm>>
      tpu.enqueue_dma source(%dma_start3A_198 : memref<16384xi32, #tpu.memory_space<hbm>>) target(%arg6 : memref<16384xi32, #tpu.memory_space<vmem>>) target_semaphore(%arg10 : memref<!tpu.dma_semaphore, #tpu.memory_space<semaphore_mem>>)
      %dma_wait3A_199 = arith.constant 0 : i32
      %dma_wait3A_200 = arith.constant 0 : i32
      %dma_wait3A_201 = tpu.memref_slice %arg4[%dma_wait3A_199, %dma_wait3A_200] : memref<3200x16384xf32, #tpu.memory_space<hbm>> -> memref<1x16384xf32, #tpu.memory_space<hbm>>
      %dma_wait3A_202 = tpu.memref_squeeze %dma_wait3A_201 : memref<1x16384xf32, #tpu.memory_space<hbm>> -> memref<16384xf32, #tpu.memory_space<hbm>>
      %dma_wait3A_203 = arith.constant 0 : i32
      %dma_wait3A_204 = tpu.memref_slice %arg4[%dma_wait3A_199, %dma_wait3A_203] : memref<3200x16384xf32, #tpu.memory_space<hbm>> -> memref<1x16384xf32, #tpu.memory_space<hbm>>
      %dma_wait3A_205 = tpu.memref_squeeze %dma_wait3A_204 : memref<1x16384xf32, #tpu.memory_space<hbm>> -> memref<16384xf32, #tpu.memory_space<hbm>>
      tpu.wait_dma2 semaphore(%arg12 : memref<!tpu.dma_semaphore, #tpu.memory_space<semaphore_mem>>) src(%arg8 : memref<16384xf32, #tpu.memory_space<vmem>>) dst(%dma_wait3A_205 : memref<16384xf32, #tpu.memory_space<hbm>>)
      %add3A_206 = arith.constant 0 : i32
      %add3A_207 = arith.addi %mul3A_34, %add3A_206 : i32
      %mul3A_208 = arith.constant 16 : i32
      %mul3A_209 = arith.muli %add3A_207, %mul3A_208 : i32
      %scan3A_210 = arith.constant 0 : i32
      %scan3A_211 = arith.constant 128 : i32
      %scan3A_212 = arith.addi %scan3A_210, %scan3A_211 : i32
      %scan3A_213 = arith.constant 1 : i32
      scf.for %scan3A_431 = %scan3A_210 to %scan3A_212 step %scan3A_213  : i32 {
        %mul3A_432 = arith.constant 1 : i32
        %mul3A_433 = arith.muli %scan3A_431, %mul3A_432 : i32
        %add3A_434 = arith.constant 0 : i32
        %add3A_435 = arith.addi %add3A_434, %mul3A_433 : i32
        %mul3A_436 = arith.constant 8 : i32
        %mul3A_437 = arith.muli %add3A_435, %mul3A_436 : i32
        %add3A_438 = arith.constant 0 : i32
        %add3A_439 = arith.addi %mul3A_437, %add3A_438 : i32
        %mul3A_440 = arith.constant 16 : i32
        %mul3A_441 = arith.muli %add3A_439, %mul3A_440 : i32
        %get3A = arith.index_cast %mul3A_441 : i32 to index
        %get3A_442 = tpu.vector_load %arg7[%get3A] {strides = array<i32>} : memref<16384xi32, #tpu.memory_space<vmem>>, vector<16xi32>,
        %mul3A_443 = arith.constant 8 : i32
        %mul3A_444 = arith.muli %add3A_435, %mul3A_443 : i32
        %add3A_445 = arith.constant 1 : i32
        %add3A_446 = arith.addi %mul3A_444, %add3A_445 : i32
        %mul3A_447 = arith.constant 16 : i32
        %mul3A_448 = arith.muli %add3A_446, %mul3A_447 : i32
        %get3A_449 = arith.index_cast %mul3A_448 : i32 to index
        %get3A_450 = tpu.vector_load %arg7[%get3A_449] {strides = array<i32>} : memref<16384xi32, #tpu.memory_space<vmem>>, vector<16xi32>,
        %mul3A_451 = arith.constant 8 : i32
        %mul3A_452 = arith.muli %add3A_435, %mul3A_451 : i32
        %add3A_453 = arith.constant 2 : i32
        %add3A_454 = arith.addi %mul3A_452, %add3A_453 : i32
        %mul3A_455 = arith.constant 16 : i32
        %mul3A_456 = arith.muli %add3A_454, %mul3A_455 : i32
        %get3A_457 = arith.index_cast %mul3A_456 : i32 to index
        %get3A_458 = tpu.vector_load %arg7[%get3A_457] {strides = array<i32>} : memref<16384xi32, #tpu.memory_space<vmem>>, vector<16xi32>,
        %mul3A_459 = arith.constant 8 : i32
        %mul3A_460 = arith.muli %add3A_435, %mul3A_459 : i32
        %add3A_461 = arith.constant 3 : i32
        %add3A_462 = arith.addi %mul3A_460, %add3A_461 : i32
        %mul3A_463 = arith.constant 16 : i32
        %mul3A_464 = arith.muli %add3A_462, %mul3A_463 : i32
        %get3A_465 = arith.index_cast %mul3A_464 : i32 to index
        %get3A_466 = tpu.vector_load %arg7[%get3A_465] {strides = array<i32>} : memref<16384xi32, #tpu.memory_space<vmem>>, vector<16xi32>,
        %mul3A_467 = arith.constant 8 : i32
        %mul3A_468 = arith.muli %add3A_435, %mul3A_467 : i32
        %add3A_469 = arith.constant 4 : i32
        %add3A_470 = arith.addi %mul3A_468, %add3A_469 : i32
        %mul3A_471 = arith.constant 16 : i32
        %mul3A_472 = arith.muli %add3A_470, %mul3A_471 : i32
        %get3A_473 = arith.index_cast %mul3A_472 : i32 to index
        %get3A_474 = tpu.vector_load %arg7[%get3A_473] {strides = array<i32>} : memref<16384xi32, #tpu.memory_space<vmem>>, vector<16xi32>,
        %mul3A_475 = arith.constant 8 : i32
        %mul3A_476 = arith.muli %add3A_435, %mul3A_475 : i32
        %add3A_477 = arith.constant 5 : i32
        %add3A_478 = arith.addi %mul3A_476, %add3A_477 : i32
        %mul3A_479 = arith.constant 16 : i32
        %mul3A_480 = arith.muli %add3A_478, %mul3A_479 : i32
        %get3A_481 = arith.index_cast %mul3A_480 : i32 to index
        %get3A_482 = tpu.vector_load %arg7[%get3A_481] {strides = array<i32>} : memref<16384xi32, #tpu.memory_space<vmem>>, vector<16xi32>,
        %mul3A_483 = arith.constant 8 : i32
        %mul3A_484 = arith.muli %add3A_435, %mul3A_483 : i32
        %add3A_485 = arith.constant 6 : i32
        %add3A_486 = arith.addi %mul3A_484, %add3A_485 : i32
        %mul3A_487 = arith.constant 16 : i32
        %mul3A_488 = arith.muli %add3A_486, %mul3A_487 : i32
        %get3A_489 = arith.index_cast %mul3A_488 : i32 to index
        %get3A_490 = tpu.vector_load %arg7[%get3A_489] {strides = array<i32>} : memref<16384xi32, #tpu.memory_space<vmem>>, vector<16xi32>,
        %mul3A_491 = arith.constant 8 : i32
        %mul3A_492 = arith.muli %add3A_435, %mul3A_491 : i32
        %add3A_493 = arith.constant 7 : i32
        %add3A_494 = arith.addi %mul3A_492, %add3A_493 : i32
        %mul3A_495 = arith.constant 16 : i32
        %mul3A_496 = arith.muli %add3A_494, %mul3A_495 : i32
        %get3A_497 = arith.index_cast %mul3A_496 : i32 to index
        %get3A_498 = tpu.vector_load %arg7[%get3A_497] {strides = array<i32>} : memref<16384xi32, #tpu.memory_space<vmem>>, vector<16xi32>,
        %add3A_499 = vector.broadcast %mul3A_209 : i32 to vector<16xi32>
        %add3A_500 = arith.addi %get3A_442, %add3A_499 : vector<16xi32>
        %gather3A = tpu.vector_load_idx %arg5[%add3A_500] : memref<256xf32, #tpu.memory_space<vmem>>[vector<16xi32>], vector<16xf32>,
        %add3A_501 = vector.broadcast %mul3A_209 : i32 to vector<16xi32>
        %add3A_502 = arith.addi %get3A_450, %add3A_501 : vector<16xi32>
        %gather3A_503 = tpu.vector_load_idx %arg5[%add3A_502] : memref<256xf32, #tpu.memory_space<vmem>>[vector<16xi32>], vector<16xf32>,
        %add3A_504 = vector.broadcast %mul3A_209 : i32 to vector<16xi32>
        %add3A_505 = arith.addi %get3A_458, %add3A_504 : vector<16xi32>
        %gather3A_506 = tpu.vector_load_idx %arg5[%add3A_505] : memref<256xf32, #tpu.memory_space<vmem>>[vector<16xi32>], vector<16xf32>,
        %add3A_507 = vector.broadcast %mul3A_209 : i32 to vector<16xi32>
        %add3A_508 = arith.addi %get3A_466, %add3A_507 : vector<16xi32>
        %gather3A_509 = tpu.vector_load_idx %arg5[%add3A_508] : memref<256xf32, #tpu.memory_space<vmem>>[vector<16xi32>], vector<16xf32>,
        %add3A_510 = vector.broadcast %mul3A_209 : i32 to vector<16xi32>
        %add3A_511 = arith.addi %get3A_474, %add3A_510 : vector<16xi32>
        %gather3A_512 = tpu.vector_load_idx %arg5[%add3A_511] : memref<256xf32, #tpu.memory_space<vmem>>[vector<16xi32>], vector<16xf32>,
        %add3A_513 = vector.broadcast %mul3A_209 : i32 to vector<16xi32>
        %add3A_514 = arith.addi %get3A_482, %add3A_513 : vector<16xi32>
        %gather3A_515 = tpu.vector_load_idx %arg5[%add3A_514] : memref<256xf32, #tpu.memory_space<vmem>>[vector<16xi32>], vector<16xf32>,
        %add3A_516 = vector.broadcast %mul3A_209 : i32 to vector<16xi32>
        %add3A_517 = arith.addi %get3A_490, %add3A_516 : vector<16xi32>
        %gather3A_518 = tpu.vector_load_idx %arg5[%add3A_517] : memref<256xf32, #tpu.memory_space<vmem>>[vector<16xi32>], vector<16xf32>,
        %add3A_519 = vector.broadcast %mul3A_209 : i32 to vector<16xi32>
        %add3A_520 = arith.addi %get3A_498, %add3A_519 : vector<16xi32>
        %gather3A_521 = tpu.vector_load_idx %arg5[%add3A_520] : memref<256xf32, #tpu.memory_space<vmem>>[vector<16xi32>], vector<16xf32>,
        %mul3A_522 = arith.constant 8 : i32
        %mul3A_523 = arith.muli %add3A_435, %mul3A_522 : i32
        %add3A_524 = arith.constant 0 : i32
        %add3A_525 = arith.addi %mul3A_523, %add3A_524 : i32
        %mul3A_526 = arith.constant 16 : i32
        %mul3A_527 = arith.muli %add3A_525, %mul3A_526 : i32
        %swap3A = arith.index_cast %mul3A_527 : i32 to index
        %swap3A_528 = tpu.vector_load %arg8[%swap3A] {strides = array<i32>} : memref<16384xf32, #tpu.memory_space<vmem>>, vector<16xf32>,
        tpu.vector_store %arg8[%swap3A], %gather3A {strides = array<i32>} : memref<16384xf32, #tpu.memory_space<vmem>>, vector<16xf32>,
        %mul3A_529 = arith.constant 8 : i32
        %mul3A_530 = arith.muli %add3A_435, %mul3A_529 : i32
        %add3A_531 = arith.constant 1 : i32
        %add3A_532 = arith.addi %mul3A_530, %add3A_531 : i32
        %mul3A_533 = arith.constant 16 : i32
        %mul3A_534 = arith.muli %add3A_532, %mul3A_533 : i32
        %swap3A_535 = arith.index_cast %mul3A_534 : i32 to index
        %swap3A_536 = tpu.vector_load %arg8[%swap3A_535] {strides = array<i32>} : memref<16384xf32, #tpu.memory_space<vmem>>, vector<16xf32>,
        tpu.vector_store %arg8[%swap3A_535], %gather3A_503 {strides = array<i32>} : memref<16384xf32, #tpu.memory_space<vmem>>, vector<16xf32>,
        %mul3A_537 = arith.constant 8 : i32
        %mul3A_538 = arith.muli %add3A_435, %mul3A_537 : i32
        %add3A_539 = arith.constant 2 : i32
        %add3A_540 = arith.addi %mul3A_538, %add3A_539 : i32
        %mul3A_541 = arith.constant 16 : i32
        %mul3A_542 = arith.muli %add3A_540, %mul3A_541 : i32
        %swap3A_543 = arith.index_cast %mul3A_542 : i32 to index
        %swap3A_544 = tpu.vector_load %arg8[%swap3A_543] {strides = array<i32>} : memref<16384xf32, #tpu.memory_space<vmem>>, vector<16xf32>,
        tpu.vector_store %arg8[%swap3A_543], %gather3A_506 {strides = array<i32>} : memref<16384xf32, #tpu.memory_space<vmem>>, vector<16xf32>,
        %mul3A_545 = arith.constant 8 : i32
        %mul3A_546 = arith.muli %add3A_435, %mul3A_545 : i32
        %add3A_547 = arith.constant 3 : i32
        %add3A_548 = arith.addi %mul3A_546, %add3A_547 : i32
        %mul3A_549 = arith.constant 16 : i32
        %mul3A_550 = arith.muli %add3A_548, %mul3A_549 : i32
        %swap3A_551 = arith.index_cast %mul3A_550 : i32 to index
        %swap3A_552 = tpu.vector_load %arg8[%swap3A_551] {strides = array<i32>} : memref<16384xf32, #tpu.memory_space<vmem>>, vector<16xf32>,
        tpu.vector_store %arg8[%swap3A_551], %gather3A_509 {strides = array<i32>} : memref<16384xf32, #tpu.memory_space<vmem>>, vector<16xf32>,
        %mul3A_553 = arith.constant 8 : i32
        %mul3A_554 = arith.muli %add3A_435, %mul3A_553 : i32
        %add3A_555 = arith.constant 4 : i32
        %add3A_556 = arith.addi %mul3A_554, %add3A_555 : i32
        %mul3A_557 = arith.constant 16 : i32
        %mul3A_558 = arith.muli %add3A_556, %mul3A_557 : i32
        %swap3A_559 = arith.index_cast %mul3A_558 : i32 to index
        %swap3A_560 = tpu.vector_load %arg8[%swap3A_559] {strides = array<i32>} : memref<16384xf32, #tpu.memory_space<vmem>>, vector<16xf32>,
        tpu.vector_store %arg8[%swap3A_559], %gather3A_512 {strides = array<i32>} : memref<16384xf32, #tpu.memory_space<vmem>>, vector<16xf32>,
        %mul3A_561 = arith.constant 8 : i32
        %mul3A_562 = arith.muli %add3A_435, %mul3A_561 : i32
        %add3A_563 = arith.constant 5 : i32
        %add3A_564 = arith.addi %mul3A_562, %add3A_563 : i32
        %mul3A_565 = arith.constant 16 : i32
        %mul3A_566 = arith.muli %add3A_564, %mul3A_565 : i32
        %swap3A_567 = arith.index_cast %mul3A_566 : i32 to index
        %swap3A_568 = tpu.vector_load %arg8[%swap3A_567] {strides = array<i32>} : memref<16384xf32, #tpu.memory_space<vmem>>, vector<16xf32>,
        tpu.vector_store %arg8[%swap3A_567], %gather3A_515 {strides = array<i32>} : memref<16384xf32, #tpu.memory_space<vmem>>, vector<16xf32>,
        %mul3A_569 = arith.constant 8 : i32
        %mul3A_570 = arith.muli %add3A_435, %mul3A_569 : i32
        %add3A_571 = arith.constant 6 : i32
        %add3A_572 = arith.addi %mul3A_570, %add3A_571 : i32
        %mul3A_573 = arith.constant 16 : i32
        %mul3A_574 = arith.muli %add3A_572, %mul3A_573 : i32
        %swap3A_575 = arith.index_cast %mul3A_574 : i32 to index
        %swap3A_576 = tpu.vector_load %arg8[%swap3A_575] {strides = array<i32>} : memref<16384xf32, #tpu.memory_space<vmem>>, vector<16xf32>,
        tpu.vector_store %arg8[%swap3A_575], %gather3A_518 {strides = array<i32>} : memref<16384xf32, #tpu.memory_space<vmem>>, vector<16xf32>,
        %mul3A_577 = arith.constant 8 : i32
        %mul3A_578 = arith.muli %add3A_435, %mul3A_577 : i32
        %add3A_579 = arith.constant 7 : i32
        %add3A_580 = arith.addi %mul3A_578, %add3A_579 : i32
        %mul3A_581 = arith.constant 16 : i32
        %mul3A_582 = arith.muli %add3A_580, %mul3A_581 : i32
        %swap3A_583 = arith.index_cast %mul3A_582 : i32 to index
        %swap3A_584 = tpu.vector_load %arg8[%swap3A_583] {strides = array<i32>} : memref<16384xf32, #tpu.memory_space<vmem>>, vector<16xf32>,
        tpu.vector_store %arg8[%swap3A_583], %gather3A_521 {strides = array<i32>} : memref<16384xf32, #tpu.memory_space<vmem>>, vector<16xf32>,
      }
      %scan3A_214 = arith.constant 128 : i32
      %mul3A_215 = arith.constant 16 : i32
      %mul3A_216 = arith.muli %add3A_184, %mul3A_215 : i32
      %add3A_217 = arith.addi %mul3A_216, %mul3A_34 : i32
      %add3A_218 = arith.constant 0 : i32
      %add3A_219 = arith.addi %add3A_217, %add3A_218 : i32
      %dma_start3A_220 = arith.constant 0 : i32
      %dma_start3A_221 = tpu.memref_slice %arg4[%add3A_219, %dma_start3A_220] : memref<3200x16384xf32, #tpu.memory_space<hbm>> -> memref<1x16384xf32, #tpu.memory_space<hbm>>
      %dma_start3A_222 = tpu.memref_squeeze %dma_start3A_221 : memref<1x16384xf32, #tpu.memory_space<hbm>> -> memref<16384xf32, #tpu.memory_space<hbm>>
      %dma_start3A_223 = arith.constant 0 : i32
      %dma_start3A_224 = tpu.memref_slice %arg4[%add3A_219, %dma_start3A_223] : memref<3200x16384xf32, #tpu.memory_space<hbm>> -> memref<1x16384xf32, #tpu.memory_space<hbm>>
      %dma_start3A_225 = tpu.memref_squeeze %dma_start3A_224 : memref<1x16384xf32, #tpu.memory_space<hbm>> -> memref<16384xf32, #tpu.memory_space<hbm>>
      tpu.enqueue_dma source(%arg8 : memref<16384xf32, #tpu.memory_space<vmem>>) target(%dma_start3A_225 : memref<16384xf32, #tpu.memory_space<hbm>>) target_semaphore(%arg12 : memref<!tpu.dma_semaphore, #tpu.memory_space<semaphore_mem>>)
      %dma_wait3A_226 = arith.constant 0 : i32
      %dma_wait3A_227 = arith.constant 0 : i32
      %dma_wait3A_228 = tpu.memref_slice %arg4[%dma_wait3A_226, %dma_wait3A_227] : memref<3200x16384xf32, #tpu.memory_space<hbm>> -> memref<1x16384xf32, #tpu.memory_space<hbm>>
      %dma_wait3A_229 = tpu.memref_squeeze %dma_wait3A_228 : memref<1x16384xf32, #tpu.memory_space<hbm>> -> memref<16384xf32, #tpu.memory_space<hbm>>
      %dma_wait3A_230 = arith.constant 0 : i32
      %dma_wait3A_231 = tpu.memref_slice %arg4[%dma_wait3A_226, %dma_wait3A_230] : memref<3200x16384xf32, #tpu.memory_space<hbm>> -> memref<1x16384xf32, #tpu.memory_space<hbm>>
      %dma_wait3A_232 = tpu.memref_squeeze %dma_wait3A_231 : memref<1x16384xf32, #tpu.memory_space<hbm>> -> memref<16384xf32, #tpu.memory_space<hbm>>
      tpu.wait_dma2 semaphore(%arg13 : memref<!tpu.dma_semaphore, #tpu.memory_space<semaphore_mem>>) src(%arg9 : memref<16384xf32, #tpu.memory_space<vmem>>) dst(%dma_wait3A_232 : memref<16384xf32, #tpu.memory_space<hbm>>)
      %add3A_233 = arith.constant 1 : i32
      %add3A_234 = arith.addi %mul3A_34, %add3A_233 : i32
      %mul3A_235 = arith.constant 16 : i32
      %mul3A_236 = arith.muli %add3A_234, %mul3A_235 : i32
      %scan3A_237 = arith.constant 0 : i32
      %scan3A_238 = arith.constant 128 : i32
      %scan3A_239 = arith.addi %scan3A_237, %scan3A_238 : i32
      %scan3A_240 = arith.constant 1 : i32
      scf.for %scan3A_431 = %scan3A_237 to %scan3A_239 step %scan3A_240  : i32 {
        %mul3A_432 = arith.constant 1 : i32
        %mul3A_433 = arith.muli %scan3A_431, %mul3A_432 : i32
        %add3A_434 = arith.constant 0 : i32
        %add3A_435 = arith.addi %add3A_434, %mul3A_433 : i32
        %mul3A_436 = arith.constant 8 : i32
        %mul3A_437 = arith.muli %add3A_435, %mul3A_436 : i32
        %add3A_438 = arith.constant 0 : i32
        %add3A_439 = arith.addi %mul3A_437, %add3A_438 : i32
        %mul3A_440 = arith.constant 16 : i32
        %mul3A_441 = arith.muli %add3A_439, %mul3A_440 : i32
        %get3A = arith.index_cast %mul3A_441 : i32 to index
        %get3A_442 = tpu.vector_load %arg7[%get3A] {strides = array<i32>} : memref<16384xi32, #tpu.memory_space<vmem>>, vector<16xi32>,
        %mul3A_443 = arith.constant 8 : i32
        %mul3A_444 = arith.muli %add3A_435, %mul3A_443 : i32
        %add3A_445 = arith.constant 1 : i32
        %add3A_446 = arith.addi %mul3A_444, %add3A_445 : i32
        %mul3A_447 = arith.constant 16 : i32
        %mul3A_448 = arith.muli %add3A_446, %mul3A_447 : i32
        %get3A_449 = arith.index_cast %mul3A_448 : i32 to index
        %get3A_450 = tpu.vector_load %arg7[%get3A_449] {strides = array<i32>} : memref<16384xi32, #tpu.memory_space<vmem>>, vector<16xi32>,
        %mul3A_451 = arith.constant 8 : i32
        %mul3A_452 = arith.muli %add3A_435, %mul3A_451 : i32
        %add3A_453 = arith.constant 2 : i32
        %add3A_454 = arith.addi %mul3A_452, %add3A_453 : i32
        %mul3A_455 = arith.constant 16 : i32
        %mul3A_456 = arith.muli %add3A_454, %mul3A_455 : i32
        %get3A_457 = arith.index_cast %mul3A_456 : i32 to index
        %get3A_458 = tpu.vector_load %arg7[%get3A_457] {strides = array<i32>} : memref<16384xi32, #tpu.memory_space<vmem>>, vector<16xi32>,
        %mul3A_459 = arith.constant 8 : i32
        %mul3A_460 = arith.muli %add3A_435, %mul3A_459 : i32
        %add3A_461 = arith.constant 3 : i32
        %add3A_462 = arith.addi %mul3A_460, %add3A_461 : i32
        %mul3A_463 = arith.constant 16 : i32
        %mul3A_464 = arith.muli %add3A_462, %mul3A_463 : i32
        %get3A_465 = arith.index_cast %mul3A_464 : i32 to index
        %get3A_466 = tpu.vector_load %arg7[%get3A_465] {strides = array<i32>} : memref<16384xi32, #tpu.memory_space<vmem>>, vector<16xi32>,
        %mul3A_467 = arith.constant 8 : i32
        %mul3A_468 = arith.muli %add3A_435, %mul3A_467 : i32
        %add3A_469 = arith.constant 4 : i32
        %add3A_470 = arith.addi %mul3A_468, %add3A_469 : i32
        %mul3A_471 = arith.constant 16 : i32
        %mul3A_472 = arith.muli %add3A_470, %mul3A_471 : i32
        %get3A_473 = arith.index_cast %mul3A_472 : i32 to index
        %get3A_474 = tpu.vector_load %arg7[%get3A_473] {strides = array<i32>} : memref<16384xi32, #tpu.memory_space<vmem>>, vector<16xi32>,
        %mul3A_475 = arith.constant 8 : i32
        %mul3A_476 = arith.muli %add3A_435, %mul3A_475 : i32
        %add3A_477 = arith.constant 5 : i32
        %add3A_478 = arith.addi %mul3A_476, %add3A_477 : i32
        %mul3A_479 = arith.constant 16 : i32
        %mul3A_480 = arith.muli %add3A_478, %mul3A_479 : i32
        %get3A_481 = arith.index_cast %mul3A_480 : i32 to index
        %get3A_482 = tpu.vector_load %arg7[%get3A_481] {strides = array<i32>} : memref<16384xi32, #tpu.memory_space<vmem>>, vector<16xi32>,
        %mul3A_483 = arith.constant 8 : i32
        %mul3A_484 = arith.muli %add3A_435, %mul3A_483 : i32
        %add3A_485 = arith.constant 6 : i32
        %add3A_486 = arith.addi %mul3A_484, %add3A_485 : i32
        %mul3A_487 = arith.constant 16 : i32
        %mul3A_488 = arith.muli %add3A_486, %mul3A_487 : i32
        %get3A_489 = arith.index_cast %mul3A_488 : i32 to index
        %get3A_490 = tpu.vector_load %arg7[%get3A_489] {strides = array<i32>} : memref<16384xi32, #tpu.memory_space<vmem>>, vector<16xi32>,
        %mul3A_491 = arith.constant 8 : i32
        %mul3A_492 = arith.muli %add3A_435, %mul3A_491 : i32
        %add3A_493 = arith.constant 7 : i32
        %add3A_494 = arith.addi %mul3A_492, %add3A_493 : i32
        %mul3A_495 = arith.constant 16 : i32
        %mul3A_496 = arith.muli %add3A_494, %mul3A_495 : i32
        %get3A_497 = arith.index_cast %mul3A_496 : i32 to index
        %get3A_498 = tpu.vector_load %arg7[%get3A_497] {strides = array<i32>} : memref<16384xi32, #tpu.memory_space<vmem>>, vector<16xi32>,
        %add3A_499 = vector.broadcast %mul3A_236 : i32 to vector<16xi32>
        %add3A_500 = arith.addi %get3A_442, %add3A_499 : vector<16xi32>
        %gather3A = tpu.vector_load_idx %arg5[%add3A_500] : memref<256xf32, #tpu.memory_space<vmem>>[vector<16xi32>], vector<16xf32>,
        %add3A_501 = vector.broadcast %mul3A_236 : i32 to vector<16xi32>
        %add3A_502 = arith.addi %get3A_450, %add3A_501 : vector<16xi32>
        %gather3A_503 = tpu.vector_load_idx %arg5[%add3A_502] : memref<256xf32, #tpu.memory_space<vmem>>[vector<16xi32>], vector<16xf32>,
        %add3A_504 = vector.broadcast %mul3A_236 : i32 to vector<16xi32>
        %add3A_505 = arith.addi %get3A_458, %add3A_504 : vector<16xi32>
        %gather3A_506 = tpu.vector_load_idx %arg5[%add3A_505] : memref<256xf32, #tpu.memory_space<vmem>>[vector<16xi32>], vector<16xf32>,
        %add3A_507 = vector.broadcast %mul3A_236 : i32 to vector<16xi32>
        %add3A_508 = arith.addi %get3A_466, %add3A_507 : vector<16xi32>
        %gather3A_509 = tpu.vector_load_idx %arg5[%add3A_508] : memref<256xf32, #tpu.memory_space<vmem>>[vector<16xi32>], vector<16xf32>,
        %add3A_510 = vector.broadcast %mul3A_236 : i32 to vector<16xi32>
        %add3A_511 = arith.addi %get3A_474, %add3A_510 : vector<16xi32>
        %gather3A_512 = tpu.vector_load_idx %arg5[%add3A_511] : memref<256xf32, #tpu.memory_space<vmem>>[vector<16xi32>], vector<16xf32>,
        %add3A_513 = vector.broadcast %mul3A_236 : i32 to vector<16xi32>
        %add3A_514 = arith.addi %get3A_482, %add3A_513 : vector<16xi32>
        %gather3A_515 = tpu.vector_load_idx %arg5[%add3A_514] : memref<256xf32, #tpu.memory_space<vmem>>[vector<16xi32>], vector<16xf32>,
        %add3A_516 = vector.broadcast %mul3A_236 : i32 to vector<16xi32>
        %add3A_517 = arith.addi %get3A_490, %add3A_516 : vector<16xi32>
        %gather3A_518 = tpu.vector_load_idx %arg5[%add3A_517] : memref<256xf32, #tpu.memory_space<vmem>>[vector<16xi32>], vector<16xf32>,
        %add3A_519 = vector.broadcast %mul3A_236 : i32 to vector<16xi32>
        %add3A_520 = arith.addi %get3A_498, %add3A_519 : vector<16xi32>
        %gather3A_521 = tpu.vector_load_idx %arg5[%add3A_520] : memref<256xf32, #tpu.memory_space<vmem>>[vector<16xi32>], vector<16xf32>,
        %mul3A_522 = arith.constant 8 : i32
        %mul3A_523 = arith.muli %add3A_435, %mul3A_522 : i32
        %add3A_524 = arith.constant 0 : i32
        %add3A_525 = arith.addi %mul3A_523, %add3A_524 : i32
        %mul3A_526 = arith.constant 16 : i32
        %mul3A_527 = arith.muli %add3A_525, %mul3A_526 : i32
        %swap3A = arith.index_cast %mul3A_527 : i32 to index
        %swap3A_528 = tpu.vector_load %arg9[%swap3A] {strides = array<i32>} : memref<16384xf32, #tpu.memory_space<vmem>>, vector<16xf32>,
        tpu.vector_store %arg9[%swap3A], %gather3A {strides = array<i32>} : memref<16384xf32, #tpu.memory_space<vmem>>, vector<16xf32>,
        %mul3A_529 = arith.constant 8 : i32
        %mul3A_530 = arith.muli %add3A_435, %mul3A_529 : i32
        %add3A_531 = arith.constant 1 : i32
        %add3A_532 = arith.addi %mul3A_530, %add3A_531 : i32
        %mul3A_533 = arith.constant 16 : i32
        %mul3A_534 = arith.muli %add3A_532, %mul3A_533 : i32
        %swap3A_535 = arith.index_cast %mul3A_534 : i32 to index
        %swap3A_536 = tpu.vector_load %arg9[%swap3A_535] {strides = array<i32>} : memref<16384xf32, #tpu.memory_space<vmem>>, vector<16xf32>,
        tpu.vector_store %arg9[%swap3A_535], %gather3A_503 {strides = array<i32>} : memref<16384xf32, #tpu.memory_space<vmem>>, vector<16xf32>,
        %mul3A_537 = arith.constant 8 : i32
        %mul3A_538 = arith.muli %add3A_435, %mul3A_537 : i32
        %add3A_539 = arith.constant 2 : i32
        %add3A_540 = arith.addi %mul3A_538, %add3A_539 : i32
        %mul3A_541 = arith.constant 16 : i32
        %mul3A_542 = arith.muli %add3A_540, %mul3A_541 : i32
        %swap3A_543 = arith.index_cast %mul3A_542 : i32 to index
        %swap3A_544 = tpu.vector_load %arg9[%swap3A_543] {strides = array<i32>} : memref<16384xf32, #tpu.memory_space<vmem>>, vector<16xf32>,
        tpu.vector_store %arg9[%swap3A_543], %gather3A_506 {strides = array<i32>} : memref<16384xf32, #tpu.memory_space<vmem>>, vector<16xf32>,
        %mul3A_545 = arith.constant 8 : i32
        %mul3A_546 = arith.muli %add3A_435, %mul3A_545 : i32
        %add3A_547 = arith.constant 3 : i32
        %add3A_548 = arith.addi %mul3A_546, %add3A_547 : i32
        %mul3A_549 = arith.constant 16 : i32
        %mul3A_550 = arith.muli %add3A_548, %mul3A_549 : i32
        %swap3A_551 = arith.index_cast %mul3A_550 : i32 to index
        %swap3A_552 = tpu.vector_load %arg9[%swap3A_551] {strides = array<i32>} : memref<16384xf32, #tpu.memory_space<vmem>>, vector<16xf32>,
        tpu.vector_store %arg9[%swap3A_551], %gather3A_509 {strides = array<i32>} : memref<16384xf32, #tpu.memory_space<vmem>>, vector<16xf32>,
        %mul3A_553 = arith.constant 8 : i32
        %mul3A_554 = arith.muli %add3A_435, %mul3A_553 : i32
        %add3A_555 = arith.constant 4 : i32
        %add3A_556 = arith.addi %mul3A_554, %add3A_555 : i32
        %mul3A_557 = arith.constant 16 : i32
        %mul3A_558 = arith.muli %add3A_556, %mul3A_557 : i32
        %swap3A_559 = arith.index_cast %mul3A_558 : i32 to index
        %swap3A_560 = tpu.vector_load %arg9[%swap3A_559] {strides = array<i32>} : memref<16384xf32, #tpu.memory_space<vmem>>, vector<16xf32>,
        tpu.vector_store %arg9[%swap3A_559], %gather3A_512 {strides = array<i32>} : memref<16384xf32, #tpu.memory_space<vmem>>, vector<16xf32>,
        %mul3A_561 = arith.constant 8 : i32
        %mul3A_562 = arith.muli %add3A_435, %mul3A_561 : i32
        %add3A_563 = arith.constant 5 : i32
        %add3A_564 = arith.addi %mul3A_562, %add3A_563 : i32
        %mul3A_565 = arith.constant 16 : i32
        %mul3A_566 = arith.muli %add3A_564, %mul3A_565 : i32
        %swap3A_567 = arith.index_cast %mul3A_566 : i32 to index
        %swap3A_568 = tpu.vector_load %arg9[%swap3A_567] {strides = array<i32>} : memref<16384xf32, #tpu.memory_space<vmem>>, vector<16xf32>,
        tpu.vector_store %arg9[%swap3A_567], %gather3A_515 {strides = array<i32>} : memref<16384xf32, #tpu.memory_space<vmem>>, vector<16xf32>,
        %mul3A_569 = arith.constant 8 : i32
        %mul3A_570 = arith.muli %add3A_435, %mul3A_569 : i32
        %add3A_571 = arith.constant 6 : i32
        %add3A_572 = arith.addi %mul3A_570, %add3A_571 : i32
        %mul3A_573 = arith.constant 16 : i32
        %mul3A_574 = arith.muli %add3A_572, %mul3A_573 : i32
        %swap3A_575 = arith.index_cast %mul3A_574 : i32 to index
        %swap3A_576 = tpu.vector_load %arg9[%swap3A_575] {strides = array<i32>} : memref<16384xf32, #tpu.memory_space<vmem>>, vector<16xf32>,
        tpu.vector_store %arg9[%swap3A_575], %gather3A_518 {strides = array<i32>} : memref<16384xf32, #tpu.memory_space<vmem>>, vector<16xf32>,
        %mul3A_577 = arith.constant 8 : i32
        %mul3A_578 = arith.muli %add3A_435, %mul3A_577 : i32
        %add3A_579 = arith.constant 7 : i32
        %add3A_580 = arith.addi %mul3A_578, %add3A_579 : i32
        %mul3A_581 = arith.constant 16 : i32
        %mul3A_582 = arith.muli %add3A_580, %mul3A_581 : i32
        %swap3A_583 = arith.index_cast %mul3A_582 : i32 to index
        %swap3A_584 = tpu.vector_load %arg9[%swap3A_583] {strides = array<i32>} : memref<16384xf32, #tpu.memory_space<vmem>>, vector<16xf32>,
        tpu.vector_store %arg9[%swap3A_583], %gather3A_521 {strides = array<i32>} : memref<16384xf32, #tpu.memory_space<vmem>>, vector<16xf32>,
      }
      %scan3A_241 = arith.constant 128 : i32
      %mul3A_242 = arith.constant 16 : i32
      %mul3A_243 = arith.muli %add3A_184, %mul3A_242 : i32
      %add3A_244 = arith.addi %mul3A_243, %mul3A_34 : i32
      %add3A_245 = arith.constant 1 : i32
      %add3A_246 = arith.addi %add3A_244, %add3A_245 : i32
      %dma_start3A_247 = arith.constant 0 : i32
      %dma_start3A_248 = tpu.memref_slice %arg4[%add3A_246, %dma_start3A_247] : memref<3200x16384xf32, #tpu.memory_space<hbm>> -> memref<1x16384xf32, #tpu.memory_space<hbm>>
      %dma_start3A_249 = tpu.memref_squeeze %dma_start3A_248 : memref<1x16384xf32, #tpu.memory_space<hbm>> -> memref<16384xf32, #tpu.memory_space<hbm>>
      %dma_start3A_250 = arith.constant 0 : i32
      %dma_start3A_251 = tpu.memref_slice %arg4[%add3A_246, %dma_start3A_250] : memref<3200x16384xf32, #tpu.memory_space<hbm>> -> memref<1x16384xf32, #tpu.memory_space<hbm>>
      %dma_start3A_252 = tpu.memref_squeeze %dma_start3A_251 : memref<1x16384xf32, #tpu.memory_space<hbm>> -> memref<16384xf32, #tpu.memory_space<hbm>>
      tpu.enqueue_dma source(%arg9 : memref<16384xf32, #tpu.memory_space<vmem>>) target(%dma_start3A_252 : memref<16384xf32, #tpu.memory_space<hbm>>) target_semaphore(%arg13 : memref<!tpu.dma_semaphore, #tpu.memory_space<semaphore_mem>>)
      %dma_wait3A_253 = arith.constant 0 : i32
      %dma_wait3A_254 = arith.constant 0 : i32
      %dma_wait3A_255 = tpu.memref_slice %arg4[%dma_wait3A_253, %dma_wait3A_254] : memref<3200x16384xf32, #tpu.memory_space<hbm>> -> memref<1x16384xf32, #tpu.memory_space<hbm>>
      %dma_wait3A_256 = tpu.memref_squeeze %dma_wait3A_255 : memref<1x16384xf32, #tpu.memory_space<hbm>> -> memref<16384xf32, #tpu.memory_space<hbm>>
      %dma_wait3A_257 = arith.constant 0 : i32
      %dma_wait3A_258 = tpu.memref_slice %arg4[%dma_wait3A_253, %dma_wait3A_257] : memref<3200x16384xf32, #tpu.memory_space<hbm>> -> memref<1x16384xf32, #tpu.memory_space<hbm>>
      %dma_wait3A_259 = tpu.memref_squeeze %dma_wait3A_258 : memref<1x16384xf32, #tpu.memory_space<hbm>> -> memref<16384xf32, #tpu.memory_space<hbm>>
      tpu.wait_dma2 semaphore(%arg12 : memref<!tpu.dma_semaphore, #tpu.memory_space<semaphore_mem>>) src(%arg8 : memref<16384xf32, #tpu.memory_space<vmem>>) dst(%dma_wait3A_259 : memref<16384xf32, #tpu.memory_space<hbm>>)
      %add3A_260 = arith.constant 2 : i32
      %add3A_261 = arith.addi %mul3A_34, %add3A_260 : i32
      %mul3A_262 = arith.constant 16 : i32
      %mul3A_263 = arith.muli %add3A_261, %mul3A_262 : i32
      %scan3A_264 = arith.constant 0 : i32
      %scan3A_265 = arith.constant 128 : i32
      %scan3A_266 = arith.addi %scan3A_264, %scan3A_265 : i32
      %scan3A_267 = arith.constant 1 : i32
      scf.for %scan3A_431 = %scan3A_264 to %scan3A_266 step %scan3A_267  : i32 {
        %mul3A_432 = arith.constant 1 : i32
        %mul3A_433 = arith.muli %scan3A_431, %mul3A_432 : i32
        %add3A_434 = arith.constant 0 : i32
        %add3A_435 = arith.addi %add3A_434, %mul3A_433 : i32
        %mul3A_436 = arith.constant 8 : i32
        %mul3A_437 = arith.muli %add3A_435, %mul3A_436 : i32
        %add3A_438 = arith.constant 0 : i32
        %add3A_439 = arith.addi %mul3A_437, %add3A_438 : i32
        %mul3A_440 = arith.constant 16 : i32
        %mul3A_441 = arith.muli %add3A_439, %mul3A_440 : i32
        %get3A = arith.index_cast %mul3A_441 : i32 to index
        %get3A_442 = tpu.vector_load %arg7[%get3A] {strides = array<i32>} : memref<16384xi32, #tpu.memory_space<vmem>>, vector<16xi32>,
        %mul3A_443 = arith.constant 8 : i32
        %mul3A_444 = arith.muli %add3A_435, %mul3A_443 : i32
        %add3A_445 = arith.constant 1 : i32
        %add3A_446 = arith.addi %mul3A_444, %add3A_445 : i32
        %mul3A_447 = arith.constant 16 : i32
        %mul3A_448 = arith.muli %add3A_446, %mul3A_447 : i32
        %get3A_449 = arith.index_cast %mul3A_448 : i32 to index
        %get3A_450 = tpu.vector_load %arg7[%get3A_449] {strides = array<i32>} : memref<16384xi32, #tpu.memory_space<vmem>>, vector<16xi32>,
        %mul3A_451 = arith.constant 8 : i32
        %mul3A_452 = arith.muli %add3A_435, %mul3A_451 : i32
        %add3A_453 = arith.constant 2 : i32
        %add3A_454 = arith.addi %mul3A_452, %add3A_453 : i32
        %mul3A_455 = arith.constant 16 : i32
        %mul3A_456 = arith.muli %add3A_454, %mul3A_455 : i32
        %get3A_457 = arith.index_cast %mul3A_456 : i32 to index
        %get3A_458 = tpu.vector_load %arg7[%get3A_457] {strides = array<i32>} : memref<16384xi32, #tpu.memory_space<vmem>>, vector<16xi32>,
        %mul3A_459 = arith.constant 8 : i32
        %mul3A_460 = arith.muli %add3A_435, %mul3A_459 : i32
        %add3A_461 = arith.constant 3 : i32
        %add3A_462 = arith.addi %mul3A_460, %add3A_461 : i32
        %mul3A_463 = arith.constant 16 : i32
        %mul3A_464 = arith.muli %add3A_462, %mul3A_463 : i32
        %get3A_465 = arith.index_cast %mul3A_464 : i32 to index
        %get3A_466 = tpu.vector_load %arg7[%get3A_465] {strides = array<i32>} : memref<16384xi32, #tpu.memory_space<vmem>>, vector<16xi32>,
        %mul3A_467 = arith.constant 8 : i32
        %mul3A_468 = arith.muli %add3A_435, %mul3A_467 : i32
        %add3A_469 = arith.constant 4 : i32
        %add3A_470 = arith.addi %mul3A_468, %add3A_469 : i32
        %mul3A_471 = arith.constant 16 : i32
        %mul3A_472 = arith.muli %add3A_470, %mul3A_471 : i32
        %get3A_473 = arith.index_cast %mul3A_472 : i32 to index
        %get3A_474 = tpu.vector_load %arg7[%get3A_473] {strides = array<i32>} : memref<16384xi32, #tpu.memory_space<vmem>>, vector<16xi32>,
        %mul3A_475 = arith.constant 8 : i32
        %mul3A_476 = arith.muli %add3A_435, %mul3A_475 : i32
        %add3A_477 = arith.constant 5 : i32
        %add3A_478 = arith.addi %mul3A_476, %add3A_477 : i32
        %mul3A_479 = arith.constant 16 : i32
        %mul3A_480 = arith.muli %add3A_478, %mul3A_479 : i32
        %get3A_481 = arith.index_cast %mul3A_480 : i32 to index
        %get3A_482 = tpu.vector_load %arg7[%get3A_481] {strides = array<i32>} : memref<16384xi32, #tpu.memory_space<vmem>>, vector<16xi32>,
        %mul3A_483 = arith.constant 8 : i32
        %mul3A_484 = arith.muli %add3A_435, %mul3A_483 : i32
        %add3A_485 = arith.constant 6 : i32
        %add3A_486 = arith.addi %mul3A_484, %add3A_485 : i32
        %mul3A_487 = arith.constant 16 : i32
        %mul3A_488 = arith.muli %add3A_486, %mul3A_487 : i32
        %get3A_489 = arith.index_cast %mul3A_488 : i32 to index
        %get3A_490 = tpu.vector_load %arg7[%get3A_489] {strides = array<i32>} : memref<16384xi32, #tpu.memory_space<vmem>>, vector<16xi32>,
        %mul3A_491 = arith.constant 8 : i32
        %mul3A_492 = arith.muli %add3A_435, %mul3A_491 : i32
        %add3A_493 = arith.constant 7 : i32
        %add3A_494 = arith.addi %mul3A_492, %add3A_493 : i32
        %mul3A_495 = arith.constant 16 : i32
        %mul3A_496 = arith.muli %add3A_494, %mul3A_495 : i32
        %get3A_497 = arith.index_cast %mul3A_496 : i32 to index
        %get3A_498 = tpu.vector_load %arg7[%get3A_497] {strides = array<i32>} : memref<16384xi32, #tpu.memory_space<vmem>>, vector<16xi32>,
        %add3A_499 = vector.broadcast %mul3A_263 : i32 to vector<16xi32>
        %add3A_500 = arith.addi %get3A_442, %add3A_499 : vector<16xi32>
        %gather3A = tpu.vector_load_idx %arg5[%add3A_500] : memref<256xf32, #tpu.memory_space<vmem>>[vector<16xi32>], vector<16xf32>,
        %add3A_501 = vector.broadcast %mul3A_263 : i32 to vector<16xi32>
        %add3A_502 = arith.addi %get3A_450, %add3A_501 : vector<16xi32>
        %gather3A_503 = tpu.vector_load_idx %arg5[%add3A_502] : memref<256xf32, #tpu.memory_space<vmem>>[vector<16xi32>], vector<16xf32>,
        %add3A_504 = vector.broadcast %mul3A_263 : i32 to vector<16xi32>
        %add3A_505 = arith.addi %get3A_458, %add3A_504 : vector<16xi32>
        %gather3A_506 = tpu.vector_load_idx %arg5[%add3A_505] : memref<256xf32, #tpu.memory_space<vmem>>[vector<16xi32>], vector<16xf32>,
        %add3A_507 = vector.broadcast %mul3A_263 : i32 to vector<16xi32>
        %add3A_508 = arith.addi %get3A_466, %add3A_507 : vector<16xi32>
        %gather3A_509 = tpu.vector_load_idx %arg5[%add3A_508] : memref<256xf32, #tpu.memory_space<vmem>>[vector<16xi32>], vector<16xf32>,
        %add3A_510 = vector.broadcast %mul3A_263 : i32 to vector<16xi32>
        %add3A_511 = arith.addi %get3A_474, %add3A_510 : vector<16xi32>
        %gather3A_512 = tpu.vector_load_idx %arg5[%add3A_511] : memref<256xf32, #tpu.memory_space<vmem>>[vector<16xi32>], vector<16xf32>,
        %add3A_513 = vector.broadcast %mul3A_263 : i32 to vector<16xi32>
        %add3A_514 = arith.addi %get3A_482, %add3A_513 : vector<16xi32>
        %gather3A_515 = tpu.vector_load_idx %arg5[%add3A_514] : memref<256xf32, #tpu.memory_space<vmem>>[vector<16xi32>], vector<16xf32>,
        %add3A_516 = vector.broadcast %mul3A_263 : i32 to vector<16xi32>
        %add3A_517 = arith.addi %get3A_490, %add3A_516 : vector<16xi32>
        %gather3A_518 = tpu.vector_load_idx %arg5[%add3A_517] : memref<256xf32, #tpu.memory_space<vmem>>[vector<16xi32>], vector<16xf32>,
        %add3A_519 = vector.broadcast %mul3A_263 : i32 to vector<16xi32>
        %add3A_520 = arith.addi %get3A_498, %add3A_519 : vector<16xi32>
        %gather3A_521 = tpu.vector_load_idx %arg5[%add3A_520] : memref<256xf32, #tpu.memory_space<vmem>>[vector<16xi32>], vector<16xf32>,
        %mul3A_522 = arith.constant 8 : i32
        %mul3A_523 = arith.muli %add3A_435, %mul3A_522 : i32
        %add3A_524 = arith.constant 0 : i32
        %add3A_525 = arith.addi %mul3A_523, %add3A_524 : i32
        %mul3A_526 = arith.constant 16 : i32
        %mul3A_527 = arith.muli %add3A_525, %mul3A_526 : i32
        %swap3A = arith.index_cast %mul3A_527 : i32 to index
        %swap3A_528 = tpu.vector_load %arg8[%swap3A] {strides = array<i32>} : memref<16384xf32, #tpu.memory_space<vmem>>, vector<16xf32>,
        tpu.vector_store %arg8[%swap3A], %gather3A {strides = array<i32>} : memref<16384xf32, #tpu.memory_space<vmem>>, vector<16xf32>,
        %mul3A_529 = arith.constant 8 : i32
        %mul3A_530 = arith.muli %add3A_435, %mul3A_529 : i32
        %add3A_531 = arith.constant 1 : i32
        %add3A_532 = arith.addi %mul3A_530, %add3A_531 : i32
        %mul3A_533 = arith.constant 16 : i32
        %mul3A_534 = arith.muli %add3A_532, %mul3A_533 : i32
        %swap3A_535 = arith.index_cast %mul3A_534 : i32 to index
        %swap3A_536 = tpu.vector_load %arg8[%swap3A_535] {strides = array<i32>} : memref<16384xf32, #tpu.memory_space<vmem>>, vector<16xf32>,
        tpu.vector_store %arg8[%swap3A_535], %gather3A_503 {strides = array<i32>} : memref<16384xf32, #tpu.memory_space<vmem>>, vector<16xf32>,
        %mul3A_537 = arith.constant 8 : i32
        %mul3A_538 = arith.muli %add3A_435, %mul3A_537 : i32
        %add3A_539 = arith.constant 2 : i32
        %add3A_540 = arith.addi %mul3A_538, %add3A_539 : i32
        %mul3A_541 = arith.constant 16 : i32
        %mul3A_542 = arith.muli %add3A_540, %mul3A_541 : i32
        %swap3A_543 = arith.index_cast %mul3A_542 : i32 to index
        %swap3A_544 = tpu.vector_load %arg8[%swap3A_543] {strides = array<i32>} : memref<16384xf32, #tpu.memory_space<vmem>>, vector<16xf32>,
        tpu.vector_store %arg8[%swap3A_543], %gather3A_506 {strides = array<i32>} : memref<16384xf32, #tpu.memory_space<vmem>>, vector<16xf32>,
        %mul3A_545 = arith.constant 8 : i32
        %mul3A_546 = arith.muli %add3A_435, %mul3A_545 : i32
        %add3A_547 = arith.constant 3 : i32
        %add3A_548 = arith.addi %mul3A_546, %add3A_547 : i32
        %mul3A_549 = arith.constant 16 : i32
        %mul3A_550 = arith.muli %add3A_548, %mul3A_549 : i32
        %swap3A_551 = arith.index_cast %mul3A_550 : i32 to index
        %swap3A_552 = tpu.vector_load %arg8[%swap3A_551] {strides = array<i32>} : memref<16384xf32, #tpu.memory_space<vmem>>, vector<16xf32>,
        tpu.vector_store %arg8[%swap3A_551], %gather3A_509 {strides = array<i32>} : memref<16384xf32, #tpu.memory_space<vmem>>, vector<16xf32>,
        %mul3A_553 = arith.constant 8 : i32
        %mul3A_554 = arith.muli %add3A_435, %mul3A_553 : i32
        %add3A_555 = arith.constant 4 : i32
        %add3A_556 = arith.addi %mul3A_554, %add3A_555 : i32
        %mul3A_557 = arith.constant 16 : i32
        %mul3A_558 = arith.muli %add3A_556, %mul3A_557 : i32
        %swap3A_559 = arith.index_cast %mul3A_558 : i32 to index
        %swap3A_560 = tpu.vector_load %arg8[%swap3A_559] {strides = array<i32>} : memref<16384xf32, #tpu.memory_space<vmem>>, vector<16xf32>,
        tpu.vector_store %arg8[%swap3A_559], %gather3A_512 {strides = array<i32>} : memref<16384xf32, #tpu.memory_space<vmem>>, vector<16xf32>,
        %mul3A_561 = arith.constant 8 : i32
        %mul3A_562 = arith.muli %add3A_435, %mul3A_561 : i32
        %add3A_563 = arith.constant 5 : i32
        %add3A_564 = arith.addi %mul3A_562, %add3A_563 : i32
        %mul3A_565 = arith.constant 16 : i32
        %mul3A_566 = arith.muli %add3A_564, %mul3A_565 : i32
        %swap3A_567 = arith.index_cast %mul3A_566 : i32 to index
        %swap3A_568 = tpu.vector_load %arg8[%swap3A_567] {strides = array<i32>} : memref<16384xf32, #tpu.memory_space<vmem>>, vector<16xf32>,
        tpu.vector_store %arg8[%swap3A_567], %gather3A_515 {strides = array<i32>} : memref<16384xf32, #tpu.memory_space<vmem>>, vector<16xf32>,
        %mul3A_569 = arith.constant 8 : i32
        %mul3A_570 = arith.muli %add3A_435, %mul3A_569 : i32
        %add3A_571 = arith.constant 6 : i32
        %add3A_572 = arith.addi %mul3A_570, %add3A_571 : i32
        %mul3A_573 = arith.constant 16 : i32
        %mul3A_574 = arith.muli %add3A_572, %mul3A_573 : i32
        %swap3A_575 = arith.index_cast %mul3A_574 : i32 to index
        %swap3A_576 = tpu.vector_load %arg8[%swap3A_575] {strides = array<i32>} : memref<16384xf32, #tpu.memory_space<vmem>>, vector<16xf32>,
        tpu.vector_store %arg8[%swap3A_575], %gather3A_518 {strides = array<i32>} : memref<16384xf32, #tpu.memory_space<vmem>>, vector<16xf32>,
        %mul3A_577 = arith.constant 8 : i32
        %mul3A_578 = arith.muli %add3A_435, %mul3A_577 : i32
        %add3A_579 = arith.constant 7 : i32
        %add3A_580 = arith.addi %mul3A_578, %add3A_579 : i32
        %mul3A_581 = arith.constant 16 : i32
        %mul3A_582 = arith.muli %add3A_580, %mul3A_581 : i32
        %swap3A_583 = arith.index_cast %mul3A_582 : i32 to index
        %swap3A_584 = tpu.vector_load %arg8[%swap3A_583] {strides = array<i32>} : memref<16384xf32, #tpu.memory_space<vmem>>, vector<16xf32>,
        tpu.vector_store %arg8[%swap3A_583], %gather3A_521 {strides = array<i32>} : memref<16384xf32, #tpu.memory_space<vmem>>, vector<16xf32>,
      }
      %scan3A_268 = arith.constant 128 : i32
      %mul3A_269 = arith.constant 16 : i32
      %mul3A_270 = arith.muli %add3A_184, %mul3A_269 : i32
      %add3A_271 = arith.addi %mul3A_270, %mul3A_34 : i32
      %add3A_272 = arith.constant 2 : i32
      %add3A_273 = arith.addi %add3A_271, %add3A_272 : i32
      %dma_start3A_274 = arith.constant 0 : i32
      %dma_start3A_275 = tpu.memref_slice %arg4[%add3A_273, %dma_start3A_274] : memref<3200x16384xf32, #tpu.memory_space<hbm>> -> memref<1x16384xf32, #tpu.memory_space<hbm>>
      %dma_start3A_276 = tpu.memref_squeeze %dma_start3A_275 : memref<1x16384xf32, #tpu.memory_space<hbm>> -> memref<16384xf32, #tpu.memory_space<hbm>>
      %dma_start3A_277 = arith.constant 0 : i32
      %dma_start3A_278 = tpu.memref_slice %arg4[%add3A_273, %dma_start3A_277] : memref<3200x16384xf32, #tpu.memory_space<hbm>> -> memref<1x16384xf32, #tpu.memory_space<hbm>>
      %dma_start3A_279 = tpu.memref_squeeze %dma_start3A_278 : memref<1x16384xf32, #tpu.memory_space<hbm>> -> memref<16384xf32, #tpu.memory_space<hbm>>
      tpu.enqueue_dma source(%arg8 : memref<16384xf32, #tpu.memory_space<vmem>>) target(%dma_start3A_279 : memref<16384xf32, #tpu.memory_space<hbm>>) target_semaphore(%arg12 : memref<!tpu.dma_semaphore, #tpu.memory_space<semaphore_mem>>)
      %dma_wait3A_280 = arith.constant 0 : i32
      %dma_wait3A_281 = arith.constant 0 : i32
      %dma_wait3A_282 = tpu.memref_slice %arg4[%dma_wait3A_280, %dma_wait3A_281] : memref<3200x16384xf32, #tpu.memory_space<hbm>> -> memref<1x16384xf32, #tpu.memory_space<hbm>>
      %dma_wait3A_283 = tpu.memref_squeeze %dma_wait3A_282 : memref<1x16384xf32, #tpu.memory_space<hbm>> -> memref<16384xf32, #tpu.memory_space<hbm>>
      %dma_wait3A_284 = arith.constant 0 : i32
      %dma_wait3A_285 = tpu.memref_slice %arg4[%dma_wait3A_280, %dma_wait3A_284] : memref<3200x16384xf32, #tpu.memory_space<hbm>> -> memref<1x16384xf32, #tpu.memory_space<hbm>>
      %dma_wait3A_286 = tpu.memref_squeeze %dma_wait3A_285 : memref<1x16384xf32, #tpu.memory_space<hbm>> -> memref<16384xf32, #tpu.memory_space<hbm>>
      tpu.wait_dma2 semaphore(%arg13 : memref<!tpu.dma_semaphore, #tpu.memory_space<semaphore_mem>>) src(%arg9 : memref<16384xf32, #tpu.memory_space<vmem>>) dst(%dma_wait3A_286 : memref<16384xf32, #tpu.memory_space<hbm>>)
      %add3A_287 = arith.constant 3 : i32
      %add3A_288 = arith.addi %mul3A_34, %add3A_287 : i32
      %mul3A_289 = arith.constant 16 : i32
      %mul3A_290 = arith.muli %add3A_288, %mul3A_289 : i32
      %scan3A_291 = arith.constant 0 : i32
      %scan3A_292 = arith.constant 128 : i32
      %scan3A_293 = arith.addi %scan3A_291, %scan3A_292 : i32
      %scan3A_294 = arith.constant 1 : i32
      scf.for %scan3A_431 = %scan3A_291 to %scan3A_293 step %scan3A_294  : i32 {
        %mul3A_432 = arith.constant 1 : i32
        %mul3A_433 = arith.muli %scan3A_431, %mul3A_432 : i32
        %add3A_434 = arith.constant 0 : i32
        %add3A_435 = arith.addi %add3A_434, %mul3A_433 : i32
        %mul3A_436 = arith.constant 8 : i32
        %mul3A_437 = arith.muli %add3A_435, %mul3A_436 : i32
        %add3A_438 = arith.constant 0 : i32
        %add3A_439 = arith.addi %mul3A_437, %add3A_438 : i32
        %mul3A_440 = arith.constant 16 : i32
        %mul3A_441 = arith.muli %add3A_439, %mul3A_440 : i32
        %get3A = arith.index_cast %mul3A_441 : i32 to index
        %get3A_442 = tpu.vector_load %arg7[%get3A] {strides = array<i32>} : memref<16384xi32, #tpu.memory_space<vmem>>, vector<16xi32>,
        %mul3A_443 = arith.constant 8 : i32
        %mul3A_444 = arith.muli %add3A_435, %mul3A_443 : i32
        %add3A_445 = arith.constant 1 : i32
        %add3A_446 = arith.addi %mul3A_444, %add3A_445 : i32
        %mul3A_447 = arith.constant 16 : i32
        %mul3A_448 = arith.muli %add3A_446, %mul3A_447 : i32
        %get3A_449 = arith.index_cast %mul3A_448 : i32 to index
        %get3A_450 = tpu.vector_load %arg7[%get3A_449] {strides = array<i32>} : memref<16384xi32, #tpu.memory_space<vmem>>, vector<16xi32>,
        %mul3A_451 = arith.constant 8 : i32
        %mul3A_452 = arith.muli %add3A_435, %mul3A_451 : i32
        %add3A_453 = arith.constant 2 : i32
        %add3A_454 = arith.addi %mul3A_452, %add3A_453 : i32
        %mul3A_455 = arith.constant 16 : i32
        %mul3A_456 = arith.muli %add3A_454, %mul3A_455 : i32
        %get3A_457 = arith.index_cast %mul3A_456 : i32 to index
        %get3A_458 = tpu.vector_load %arg7[%get3A_457] {strides = array<i32>} : memref<16384xi32, #tpu.memory_space<vmem>>, vector<16xi32>,
        %mul3A_459 = arith.constant 8 : i32
        %mul3A_460 = arith.muli %add3A_435, %mul3A_459 : i32
        %add3A_461 = arith.constant 3 : i32
        %add3A_462 = arith.addi %mul3A_460, %add3A_461 : i32
        %mul3A_463 = arith.constant 16 : i32
        %mul3A_464 = arith.muli %add3A_462, %mul3A_463 : i32
        %get3A_465 = arith.index_cast %mul3A_464 : i32 to index
        %get3A_466 = tpu.vector_load %arg7[%get3A_465] {strides = array<i32>} : memref<16384xi32, #tpu.memory_space<vmem>>, vector<16xi32>,
        %mul3A_467 = arith.constant 8 : i32
        %mul3A_468 = arith.muli %add3A_435, %mul3A_467 : i32
        %add3A_469 = arith.constant 4 : i32
        %add3A_470 = arith.addi %mul3A_468, %add3A_469 : i32
        %mul3A_471 = arith.constant 16 : i32
        %mul3A_472 = arith.muli %add3A_470, %mul3A_471 : i32
        %get3A_473 = arith.index_cast %mul3A_472 : i32 to index
        %get3A_474 = tpu.vector_load %arg7[%get3A_473] {strides = array<i32>} : memref<16384xi32, #tpu.memory_space<vmem>>, vector<16xi32>,
        %mul3A_475 = arith.constant 8 : i32
        %mul3A_476 = arith.muli %add3A_435, %mul3A_475 : i32
        %add3A_477 = arith.constant 5 : i32
        %add3A_478 = arith.addi %mul3A_476, %add3A_477 : i32
        %mul3A_479 = arith.constant 16 : i32
        %mul3A_480 = arith.muli %add3A_478, %mul3A_479 : i32
        %get3A_481 = arith.index_cast %mul3A_480 : i32 to index
        %get3A_482 = tpu.vector_load %arg7[%get3A_481] {strides = array<i32>} : memref<16384xi32, #tpu.memory_space<vmem>>, vector<16xi32>,
        %mul3A_483 = arith.constant 8 : i32
        %mul3A_484 = arith.muli %add3A_435, %mul3A_483 : i32
        %add3A_485 = arith.constant 6 : i32
        %add3A_486 = arith.addi %mul3A_484, %add3A_485 : i32
        %mul3A_487 = arith.constant 16 : i32
        %mul3A_488 = arith.muli %add3A_486, %mul3A_487 : i32
        %get3A_489 = arith.index_cast %mul3A_488 : i32 to index
        %get3A_490 = tpu.vector_load %arg7[%get3A_489] {strides = array<i32>} : memref<16384xi32, #tpu.memory_space<vmem>>, vector<16xi32>,
        %mul3A_491 = arith.constant 8 : i32
        %mul3A_492 = arith.muli %add3A_435, %mul3A_491 : i32
        %add3A_493 = arith.constant 7 : i32
        %add3A_494 = arith.addi %mul3A_492, %add3A_493 : i32
        %mul3A_495 = arith.constant 16 : i32
        %mul3A_496 = arith.muli %add3A_494, %mul3A_495 : i32
        %get3A_497 = arith.index_cast %mul3A_496 : i32 to index
        %get3A_498 = tpu.vector_load %arg7[%get3A_497] {strides = array<i32>} : memref<16384xi32, #tpu.memory_space<vmem>>, vector<16xi32>,
        %add3A_499 = vector.broadcast %mul3A_290 : i32 to vector<16xi32>
        %add3A_500 = arith.addi %get3A_442, %add3A_499 : vector<16xi32>
        %gather3A = tpu.vector_load_idx %arg5[%add3A_500] : memref<256xf32, #tpu.memory_space<vmem>>[vector<16xi32>], vector<16xf32>,
        %add3A_501 = vector.broadcast %mul3A_290 : i32 to vector<16xi32>
        %add3A_502 = arith.addi %get3A_450, %add3A_501 : vector<16xi32>
        %gather3A_503 = tpu.vector_load_idx %arg5[%add3A_502] : memref<256xf32, #tpu.memory_space<vmem>>[vector<16xi32>], vector<16xf32>,
        %add3A_504 = vector.broadcast %mul3A_290 : i32 to vector<16xi32>
        %add3A_505 = arith.addi %get3A_458, %add3A_504 : vector<16xi32>
        %gather3A_506 = tpu.vector_load_idx %arg5[%add3A_505] : memref<256xf32, #tpu.memory_space<vmem>>[vector<16xi32>], vector<16xf32>,
        %add3A_507 = vector.broadcast %mul3A_290 : i32 to vector<16xi32>
        %add3A_508 = arith.addi %get3A_466, %add3A_507 : vector<16xi32>
        %gather3A_509 = tpu.vector_load_idx %arg5[%add3A_508] : memref<256xf32, #tpu.memory_space<vmem>>[vector<16xi32>], vector<16xf32>,
        %add3A_510 = vector.broadcast %mul3A_290 : i32 to vector<16xi32>
        %add3A_511 = arith.addi %get3A_474, %add3A_510 : vector<16xi32>
        %gather3A_512 = tpu.vector_load_idx %arg5[%add3A_511] : memref<256xf32, #tpu.memory_space<vmem>>[vector<16xi32>], vector<16xf32>,
        %add3A_513 = vector.broadcast %mul3A_290 : i32 to vector<16xi32>
        %add3A_514 = arith.addi %get3A_482, %add3A_513 : vector<16xi32>
        %gather3A_515 = tpu.vector_load_idx %arg5[%add3A_514] : memref<256xf32, #tpu.memory_space<vmem>>[vector<16xi32>], vector<16xf32>,
        %add3A_516 = vector.broadcast %mul3A_290 : i32 to vector<16xi32>
        %add3A_517 = arith.addi %get3A_490, %add3A_516 : vector<16xi32>
        %gather3A_518 = tpu.vector_load_idx %arg5[%add3A_517] : memref<256xf32, #tpu.memory_space<vmem>>[vector<16xi32>], vector<16xf32>,
        %add3A_519 = vector.broadcast %mul3A_290 : i32 to vector<16xi32>
        %add3A_520 = arith.addi %get3A_498, %add3A_519 : vector<16xi32>
        %gather3A_521 = tpu.vector_load_idx %arg5[%add3A_520] : memref<256xf32, #tpu.memory_space<vmem>>[vector<16xi32>], vector<16xf32>,
        %mul3A_522 = arith.constant 8 : i32
        %mul3A_523 = arith.muli %add3A_435, %mul3A_522 : i32
        %add3A_524 = arith.constant 0 : i32
        %add3A_525 = arith.addi %mul3A_523, %add3A_524 : i32
        %mul3A_526 = arith.constant 16 : i32
        %mul3A_527 = arith.muli %add3A_525, %mul3A_526 : i32
        %swap3A = arith.index_cast %mul3A_527 : i32 to index
        %swap3A_528 = tpu.vector_load %arg9[%swap3A] {strides = array<i32>} : memref<16384xf32, #tpu.memory_space<vmem>>, vector<16xf32>,
        tpu.vector_store %arg9[%swap3A], %gather3A {strides = array<i32>} : memref<16384xf32, #tpu.memory_space<vmem>>, vector<16xf32>,
        %mul3A_529 = arith.constant 8 : i32
        %mul3A_530 = arith.muli %add3A_435, %mul3A_529 : i32
        %add3A_531 = arith.constant 1 : i32
        %add3A_532 = arith.addi %mul3A_530, %add3A_531 : i32
        %mul3A_533 = arith.constant 16 : i32
        %mul3A_534 = arith.muli %add3A_532, %mul3A_533 : i32
        %swap3A_535 = arith.index_cast %mul3A_534 : i32 to index
        %swap3A_536 = tpu.vector_load %arg9[%swap3A_535] {strides = array<i32>} : memref<16384xf32, #tpu.memory_space<vmem>>, vector<16xf32>,
        tpu.vector_store %arg9[%swap3A_535], %gather3A_503 {strides = array<i32>} : memref<16384xf32, #tpu.memory_space<vmem>>, vector<16xf32>,
        %mul3A_537 = arith.constant 8 : i32
        %mul3A_538 = arith.muli %add3A_435, %mul3A_537 : i32
        %add3A_539 = arith.constant 2 : i32
        %add3A_540 = arith.addi %mul3A_538, %add3A_539 : i32
        %mul3A_541 = arith.constant 16 : i32
        %mul3A_542 = arith.muli %add3A_540, %mul3A_541 : i32
        %swap3A_543 = arith.index_cast %mul3A_542 : i32 to index
        %swap3A_544 = tpu.vector_load %arg9[%swap3A_543] {strides = array<i32>} : memref<16384xf32, #tpu.memory_space<vmem>>, vector<16xf32>,
        tpu.vector_store %arg9[%swap3A_543], %gather3A_506 {strides = array<i32>} : memref<16384xf32, #tpu.memory_space<vmem>>, vector<16xf32>,
        %mul3A_545 = arith.constant 8 : i32
        %mul3A_546 = arith.muli %add3A_435, %mul3A_545 : i32
        %add3A_547 = arith.constant 3 : i32
        %add3A_548 = arith.addi %mul3A_546, %add3A_547 : i32
        %mul3A_549 = arith.constant 16 : i32
        %mul3A_550 = arith.muli %add3A_548, %mul3A_549 : i32
        %swap3A_551 = arith.index_cast %mul3A_550 : i32 to index
        %swap3A_552 = tpu.vector_load %arg9[%swap3A_551] {strides = array<i32>} : memref<16384xf32, #tpu.memory_space<vmem>>, vector<16xf32>,
        tpu.vector_store %arg9[%swap3A_551], %gather3A_509 {strides = array<i32>} : memref<16384xf32, #tpu.memory_space<vmem>>, vector<16xf32>,
        %mul3A_553 = arith.constant 8 : i32
        %mul3A_554 = arith.muli %add3A_435, %mul3A_553 : i32
        %add3A_555 = arith.constant 4 : i32
        %add3A_556 = arith.addi %mul3A_554, %add3A_555 : i32
        %mul3A_557 = arith.constant 16 : i32
        %mul3A_558 = arith.muli %add3A_556, %mul3A_557 : i32
        %swap3A_559 = arith.index_cast %mul3A_558 : i32 to index
        %swap3A_560 = tpu.vector_load %arg9[%swap3A_559] {strides = array<i32>} : memref<16384xf32, #tpu.memory_space<vmem>>, vector<16xf32>,
        tpu.vector_store %arg9[%swap3A_559], %gather3A_512 {strides = array<i32>} : memref<16384xf32, #tpu.memory_space<vmem>>, vector<16xf32>,
        %mul3A_561 = arith.constant 8 : i32
        %mul3A_562 = arith.muli %add3A_435, %mul3A_561 : i32
        %add3A_563 = arith.constant 5 : i32
        %add3A_564 = arith.addi %mul3A_562, %add3A_563 : i32
        %mul3A_565 = arith.constant 16 : i32
        %mul3A_566 = arith.muli %add3A_564, %mul3A_565 : i32
        %swap3A_567 = arith.index_cast %mul3A_566 : i32 to index
        %swap3A_568 = tpu.vector_load %arg9[%swap3A_567] {strides = array<i32>} : memref<16384xf32, #tpu.memory_space<vmem>>, vector<16xf32>,
        tpu.vector_store %arg9[%swap3A_567], %gather3A_515 {strides = array<i32>} : memref<16384xf32, #tpu.memory_space<vmem>>, vector<16xf32>,
        %mul3A_569 = arith.constant 8 : i32
        %mul3A_570 = arith.muli %add3A_435, %mul3A_569 : i32
        %add3A_571 = arith.constant 6 : i32
        %add3A_572 = arith.addi %mul3A_570, %add3A_571 : i32
        %mul3A_573 = arith.constant 16 : i32
        %mul3A_574 = arith.muli %add3A_572, %mul3A_573 : i32
        %swap3A_575 = arith.index_cast %mul3A_574 : i32 to index
        %swap3A_576 = tpu.vector_load %arg9[%swap3A_575] {strides = array<i32>} : memref<16384xf32, #tpu.memory_space<vmem>>, vector<16xf32>,
        tpu.vector_store %arg9[%swap3A_575], %gather3A_518 {strides = array<i32>} : memref<16384xf32, #tpu.memory_space<vmem>>, vector<16xf32>,
        %mul3A_577 = arith.constant 8 : i32
        %mul3A_578 = arith.muli %add3A_435, %mul3A_577 : i32
        %add3A_579 = arith.constant 7 : i32
        %add3A_580 = arith.addi %mul3A_578, %add3A_579 : i32
        %mul3A_581 = arith.constant 16 : i32
        %mul3A_582 = arith.muli %add3A_580, %mul3A_581 : i32
        %swap3A_583 = arith.index_cast %mul3A_582 : i32 to index
        %swap3A_584 = tpu.vector_load %arg9[%swap3A_583] {strides = array<i32>} : memref<16384xf32, #tpu.memory_space<vmem>>, vector<16xf32>,
        tpu.vector_store %arg9[%swap3A_583], %gather3A_521 {strides = array<i32>} : memref<16384xf32, #tpu.memory_space<vmem>>, vector<16xf32>,
      }
      %scan3A_295 = arith.constant 128 : i32
      %mul3A_296 = arith.constant 16 : i32
      %mul3A_297 = arith.muli %add3A_184, %mul3A_296 : i32
      %add3A_298 = arith.addi %mul3A_297, %mul3A_34 : i32
      %add3A_299 = arith.constant 3 : i32
      %add3A_300 = arith.addi %add3A_298, %add3A_299 : i32
      %dma_start3A_301 = arith.constant 0 : i32
      %dma_start3A_302 = tpu.memref_slice %arg4[%add3A_300, %dma_start3A_301] : memref<3200x16384xf32, #tpu.memory_space<hbm>> -> memref<1x16384xf32, #tpu.memory_space<hbm>>
      %dma_start3A_303 = tpu.memref_squeeze %dma_start3A_302 : memref<1x16384xf32, #tpu.memory_space<hbm>> -> memref<16384xf32, #tpu.memory_space<hbm>>
      %dma_start3A_304 = arith.constant 0 : i32
      %dma_start3A_305 = tpu.memref_slice %arg4[%add3A_300, %dma_start3A_304] : memref<3200x16384xf32, #tpu.memory_space<hbm>> -> memref<1x16384xf32, #tpu.memory_space<hbm>>
      %dma_start3A_306 = tpu.memref_squeeze %dma_start3A_305 : memref<1x16384xf32, #tpu.memory_space<hbm>> -> memref<16384xf32, #tpu.memory_space<hbm>>
      tpu.enqueue_dma source(%arg9 : memref<16384xf32, #tpu.memory_space<vmem>>) target(%dma_start3A_306 : memref<16384xf32, #tpu.memory_space<hbm>>) target_semaphore(%arg13 : memref<!tpu.dma_semaphore, #tpu.memory_space<semaphore_mem>>)
      %dma_wait3A_307 = arith.constant 0 : i32
      %dma_wait3A_308 = tpu.memref_slice %arg3[%mul3A_18, %dma_wait3A_307] : memref<200x16384xi32, #tpu.memory_space<hbm>> -> memref<1x16384xi32, #tpu.memory_space<hbm>>
      %dma_wait3A_309 = tpu.memref_squeeze %dma_wait3A_308 : memref<1x16384xi32, #tpu.memory_space<hbm>> -> memref<16384xi32, #tpu.memory_space<hbm>>
      %dma_wait3A_310 = arith.constant 0 : i32
      %dma_wait3A_311 = tpu.memref_slice %arg3[%mul3A_18, %dma_wait3A_310] : memref<200x16384xi32, #tpu.memory_space<hbm>> -> memref<1x16384xi32, #tpu.memory_space<hbm>>
      %dma_wait3A_312 = tpu.memref_squeeze %dma_wait3A_311 : memref<1x16384xi32, #tpu.memory_space<hbm>> -> memref<16384xi32, #tpu.memory_space<hbm>>
      tpu.wait_dma2 semaphore(%arg10 : memref<!tpu.dma_semaphore, #tpu.memory_space<semaphore_mem>>) src(%dma_wait3A_312 : memref<16384xi32, #tpu.memory_space<hbm>>) dst(%arg6 : memref<16384xi32, #tpu.memory_space<vmem>>)
      %add3A_313 = arith.constant 2 : i32
      %add3A_314 = arith.addi %add3A_184, %add3A_313 : i32
      %min3A = arith.minsi %add3A_314, %sub3A_38 : i32
      %dma_start3A_315 = arith.constant 0 : i32
      %dma_start3A_316 = tpu.memref_slice %arg3[%min3A, %dma_start3A_315] : memref<200x16384xi32, #tpu.memory_space<hbm>> -> memref<1x16384xi32, #tpu.memory_space<hbm>>
      %dma_start3A_317 = tpu.memref_squeeze %dma_start3A_316 : memref<1x16384xi32, #tpu.memory_space<hbm>> -> memref<16384xi32, #tpu.memory_space<hbm>>
      %dma_start3A_318 = arith.constant 0 : i32
      %dma_start3A_319 = tpu.memref_slice %arg3[%min3A, %dma_start3A_318] : memref<200x16384xi32, #tpu.memory_space<hbm>> -> memref<1x16384xi32, #tpu.memory_space<hbm>>
      %dma_start3A_320 = tpu.memref_squeeze %dma_start3A_319 : memref<1x16384xi32, #tpu.memory_space<hbm>> -> memref<16384xi32, #tpu.memory_space<hbm>>
      tpu.enqueue_dma source(%dma_start3A_320 : memref<16384xi32, #tpu.memory_space<hbm>>) target(%arg7 : memref<16384xi32, #tpu.memory_space<vmem>>) target_semaphore(%arg11 : memref<!tpu.dma_semaphore, #tpu.memory_space<semaphore_mem>>)
      %add3A_321 = arith.constant 1 : i32
      %add3A_322 = arith.addi %add3A_184, %add3A_321 : i32
      %dma_wait3A_323 = arith.constant 0 : i32
      %dma_wait3A_324 = arith.constant 0 : i32
      %dma_wait3A_325 = tpu.memref_slice %arg4[%dma_wait3A_323, %dma_wait3A_324] : memref<3200x16384xf32, #tpu.memory_space<hbm>> -> memref<1x16384xf32, #tpu.memory_space<hbm>>
      %dma_wait3A_326 = tpu.memref_squeeze %dma_wait3A_325 : memref<1x16384xf32, #tpu.memory_space<hbm>> -> memref<16384xf32, #tpu.memory_space<hbm>>
      %dma_wait3A_327 = arith.constant 0 : i32
      %dma_wait3A_328 = tpu.memref_slice %arg4[%dma_wait3A_323, %dma_wait3A_327] : memref<3200x16384xf32, #tpu.memory_space<hbm>> -> memref<1x16384xf32, #tpu.memory_space<hbm>>
      %dma_wait3A_329 = tpu.memref_squeeze %dma_wait3A_328 : memref<1x16384xf32, #tpu.memory_space<hbm>> -> memref<16384xf32, #tpu.memory_space<hbm>>
      tpu.wait_dma2 semaphore(%arg12 : memref<!tpu.dma_semaphore, #tpu.memory_space<semaphore_mem>>) src(%arg8 : memref<16384xf32, #tpu.memory_space<vmem>>) dst(%dma_wait3A_329 : memref<16384xf32, #tpu.memory_space<hbm>>)
      %add3A_330 = arith.constant 0 : i32
      %add3A_331 = arith.addi %mul3A_34, %add3A_330 : i32
      %mul3A_332 = arith.constant 16 : i32
      %mul3A_333 = arith.muli %add3A_331, %mul3A_332 : i32
      %scan3A_334 = arith.constant 0 : i32
      %scan3A_335 = arith.constant 128 : i32
      %scan3A_336 = arith.addi %scan3A_334, %scan3A_335 : i32
      %scan3A_337 = arith.constant 1 : i32
      scf.for %scan3A_431 = %scan3A_334 to %scan3A_336 step %scan3A_337  : i32 {
        %mul3A_432 = arith.constant 1 : i32
        %mul3A_433 = arith.muli %scan3A_431, %mul3A_432 : i32
        %add3A_434 = arith.constant 0 : i32
        %add3A_435 = arith.addi %add3A_434, %mul3A_433 : i32
        %mul3A_436 = arith.constant 8 : i32
        %mul3A_437 = arith.muli %add3A_435, %mul3A_436 : i32
        %add3A_438 = arith.constant 0 : i32
        %add3A_439 = arith.addi %mul3A_437, %add3A_438 : i32
        %mul3A_440 = arith.constant 16 : i32
        %mul3A_441 = arith.muli %add3A_439, %mul3A_440 : i32
        %get3A = arith.index_cast %mul3A_441 : i32 to index
        %get3A_442 = tpu.vector_load %arg6[%get3A] {strides = array<i32>} : memref<16384xi32, #tpu.memory_space<vmem>>, vector<16xi32>,
        %mul3A_443 = arith.constant 8 : i32
        %mul3A_444 = arith.muli %add3A_435, %mul3A_443 : i32
        %add3A_445 = arith.constant 1 : i32
        %add3A_446 = arith.addi %mul3A_444, %add3A_445 : i32
        %mul3A_447 = arith.constant 16 : i32
        %mul3A_448 = arith.muli %add3A_446, %mul3A_447 : i32
        %get3A_449 = arith.index_cast %mul3A_448 : i32 to index
        %get3A_450 = tpu.vector_load %arg6[%get3A_449] {strides = array<i32>} : memref<16384xi32, #tpu.memory_space<vmem>>, vector<16xi32>,
        %mul3A_451 = arith.constant 8 : i32
        %mul3A_452 = arith.muli %add3A_435, %mul3A_451 : i32
        %add3A_453 = arith.constant 2 : i32
        %add3A_454 = arith.addi %mul3A_452, %add3A_453 : i32
        %mul3A_455 = arith.constant 16 : i32
        %mul3A_456 = arith.muli %add3A_454, %mul3A_455 : i32
        %get3A_457 = arith.index_cast %mul3A_456 : i32 to index
        %get3A_458 = tpu.vector_load %arg6[%get3A_457] {strides = array<i32>} : memref<16384xi32, #tpu.memory_space<vmem>>, vector<16xi32>,
        %mul3A_459 = arith.constant 8 : i32
        %mul3A_460 = arith.muli %add3A_435, %mul3A_459 : i32
        %add3A_461 = arith.constant 3 : i32
        %add3A_462 = arith.addi %mul3A_460, %add3A_461 : i32
        %mul3A_463 = arith.constant 16 : i32
        %mul3A_464 = arith.muli %add3A_462, %mul3A_463 : i32
        %get3A_465 = arith.index_cast %mul3A_464 : i32 to index
        %get3A_466 = tpu.vector_load %arg6[%get3A_465] {strides = array<i32>} : memref<16384xi32, #tpu.memory_space<vmem>>, vector<16xi32>,
        %mul3A_467 = arith.constant 8 : i32
        %mul3A_468 = arith.muli %add3A_435, %mul3A_467 : i32
        %add3A_469 = arith.constant 4 : i32
        %add3A_470 = arith.addi %mul3A_468, %add3A_469 : i32
        %mul3A_471 = arith.constant 16 : i32
        %mul3A_472 = arith.muli %add3A_470, %mul3A_471 : i32
        %get3A_473 = arith.index_cast %mul3A_472 : i32 to index
        %get3A_474 = tpu.vector_load %arg6[%get3A_473] {strides = array<i32>} : memref<16384xi32, #tpu.memory_space<vmem>>, vector<16xi32>,
        %mul3A_475 = arith.constant 8 : i32
        %mul3A_476 = arith.muli %add3A_435, %mul3A_475 : i32
        %add3A_477 = arith.constant 5 : i32
        %add3A_478 = arith.addi %mul3A_476, %add3A_477 : i32
        %mul3A_479 = arith.constant 16 : i32
        %mul3A_480 = arith.muli %add3A_478, %mul3A_479 : i32
        %get3A_481 = arith.index_cast %mul3A_480 : i32 to index
        %get3A_482 = tpu.vector_load %arg6[%get3A_481] {strides = array<i32>} : memref<16384xi32, #tpu.memory_space<vmem>>, vector<16xi32>,
        %mul3A_483 = arith.constant 8 : i32
        %mul3A_484 = arith.muli %add3A_435, %mul3A_483 : i32
        %add3A_485 = arith.constant 6 : i32
        %add3A_486 = arith.addi %mul3A_484, %add3A_485 : i32
        %mul3A_487 = arith.constant 16 : i32
        %mul3A_488 = arith.muli %add3A_486, %mul3A_487 : i32
        %get3A_489 = arith.index_cast %mul3A_488 : i32 to index
        %get3A_490 = tpu.vector_load %arg6[%get3A_489] {strides = array<i32>} : memref<16384xi32, #tpu.memory_space<vmem>>, vector<16xi32>,
        %mul3A_491 = arith.constant 8 : i32
        %mul3A_492 = arith.muli %add3A_435, %mul3A_491 : i32
        %add3A_493 = arith.constant 7 : i32
        %add3A_494 = arith.addi %mul3A_492, %add3A_493 : i32
        %mul3A_495 = arith.constant 16 : i32
        %mul3A_496 = arith.muli %add3A_494, %mul3A_495 : i32
        %get3A_497 = arith.index_cast %mul3A_496 : i32 to index
        %get3A_498 = tpu.vector_load %arg6[%get3A_497] {strides = array<i32>} : memref<16384xi32, #tpu.memory_space<vmem>>, vector<16xi32>,
        %add3A_499 = vector.broadcast %mul3A_333 : i32 to vector<16xi32>
        %add3A_500 = arith.addi %get3A_442, %add3A_499 : vector<16xi32>
        %gather3A = tpu.vector_load_idx %arg5[%add3A_500] : memref<256xf32, #tpu.memory_space<vmem>>[vector<16xi32>], vector<16xf32>,
        %add3A_501 = vector.broadcast %mul3A_333 : i32 to vector<16xi32>
        %add3A_502 = arith.addi %get3A_450, %add3A_501 : vector<16xi32>
        %gather3A_503 = tpu.vector_load_idx %arg5[%add3A_502] : memref<256xf32, #tpu.memory_space<vmem>>[vector<16xi32>], vector<16xf32>,
        %add3A_504 = vector.broadcast %mul3A_333 : i32 to vector<16xi32>
        %add3A_505 = arith.addi %get3A_458, %add3A_504 : vector<16xi32>
        %gather3A_506 = tpu.vector_load_idx %arg5[%add3A_505] : memref<256xf32, #tpu.memory_space<vmem>>[vector<16xi32>], vector<16xf32>,
        %add3A_507 = vector.broadcast %mul3A_333 : i32 to vector<16xi32>
        %add3A_508 = arith.addi %get3A_466, %add3A_507 : vector<16xi32>
        %gather3A_509 = tpu.vector_load_idx %arg5[%add3A_508] : memref<256xf32, #tpu.memory_space<vmem>>[vector<16xi32>], vector<16xf32>,
        %add3A_510 = vector.broadcast %mul3A_333 : i32 to vector<16xi32>
        %add3A_511 = arith.addi %get3A_474, %add3A_510 : vector<16xi32>
        %gather3A_512 = tpu.vector_load_idx %arg5[%add3A_511] : memref<256xf32, #tpu.memory_space<vmem>>[vector<16xi32>], vector<16xf32>,
        %add3A_513 = vector.broadcast %mul3A_333 : i32 to vector<16xi32>
        %add3A_514 = arith.addi %get3A_482, %add3A_513 : vector<16xi32>
        %gather3A_515 = tpu.vector_load_idx %arg5[%add3A_514] : memref<256xf32, #tpu.memory_space<vmem>>[vector<16xi32>], vector<16xf32>,
        %add3A_516 = vector.broadcast %mul3A_333 : i32 to vector<16xi32>
        %add3A_517 = arith.addi %get3A_490, %add3A_516 : vector<16xi32>
        %gather3A_518 = tpu.vector_load_idx %arg5[%add3A_517] : memref<256xf32, #tpu.memory_space<vmem>>[vector<16xi32>], vector<16xf32>,
        %add3A_519 = vector.broadcast %mul3A_333 : i32 to vector<16xi32>
        %add3A_520 = arith.addi %get3A_498, %add3A_519 : vector<16xi32>
        %gather3A_521 = tpu.vector_load_idx %arg5[%add3A_520] : memref<256xf32, #tpu.memory_space<vmem>>[vector<16xi32>], vector<16xf32>,
        %mul3A_522 = arith.constant 8 : i32
        %mul3A_523 = arith.muli %add3A_435, %mul3A_522 : i32
        %add3A_524 = arith.constant 0 : i32
        %add3A_525 = arith.addi %mul3A_523, %add3A_524 : i32
        %mul3A_526 = arith.constant 16 : i32
        %mul3A_527 = arith.muli %add3A_525, %mul3A_526 : i32
        %swap3A = arith.index_cast %mul3A_527 : i32 to index
        %swap3A_528 = tpu.vector_load %arg8[%swap3A] {strides = array<i32>} : memref<16384xf32, #tpu.memory_space<vmem>>, vector<16xf32>,
        tpu.vector_store %arg8[%swap3A], %gather3A {strides = array<i32>} : memref<16384xf32, #tpu.memory_space<vmem>>, vector<16xf32>,
        %mul3A_529 = arith.constant 8 : i32
        %mul3A_530 = arith.muli %add3A_435, %mul3A_529 : i32
        %add3A_531 = arith.constant 1 : i32
        %add3A_532 = arith.addi %mul3A_530, %add3A_531 : i32
        %mul3A_533 = arith.constant 16 : i32
        %mul3A_534 = arith.muli %add3A_532, %mul3A_533 : i32
        %swap3A_535 = arith.index_cast %mul3A_534 : i32 to index
        %swap3A_536 = tpu.vector_load %arg8[%swap3A_535] {strides = array<i32>} : memref<16384xf32, #tpu.memory_space<vmem>>, vector<16xf32>,
        tpu.vector_store %arg8[%swap3A_535], %gather3A_503 {strides = array<i32>} : memref<16384xf32, #tpu.memory_space<vmem>>, vector<16xf32>,
        %mul3A_537 = arith.constant 8 : i32
        %mul3A_538 = arith.muli %add3A_435, %mul3A_537 : i32
        %add3A_539 = arith.constant 2 : i32
        %add3A_540 = arith.addi %mul3A_538, %add3A_539 : i32
        %mul3A_541 = arith.constant 16 : i32
        %mul3A_542 = arith.muli %add3A_540, %mul3A_541 : i32
        %swap3A_543 = arith.index_cast %mul3A_542 : i32 to index
        %swap3A_544 = tpu.vector_load %arg8[%swap3A_543] {strides = array<i32>} : memref<16384xf32, #tpu.memory_space<vmem>>, vector<16xf32>,
        tpu.vector_store %arg8[%swap3A_543], %gather3A_506 {strides = array<i32>} : memref<16384xf32, #tpu.memory_space<vmem>>, vector<16xf32>,
        %mul3A_545 = arith.constant 8 : i32
        %mul3A_546 = arith.muli %add3A_435, %mul3A_545 : i32
        %add3A_547 = arith.constant 3 : i32
        %add3A_548 = arith.addi %mul3A_546, %add3A_547 : i32
        %mul3A_549 = arith.constant 16 : i32
        %mul3A_550 = arith.muli %add3A_548, %mul3A_549 : i32
        %swap3A_551 = arith.index_cast %mul3A_550 : i32 to index
        %swap3A_552 = tpu.vector_load %arg8[%swap3A_551] {strides = array<i32>} : memref<16384xf32, #tpu.memory_space<vmem>>, vector<16xf32>,
        tpu.vector_store %arg8[%swap3A_551], %gather3A_509 {strides = array<i32>} : memref<16384xf32, #tpu.memory_space<vmem>>, vector<16xf32>,
        %mul3A_553 = arith.constant 8 : i32
        %mul3A_554 = arith.muli %add3A_435, %mul3A_553 : i32
        %add3A_555 = arith.constant 4 : i32
        %add3A_556 = arith.addi %mul3A_554, %add3A_555 : i32
        %mul3A_557 = arith.constant 16 : i32
        %mul3A_558 = arith.muli %add3A_556, %mul3A_557 : i32
        %swap3A_559 = arith.index_cast %mul3A_558 : i32 to index
        %swap3A_560 = tpu.vector_load %arg8[%swap3A_559] {strides = array<i32>} : memref<16384xf32, #tpu.memory_space<vmem>>, vector<16xf32>,
        tpu.vector_store %arg8[%swap3A_559], %gather3A_512 {strides = array<i32>} : memref<16384xf32, #tpu.memory_space<vmem>>, vector<16xf32>,
        %mul3A_561 = arith.constant 8 : i32
        %mul3A_562 = arith.muli %add3A_435, %mul3A_561 : i32
        %add3A_563 = arith.constant 5 : i32
        %add3A_564 = arith.addi %mul3A_562, %add3A_563 : i32
        %mul3A_565 = arith.constant 16 : i32
        %mul3A_566 = arith.muli %add3A_564, %mul3A_565 : i32
        %swap3A_567 = arith.index_cast %mul3A_566 : i32 to index
        %swap3A_568 = tpu.vector_load %arg8[%swap3A_567] {strides = array<i32>} : memref<16384xf32, #tpu.memory_space<vmem>>, vector<16xf32>,
        tpu.vector_store %arg8[%swap3A_567], %gather3A_515 {strides = array<i32>} : memref<16384xf32, #tpu.memory_space<vmem>>, vector<16xf32>,
        %mul3A_569 = arith.constant 8 : i32
        %mul3A_570 = arith.muli %add3A_435, %mul3A_569 : i32
        %add3A_571 = arith.constant 6 : i32
        %add3A_572 = arith.addi %mul3A_570, %add3A_571 : i32
        %mul3A_573 = arith.constant 16 : i32
        %mul3A_574 = arith.muli %add3A_572, %mul3A_573 : i32
        %swap3A_575 = arith.index_cast %mul3A_574 : i32 to index
        %swap3A_576 = tpu.vector_load %arg8[%swap3A_575] {strides = array<i32>} : memref<16384xf32, #tpu.memory_space<vmem>>, vector<16xf32>,
        tpu.vector_store %arg8[%swap3A_575], %gather3A_518 {strides = array<i32>} : memref<16384xf32, #tpu.memory_space<vmem>>, vector<16xf32>,
        %mul3A_577 = arith.constant 8 : i32
        %mul3A_578 = arith.muli %add3A_435, %mul3A_577 : i32
        %add3A_579 = arith.constant 7 : i32
        %add3A_580 = arith.addi %mul3A_578, %add3A_579 : i32
        %mul3A_581 = arith.constant 16 : i32
        %mul3A_582 = arith.muli %add3A_580, %mul3A_581 : i32
        %swap3A_583 = arith.index_cast %mul3A_582 : i32 to index
        %swap3A_584 = tpu.vector_load %arg8[%swap3A_583] {strides = array<i32>} : memref<16384xf32, #tpu.memory_space<vmem>>, vector<16xf32>,
        tpu.vector_store %arg8[%swap3A_583], %gather3A_521 {strides = array<i32>} : memref<16384xf32, #tpu.memory_space<vmem>>, vector<16xf32>,
      }
      %scan3A_338 = arith.constant 128 : i32
      %mul3A_339 = arith.constant 16 : i32
      %mul3A_340 = arith.muli %add3A_322, %mul3A_339 : i32
      %add3A_341 = arith.addi %mul3A_340, %mul3A_34 : i32
      %add3A_342 = arith.constant 0 : i32
      %add3A_343 = arith.addi %add3A_341, %add3A_342 : i32
      %dma_start3A_344 = arith.constant 0 : i32
      %dma_start3A_345 = tpu.memref_slice %arg4[%add3A_343, %dma_start3A_344] : memref<3200x16384xf32, #tpu.memory_space<hbm>> -> memref<1x16384xf32, #tpu.memory_space<hbm>>
      %dma_start3A_346 = tpu.memref_squeeze %dma_start3A_345 : memref<1x16384xf32, #tpu.memory_space<hbm>> -> memref<16384xf32, #tpu.memory_space<hbm>>
      %dma_start3A_347 = arith.constant 0 : i32
      %dma_start3A_348 = tpu.memref_slice %arg4[%add3A_343, %dma_start3A_347] : memref<3200x16384xf32, #tpu.memory_space<hbm>> -> memref<1x16384xf32, #tpu.memory_space<hbm>>
      %dma_start3A_349 = tpu.memref_squeeze %dma_start3A_348 : memref<1x16384xf32, #tpu.memory_space<hbm>> -> memref<16384xf32, #tpu.memory_space<hbm>>
      tpu.enqueue_dma source(%arg8 : memref<16384xf32, #tpu.memory_space<vmem>>) target(%dma_start3A_349 : memref<16384xf32, #tpu.memory_space<hbm>>) target_semaphore(%arg12 : memref<!tpu.dma_semaphore, #tpu.memory_space<semaphore_mem>>)
      %dma_wait3A_350 = arith.constant 0 : i32
      %dma_wait3A_351 = arith.constant 0 : i32
      %dma_wait3A_352 = tpu.memref_slice %arg4[%dma_wait3A_350, %dma_wait3A_351] : memref<3200x16384xf32, #tpu.memory_space<hbm>> -> memref<1x16384xf32, #tpu.memory_space<hbm>>
      %dma_wait3A_353 = tpu.memref_squeeze %dma_wait3A_352 : memref<1x16384xf32, #tpu.memory_space<hbm>> -> memref<16384xf32, #tpu.memory_space<hbm>>
      %dma_wait3A_354 = arith.constant 0 : i32
      %dma_wait3A_355 = tpu.memref_slice %arg4[%dma_wait3A_350, %dma_wait3A_354] : memref<3200x16384xf32, #tpu.memory_space<hbm>> -> memref<1x16384xf32, #tpu.memory_space<hbm>>
      %dma_wait3A_356 = tpu.memref_squeeze %dma_wait3A_355 : memref<1x16384xf32, #tpu.memory_space<hbm>> -> memref<16384xf32, #tpu.memory_space<hbm>>
      tpu.wait_dma2 semaphore(%arg13 : memref<!tpu.dma_semaphore, #tpu.memory_space<semaphore_mem>>) src(%arg9 : memref<16384xf32, #tpu.memory_space<vmem>>) dst(%dma_wait3A_356 : memref<16384xf32, #tpu.memory_space<hbm>>)
      %add3A_357 = arith.constant 1 : i32
      %add3A_358 = arith.addi %mul3A_34, %add3A_357 : i32
      %mul3A_359 = arith.constant 16 : i32
      %mul3A_360 = arith.muli %add3A_358, %mul3A_359 : i32
      %scan3A_361 = arith.constant 0 : i32
      %scan3A_362 = arith.constant 128 : i32
      %scan3A_363 = arith.addi %scan3A_361, %scan3A_362 : i32
      %scan3A_364 = arith.constant 1 : i32
      scf.for %scan3A_431 = %scan3A_361 to %scan3A_363 step %scan3A_364  : i32 {
        %mul3A_432 = arith.constant 1 : i32
        %mul3A_433 = arith.muli %scan3A_431, %mul3A_432 : i32
        %add3A_434 = arith.constant 0 : i32
        %add3A_435 = arith.addi %add3A_434, %mul3A_433 : i32
        %mul3A_436 = arith.constant 8 : i32
        %mul3A_437 = arith.muli %add3A_435, %mul3A_436 : i32
        %add3A_438 = arith.constant 0 : i32
        %add3A_439 = arith.addi %mul3A_437, %add3A_438 : i32
        %mul3A_440 = arith.constant 16 : i32
        %mul3A_441 = arith.muli %add3A_439, %mul3A_440 : i32
        %get3A = arith.index_cast %mul3A_441 : i32 to index
        %get3A_442 = tpu.vector_load %arg6[%get3A] {strides = array<i32>} : memref<16384xi32, #tpu.memory_space<vmem>>, vector<16xi32>,
        %mul3A_443 = arith.constant 8 : i32
        %mul3A_444 = arith.muli %add3A_435, %mul3A_443 : i32
        %add3A_445 = arith.constant 1 : i32
        %add3A_446 = arith.addi %mul3A_444, %add3A_445 : i32
        %mul3A_447 = arith.constant 16 : i32
        %mul3A_448 = arith.muli %add3A_446, %mul3A_447 : i32
        %get3A_449 = arith.index_cast %mul3A_448 : i32 to index
        %get3A_450 = tpu.vector_load %arg6[%get3A_449] {strides = array<i32>} : memref<16384xi32, #tpu.memory_space<vmem>>, vector<16xi32>,
        %mul3A_451 = arith.constant 8 : i32
        %mul3A_452 = arith.muli %add3A_435, %mul3A_451 : i32
        %add3A_453 = arith.constant 2 : i32
        %add3A_454 = arith.addi %mul3A_452, %add3A_453 : i32
        %mul3A_455 = arith.constant 16 : i32
        %mul3A_456 = arith.muli %add3A_454, %mul3A_455 : i32
        %get3A_457 = arith.index_cast %mul3A_456 : i32 to index
        %get3A_458 = tpu.vector_load %arg6[%get3A_457] {strides = array<i32>} : memref<16384xi32, #tpu.memory_space<vmem>>, vector<16xi32>,
        %mul3A_459 = arith.constant 8 : i32
        %mul3A_460 = arith.muli %add3A_435, %mul3A_459 : i32
        %add3A_461 = arith.constant 3 : i32
        %add3A_462 = arith.addi %mul3A_460, %add3A_461 : i32
        %mul3A_463 = arith.constant 16 : i32
        %mul3A_464 = arith.muli %add3A_462, %mul3A_463 : i32
        %get3A_465 = arith.index_cast %mul3A_464 : i32 to index
        %get3A_466 = tpu.vector_load %arg6[%get3A_465] {strides = array<i32>} : memref<16384xi32, #tpu.memory_space<vmem>>, vector<16xi32>,
        %mul3A_467 = arith.constant 8 : i32
        %mul3A_468 = arith.muli %add3A_435, %mul3A_467 : i32
        %add3A_469 = arith.constant 4 : i32
        %add3A_470 = arith.addi %mul3A_468, %add3A_469 : i32
        %mul3A_471 = arith.constant 16 : i32
        %mul3A_472 = arith.muli %add3A_470, %mul3A_471 : i32
        %get3A_473 = arith.index_cast %mul3A_472 : i32 to index
        %get3A_474 = tpu.vector_load %arg6[%get3A_473] {strides = array<i32>} : memref<16384xi32, #tpu.memory_space<vmem>>, vector<16xi32>,
        %mul3A_475 = arith.constant 8 : i32
        %mul3A_476 = arith.muli %add3A_435, %mul3A_475 : i32
        %add3A_477 = arith.constant 5 : i32
        %add3A_478 = arith.addi %mul3A_476, %add3A_477 : i32
        %mul3A_479 = arith.constant 16 : i32
        %mul3A_480 = arith.muli %add3A_478, %mul3A_479 : i32
        %get3A_481 = arith.index_cast %mul3A_480 : i32 to index
        %get3A_482 = tpu.vector_load %arg6[%get3A_481] {strides = array<i32>} : memref<16384xi32, #tpu.memory_space<vmem>>, vector<16xi32>,
        %mul3A_483 = arith.constant 8 : i32
        %mul3A_484 = arith.muli %add3A_435, %mul3A_483 : i32
        %add3A_485 = arith.constant 6 : i32
        %add3A_486 = arith.addi %mul3A_484, %add3A_485 : i32
        %mul3A_487 = arith.constant 16 : i32
        %mul3A_488 = arith.muli %add3A_486, %mul3A_487 : i32
        %get3A_489 = arith.index_cast %mul3A_488 : i32 to index
        %get3A_490 = tpu.vector_load %arg6[%get3A_489] {strides = array<i32>} : memref<16384xi32, #tpu.memory_space<vmem>>, vector<16xi32>,
        %mul3A_491 = arith.constant 8 : i32
        %mul3A_492 = arith.muli %add3A_435, %mul3A_491 : i32
        %add3A_493 = arith.constant 7 : i32
        %add3A_494 = arith.addi %mul3A_492, %add3A_493 : i32
        %mul3A_495 = arith.constant 16 : i32
        %mul3A_496 = arith.muli %add3A_494, %mul3A_495 : i32
        %get3A_497 = arith.index_cast %mul3A_496 : i32 to index
        %get3A_498 = tpu.vector_load %arg6[%get3A_497] {strides = array<i32>} : memref<16384xi32, #tpu.memory_space<vmem>>, vector<16xi32>,
        %add3A_499 = vector.broadcast %mul3A_360 : i32 to vector<16xi32>
        %add3A_500 = arith.addi %get3A_442, %add3A_499 : vector<16xi32>
        %gather3A = tpu.vector_load_idx %arg5[%add3A_500] : memref<256xf32, #tpu.memory_space<vmem>>[vector<16xi32>], vector<16xf32>,
        %add3A_501 = vector.broadcast %mul3A_360 : i32 to vector<16xi32>
        %add3A_502 = arith.addi %get3A_450, %add3A_501 : vector<16xi32>
        %gather3A_503 = tpu.vector_load_idx %arg5[%add3A_502] : memref<256xf32, #tpu.memory_space<vmem>>[vector<16xi32>], vector<16xf32>,
        %add3A_504 = vector.broadcast %mul3A_360 : i32 to vector<16xi32>
        %add3A_505 = arith.addi %get3A_458, %add3A_504 : vector<16xi32>
        %gather3A_506 = tpu.vector_load_idx %arg5[%add3A_505] : memref<256xf32, #tpu.memory_space<vmem>>[vector<16xi32>], vector<16xf32>,
        %add3A_507 = vector.broadcast %mul3A_360 : i32 to vector<16xi32>
        %add3A_508 = arith.addi %get3A_466, %add3A_507 : vector<16xi32>
        %gather3A_509 = tpu.vector_load_idx %arg5[%add3A_508] : memref<256xf32, #tpu.memory_space<vmem>>[vector<16xi32>], vector<16xf32>,
        %add3A_510 = vector.broadcast %mul3A_360 : i32 to vector<16xi32>
        %add3A_511 = arith.addi %get3A_474, %add3A_510 : vector<16xi32>
        %gather3A_512 = tpu.vector_load_idx %arg5[%add3A_511] : memref<256xf32, #tpu.memory_space<vmem>>[vector<16xi32>], vector<16xf32>,
        %add3A_513 = vector.broadcast %mul3A_360 : i32 to vector<16xi32>
        %add3A_514 = arith.addi %get3A_482, %add3A_513 : vector<16xi32>
        %gather3A_515 = tpu.vector_load_idx %arg5[%add3A_514] : memref<256xf32, #tpu.memory_space<vmem>>[vector<16xi32>], vector<16xf32>,
        %add3A_516 = vector.broadcast %mul3A_360 : i32 to vector<16xi32>
        %add3A_517 = arith.addi %get3A_490, %add3A_516 : vector<16xi32>
        %gather3A_518 = tpu.vector_load_idx %arg5[%add3A_517] : memref<256xf32, #tpu.memory_space<vmem>>[vector<16xi32>], vector<16xf32>,
        %add3A_519 = vector.broadcast %mul3A_360 : i32 to vector<16xi32>
        %add3A_520 = arith.addi %get3A_498, %add3A_519 : vector<16xi32>
        %gather3A_521 = tpu.vector_load_idx %arg5[%add3A_520] : memref<256xf32, #tpu.memory_space<vmem>>[vector<16xi32>], vector<16xf32>,
        %mul3A_522 = arith.constant 8 : i32
        %mul3A_523 = arith.muli %add3A_435, %mul3A_522 : i32
        %add3A_524 = arith.constant 0 : i32
        %add3A_525 = arith.addi %mul3A_523, %add3A_524 : i32
        %mul3A_526 = arith.constant 16 : i32
        %mul3A_527 = arith.muli %add3A_525, %mul3A_526 : i32
        %swap3A = arith.index_cast %mul3A_527 : i32 to index
        %swap3A_528 = tpu.vector_load %arg9[%swap3A] {strides = array<i32>} : memref<16384xf32, #tpu.memory_space<vmem>>, vector<16xf32>,
        tpu.vector_store %arg9[%swap3A], %gather3A {strides = array<i32>} : memref<16384xf32, #tpu.memory_space<vmem>>, vector<16xf32>,
        %mul3A_529 = arith.constant 8 : i32
        %mul3A_530 = arith.muli %add3A_435, %mul3A_529 : i32
        %add3A_531 = arith.constant 1 : i32
        %add3A_532 = arith.addi %mul3A_530, %add3A_531 : i32
        %mul3A_533 = arith.constant 16 : i32
        %mul3A_534 = arith.muli %add3A_532, %mul3A_533 : i32
        %swap3A_535 = arith.index_cast %mul3A_534 : i32 to index
        %swap3A_536 = tpu.vector_load %arg9[%swap3A_535] {strides = array<i32>} : memref<16384xf32, #tpu.memory_space<vmem>>, vector<16xf32>,
        tpu.vector_store %arg9[%swap3A_535], %gather3A_503 {strides = array<i32>} : memref<16384xf32, #tpu.memory_space<vmem>>, vector<16xf32>,
        %mul3A_537 = arith.constant 8 : i32
        %mul3A_538 = arith.muli %add3A_435, %mul3A_537 : i32
        %add3A_539 = arith.constant 2 : i32
        %add3A_540 = arith.addi %mul3A_538, %add3A_539 : i32
        %mul3A_541 = arith.constant 16 : i32
        %mul3A_542 = arith.muli %add3A_540, %mul3A_541 : i32
        %swap3A_543 = arith.index_cast %mul3A_542 : i32 to index
        %swap3A_544 = tpu.vector_load %arg9[%swap3A_543] {strides = array<i32>} : memref<16384xf32, #tpu.memory_space<vmem>>, vector<16xf32>,
        tpu.vector_store %arg9[%swap3A_543], %gather3A_506 {strides = array<i32>} : memref<16384xf32, #tpu.memory_space<vmem>>, vector<16xf32>,
        %mul3A_545 = arith.constant 8 : i32
        %mul3A_546 = arith.muli %add3A_435, %mul3A_545 : i32
        %add3A_547 = arith.constant 3 : i32
        %add3A_548 = arith.addi %mul3A_546, %add3A_547 : i32
        %mul3A_549 = arith.constant 16 : i32
        %mul3A_550 = arith.muli %add3A_548, %mul3A_549 : i32
        %swap3A_551 = arith.index_cast %mul3A_550 : i32 to index
        %swap3A_552 = tpu.vector_load %arg9[%swap3A_551] {strides = array<i32>} : memref<16384xf32, #tpu.memory_space<vmem>>, vector<16xf32>,
        tpu.vector_store %arg9[%swap3A_551], %gather3A_509 {strides = array<i32>} : memref<16384xf32, #tpu.memory_space<vmem>>, vector<16xf32>,
        %mul3A_553 = arith.constant 8 : i32
        %mul3A_554 = arith.muli %add3A_435, %mul3A_553 : i32
        %add3A_555 = arith.constant 4 : i32
        %add3A_556 = arith.addi %mul3A_554, %add3A_555 : i32
        %mul3A_557 = arith.constant 16 : i32
        %mul3A_558 = arith.muli %add3A_556, %mul3A_557 : i32
        %swap3A_559 = arith.index_cast %mul3A_558 : i32 to index
        %swap3A_560 = tpu.vector_load %arg9[%swap3A_559] {strides = array<i32>} : memref<16384xf32, #tpu.memory_space<vmem>>, vector<16xf32>,
        tpu.vector_store %arg9[%swap3A_559], %gather3A_512 {strides = array<i32>} : memref<16384xf32, #tpu.memory_space<vmem>>, vector<16xf32>,
        %mul3A_561 = arith.constant 8 : i32
        %mul3A_562 = arith.muli %add3A_435, %mul3A_561 : i32
        %add3A_563 = arith.constant 5 : i32
        %add3A_564 = arith.addi %mul3A_562, %add3A_563 : i32
        %mul3A_565 = arith.constant 16 : i32
        %mul3A_566 = arith.muli %add3A_564, %mul3A_565 : i32
        %swap3A_567 = arith.index_cast %mul3A_566 : i32 to index
        %swap3A_568 = tpu.vector_load %arg9[%swap3A_567] {strides = array<i32>} : memref<16384xf32, #tpu.memory_space<vmem>>, vector<16xf32>,
        tpu.vector_store %arg9[%swap3A_567], %gather3A_515 {strides = array<i32>} : memref<16384xf32, #tpu.memory_space<vmem>>, vector<16xf32>,
        %mul3A_569 = arith.constant 8 : i32
        %mul3A_570 = arith.muli %add3A_435, %mul3A_569 : i32
        %add3A_571 = arith.constant 6 : i32
        %add3A_572 = arith.addi %mul3A_570, %add3A_571 : i32
        %mul3A_573 = arith.constant 16 : i32
        %mul3A_574 = arith.muli %add3A_572, %mul3A_573 : i32
        %swap3A_575 = arith.index_cast %mul3A_574 : i32 to index
        %swap3A_576 = tpu.vector_load %arg9[%swap3A_575] {strides = array<i32>} : memref<16384xf32, #tpu.memory_space<vmem>>, vector<16xf32>,
        tpu.vector_store %arg9[%swap3A_575], %gather3A_518 {strides = array<i32>} : memref<16384xf32, #tpu.memory_space<vmem>>, vector<16xf32>,
        %mul3A_577 = arith.constant 8 : i32
        %mul3A_578 = arith.muli %add3A_435, %mul3A_577 : i32
        %add3A_579 = arith.constant 7 : i32
        %add3A_580 = arith.addi %mul3A_578, %add3A_579 : i32
        %mul3A_581 = arith.constant 16 : i32
        %mul3A_582 = arith.muli %add3A_580, %mul3A_581 : i32
        %swap3A_583 = arith.index_cast %mul3A_582 : i32 to index
        %swap3A_584 = tpu.vector_load %arg9[%swap3A_583] {strides = array<i32>} : memref<16384xf32, #tpu.memory_space<vmem>>, vector<16xf32>,
        tpu.vector_store %arg9[%swap3A_583], %gather3A_521 {strides = array<i32>} : memref<16384xf32, #tpu.memory_space<vmem>>, vector<16xf32>,
      }
      %scan3A_365 = arith.constant 128 : i32
      %mul3A_366 = arith.constant 16 : i32
      %mul3A_367 = arith.muli %add3A_322, %mul3A_366 : i32
      %add3A_368 = arith.addi %mul3A_367, %mul3A_34 : i32
      %add3A_369 = arith.constant 1 : i32
      %add3A_370 = arith.addi %add3A_368, %add3A_369 : i32
      %dma_start3A_371 = arith.constant 0 : i32
      %dma_start3A_372 = tpu.memref_slice %arg4[%add3A_370, %dma_start3A_371] : memref<3200x16384xf32, #tpu.memory_space<hbm>> -> memref<1x16384xf32, #tpu.memory_space<hbm>>
      %dma_start3A_373 = tpu.memref_squeeze %dma_start3A_372 : memref<1x16384xf32, #tpu.memory_space<hbm>> -> memref<16384xf32, #tpu.memory_space<hbm>>
      %dma_start3A_374 = arith.constant 0 : i32
      %dma_start3A_375 = tpu.memref_slice %arg4[%add3A_370, %dma_start3A_374] : memref<3200x16384xf32, #tpu.memory_space<hbm>> -> memref<1x16384xf32, #tpu.memory_space<hbm>>
      %dma_start3A_376 = tpu.memref_squeeze %dma_start3A_375 : memref<1x16384xf32, #tpu.memory_space<hbm>> -> memref<16384xf32, #tpu.memory_space<hbm>>
      tpu.enqueue_dma source(%arg9 : memref<16384xf32, #tpu.memory_space<vmem>>) target(%dma_start3A_376 : memref<16384xf32, #tpu.memory_space<hbm>>) target_semaphore(%arg13 : memref<!tpu.dma_semaphore, #tpu.memory_space<semaphore_mem>>)
      %dma_wait3A_377 = arith.constant 0 : i32
      %dma_wait3A_378 = arith.constant 0 : i32
      %dma_wait3A_379 = tpu.memref_slice %arg4[%dma_wait3A_377, %dma_wait3A_378] : memref<3200x16384xf32, #tpu.memory_space<hbm>> -> memref<1x16384xf32, #tpu.memory_space<hbm>>
      %dma_wait3A_380 = tpu.memref_squeeze %dma_wait3A_379 : memref<1x16384xf32, #tpu.memory_space<hbm>> -> memref<16384xf32, #tpu.memory_space<hbm>>
      %dma_wait3A_381 = arith.constant 0 : i32
      %dma_wait3A_382 = tpu.memref_slice %arg4[%dma_wait3A_377, %dma_wait3A_381] : memref<3200x16384xf32, #tpu.memory_space<hbm>> -> memref<1x16384xf32, #tpu.memory_space<hbm>>
      %dma_wait3A_383 = tpu.memref_squeeze %dma_wait3A_382 : memref<1x16384xf32, #tpu.memory_space<hbm>> -> memref<16384xf32, #tpu.memory_space<hbm>>
      tpu.wait_dma2 semaphore(%arg12 : memref<!tpu.dma_semaphore, #tpu.memory_space<semaphore_mem>>) src(%arg8 : memref<16384xf32, #tpu.memory_space<vmem>>) dst(%dma_wait3A_383 : memref<16384xf32, #tpu.memory_space<hbm>>)
      %add3A_384 = arith.constant 2 : i32
      %add3A_385 = arith.addi %mul3A_34, %add3A_384 : i32
      %mul3A_386 = arith.constant 16 : i32
      %mul3A_387 = arith.muli %add3A_385, %mul3A_386 : i32
      %scan3A_388 = arith.constant 0 : i32
      %scan3A_389 = arith.constant 128 : i32
      %scan3A_390 = arith.addi %scan3A_388, %scan3A_389 : i32
      %scan3A_391 = arith.constant 1 : i32
      scf.for %scan3A_431 = %scan3A_388 to %scan3A_390 step %scan3A_391  : i32 {
        %mul3A_432 = arith.constant 1 : i32
        %mul3A_433 = arith.muli %scan3A_431, %mul3A_432 : i32
        %add3A_434 = arith.constant 0 : i32
        %add3A_435 = arith.addi %add3A_434, %mul3A_433 : i32
        %mul3A_436 = arith.constant 8 : i32
        %mul3A_437 = arith.muli %add3A_435, %mul3A_436 : i32
        %add3A_438 = arith.constant 0 : i32
        %add3A_439 = arith.addi %mul3A_437, %add3A_438 : i32
        %mul3A_440 = arith.constant 16 : i32
        %mul3A_441 = arith.muli %add3A_439, %mul3A_440 : i32
        %get3A = arith.index_cast %mul3A_441 : i32 to index
        %get3A_442 = tpu.vector_load %arg6[%get3A] {strides = array<i32>} : memref<16384xi32, #tpu.memory_space<vmem>>, vector<16xi32>,
        %mul3A_443 = arith.constant 8 : i32
        %mul3A_444 = arith.muli %add3A_435, %mul3A_443 : i32
        %add3A_445 = arith.constant 1 : i32
        %add3A_446 = arith.addi %mul3A_444, %add3A_445 : i32
        %mul3A_447 = arith.constant 16 : i32
        %mul3A_448 = arith.muli %add3A_446, %mul3A_447 : i32
        %get3A_449 = arith.index_cast %mul3A_448 : i32 to index
        %get3A_450 = tpu.vector_load %arg6[%get3A_449] {strides = array<i32>} : memref<16384xi32, #tpu.memory_space<vmem>>, vector<16xi32>,
        %mul3A_451 = arith.constant 8 : i32
        %mul3A_452 = arith.muli %add3A_435, %mul3A_451 : i32
        %add3A_453 = arith.constant 2 : i32
        %add3A_454 = arith.addi %mul3A_452, %add3A_453 : i32
        %mul3A_455 = arith.constant 16 : i32
        %mul3A_456 = arith.muli %add3A_454, %mul3A_455 : i32
        %get3A_457 = arith.index_cast %mul3A_456 : i32 to index
        %get3A_458 = tpu.vector_load %arg6[%get3A_457] {strides = array<i32>} : memref<16384xi32, #tpu.memory_space<vmem>>, vector<16xi32>,
        %mul3A_459 = arith.constant 8 : i32
        %mul3A_460 = arith.muli %add3A_435, %mul3A_459 : i32
        %add3A_461 = arith.constant 3 : i32
        %add3A_462 = arith.addi %mul3A_460, %add3A_461 : i32
        %mul3A_463 = arith.constant 16 : i32
        %mul3A_464 = arith.muli %add3A_462, %mul3A_463 : i32
        %get3A_465 = arith.index_cast %mul3A_464 : i32 to index
        %get3A_466 = tpu.vector_load %arg6[%get3A_465] {strides = array<i32>} : memref<16384xi32, #tpu.memory_space<vmem>>, vector<16xi32>,
        %mul3A_467 = arith.constant 8 : i32
        %mul3A_468 = arith.muli %add3A_435, %mul3A_467 : i32
        %add3A_469 = arith.constant 4 : i32
        %add3A_470 = arith.addi %mul3A_468, %add3A_469 : i32
        %mul3A_471 = arith.constant 16 : i32
        %mul3A_472 = arith.muli %add3A_470, %mul3A_471 : i32
        %get3A_473 = arith.index_cast %mul3A_472 : i32 to index
        %get3A_474 = tpu.vector_load %arg6[%get3A_473] {strides = array<i32>} : memref<16384xi32, #tpu.memory_space<vmem>>, vector<16xi32>,
        %mul3A_475 = arith.constant 8 : i32
        %mul3A_476 = arith.muli %add3A_435, %mul3A_475 : i32
        %add3A_477 = arith.constant 5 : i32
        %add3A_478 = arith.addi %mul3A_476, %add3A_477 : i32
        %mul3A_479 = arith.constant 16 : i32
        %mul3A_480 = arith.muli %add3A_478, %mul3A_479 : i32
        %get3A_481 = arith.index_cast %mul3A_480 : i32 to index
        %get3A_482 = tpu.vector_load %arg6[%get3A_481] {strides = array<i32>} : memref<16384xi32, #tpu.memory_space<vmem>>, vector<16xi32>,
        %mul3A_483 = arith.constant 8 : i32
        %mul3A_484 = arith.muli %add3A_435, %mul3A_483 : i32
        %add3A_485 = arith.constant 6 : i32
        %add3A_486 = arith.addi %mul3A_484, %add3A_485 : i32
        %mul3A_487 = arith.constant 16 : i32
        %mul3A_488 = arith.muli %add3A_486, %mul3A_487 : i32
        %get3A_489 = arith.index_cast %mul3A_488 : i32 to index
        %get3A_490 = tpu.vector_load %arg6[%get3A_489] {strides = array<i32>} : memref<16384xi32, #tpu.memory_space<vmem>>, vector<16xi32>,
        %mul3A_491 = arith.constant 8 : i32
        %mul3A_492 = arith.muli %add3A_435, %mul3A_491 : i32
        %add3A_493 = arith.constant 7 : i32
        %add3A_494 = arith.addi %mul3A_492, %add3A_493 : i32
        %mul3A_495 = arith.constant 16 : i32
        %mul3A_496 = arith.muli %add3A_494, %mul3A_495 : i32
        %get3A_497 = arith.index_cast %mul3A_496 : i32 to index
        %get3A_498 = tpu.vector_load %arg6[%get3A_497] {strides = array<i32>} : memref<16384xi32, #tpu.memory_space<vmem>>, vector<16xi32>,
        %add3A_499 = vector.broadcast %mul3A_387 : i32 to vector<16xi32>
        %add3A_500 = arith.addi %get3A_442, %add3A_499 : vector<16xi32>
        %gather3A = tpu.vector_load_idx %arg5[%add3A_500] : memref<256xf32, #tpu.memory_space<vmem>>[vector<16xi32>], vector<16xf32>,
        %add3A_501 = vector.broadcast %mul3A_387 : i32 to vector<16xi32>
        %add3A_502 = arith.addi %get3A_450, %add3A_501 : vector<16xi32>
        %gather3A_503 = tpu.vector_load_idx %arg5[%add3A_502] : memref<256xf32, #tpu.memory_space<vmem>>[vector<16xi32>], vector<16xf32>,
        %add3A_504 = vector.broadcast %mul3A_387 : i32 to vector<16xi32>
        %add3A_505 = arith.addi %get3A_458, %add3A_504 : vector<16xi32>
        %gather3A_506 = tpu.vector_load_idx %arg5[%add3A_505] : memref<256xf32, #tpu.memory_space<vmem>>[vector<16xi32>], vector<16xf32>,
        %add3A_507 = vector.broadcast %mul3A_387 : i32 to vector<16xi32>
        %add3A_508 = arith.addi %get3A_466, %add3A_507 : vector<16xi32>
        %gather3A_509 = tpu.vector_load_idx %arg5[%add3A_508] : memref<256xf32, #tpu.memory_space<vmem>>[vector<16xi32>], vector<16xf32>,
        %add3A_510 = vector.broadcast %mul3A_387 : i32 to vector<16xi32>
        %add3A_511 = arith.addi %get3A_474, %add3A_510 : vector<16xi32>
        %gather3A_512 = tpu.vector_load_idx %arg5[%add3A_511] : memref<256xf32, #tpu.memory_space<vmem>>[vector<16xi32>], vector<16xf32>,
        %add3A_513 = vector.broadcast %mul3A_387 : i32 to vector<16xi32>
        %add3A_514 = arith.addi %get3A_482, %add3A_513 : vector<16xi32>
        %gather3A_515 = tpu.vector_load_idx %arg5[%add3A_514] : memref<256xf32, #tpu.memory_space<vmem>>[vector<16xi32>], vector<16xf32>,
        %add3A_516 = vector.broadcast %mul3A_387 : i32 to vector<16xi32>
        %add3A_517 = arith.addi %get3A_490, %add3A_516 : vector<16xi32>
        %gather3A_518 = tpu.vector_load_idx %arg5[%add3A_517] : memref<256xf32, #tpu.memory_space<vmem>>[vector<16xi32>], vector<16xf32>,
        %add3A_519 = vector.broadcast %mul3A_387 : i32 to vector<16xi32>
        %add3A_520 = arith.addi %get3A_498, %add3A_519 : vector<16xi32>
        %gather3A_521 = tpu.vector_load_idx %arg5[%add3A_520] : memref<256xf32, #tpu.memory_space<vmem>>[vector<16xi32>], vector<16xf32>,
        %mul3A_522 = arith.constant 8 : i32
        %mul3A_523 = arith.muli %add3A_435, %mul3A_522 : i32
        %add3A_524 = arith.constant 0 : i32
        %add3A_525 = arith.addi %mul3A_523, %add3A_524 : i32
        %mul3A_526 = arith.constant 16 : i32
        %mul3A_527 = arith.muli %add3A_525, %mul3A_526 : i32
        %swap3A = arith.index_cast %mul3A_527 : i32 to index
        %swap3A_528 = tpu.vector_load %arg8[%swap3A] {strides = array<i32>} : memref<16384xf32, #tpu.memory_space<vmem>>, vector<16xf32>,
        tpu.vector_store %arg8[%swap3A], %gather3A {strides = array<i32>} : memref<16384xf32, #tpu.memory_space<vmem>>, vector<16xf32>,
        %mul3A_529 = arith.constant 8 : i32
        %mul3A_530 = arith.muli %add3A_435, %mul3A_529 : i32
        %add3A_531 = arith.constant 1 : i32
        %add3A_532 = arith.addi %mul3A_530, %add3A_531 : i32
        %mul3A_533 = arith.constant 16 : i32
        %mul3A_534 = arith.muli %add3A_532, %mul3A_533 : i32
        %swap3A_535 = arith.index_cast %mul3A_534 : i32 to index
        %swap3A_536 = tpu.vector_load %arg8[%swap3A_535] {strides = array<i32>} : memref<16384xf32, #tpu.memory_space<vmem>>, vector<16xf32>,
        tpu.vector_store %arg8[%swap3A_535], %gather3A_503 {strides = array<i32>} : memref<16384xf32, #tpu.memory_space<vmem>>, vector<16xf32>,
        %mul3A_537 = arith.constant 8 : i32
        %mul3A_538 = arith.muli %add3A_435, %mul3A_537 : i32
        %add3A_539 = arith.constant 2 : i32
        %add3A_540 = arith.addi %mul3A_538, %add3A_539 : i32
        %mul3A_541 = arith.constant 16 : i32
        %mul3A_542 = arith.muli %add3A_540, %mul3A_541 : i32
        %swap3A_543 = arith.index_cast %mul3A_542 : i32 to index
        %swap3A_544 = tpu.vector_load %arg8[%swap3A_543] {strides = array<i32>} : memref<16384xf32, #tpu.memory_space<vmem>>, vector<16xf32>,
        tpu.vector_store %arg8[%swap3A_543], %gather3A_506 {strides = array<i32>} : memref<16384xf32, #tpu.memory_space<vmem>>, vector<16xf32>,
        %mul3A_545 = arith.constant 8 : i32
        %mul3A_546 = arith.muli %add3A_435, %mul3A_545 : i32
        %add3A_547 = arith.constant 3 : i32
        %add3A_548 = arith.addi %mul3A_546, %add3A_547 : i32
        %mul3A_549 = arith.constant 16 : i32
        %mul3A_550 = arith.muli %add3A_548, %mul3A_549 : i32
        %swap3A_551 = arith.index_cast %mul3A_550 : i32 to index
        %swap3A_552 = tpu.vector_load %arg8[%swap3A_551] {strides = array<i32>} : memref<16384xf32, #tpu.memory_space<vmem>>, vector<16xf32>,
        tpu.vector_store %arg8[%swap3A_551], %gather3A_509 {strides = array<i32>} : memref<16384xf32, #tpu.memory_space<vmem>>, vector<16xf32>,
        %mul3A_553 = arith.constant 8 : i32
        %mul3A_554 = arith.muli %add3A_435, %mul3A_553 : i32
        %add3A_555 = arith.constant 4 : i32
        %add3A_556 = arith.addi %mul3A_554, %add3A_555 : i32
        %mul3A_557 = arith.constant 16 : i32
        %mul3A_558 = arith.muli %add3A_556, %mul3A_557 : i32
        %swap3A_559 = arith.index_cast %mul3A_558 : i32 to index
        %swap3A_560 = tpu.vector_load %arg8[%swap3A_559] {strides = array<i32>} : memref<16384xf32, #tpu.memory_space<vmem>>, vector<16xf32>,
        tpu.vector_store %arg8[%swap3A_559], %gather3A_512 {strides = array<i32>} : memref<16384xf32, #tpu.memory_space<vmem>>, vector<16xf32>,
        %mul3A_561 = arith.constant 8 : i32
        %mul3A_562 = arith.muli %add3A_435, %mul3A_561 : i32
        %add3A_563 = arith.constant 5 : i32
        %add3A_564 = arith.addi %mul3A_562, %add3A_563 : i32
        %mul3A_565 = arith.constant 16 : i32
        %mul3A_566 = arith.muli %add3A_564, %mul3A_565 : i32
        %swap3A_567 = arith.index_cast %mul3A_566 : i32 to index
        %swap3A_568 = tpu.vector_load %arg8[%swap3A_567] {strides = array<i32>} : memref<16384xf32, #tpu.memory_space<vmem>>, vector<16xf32>,
        tpu.vector_store %arg8[%swap3A_567], %gather3A_515 {strides = array<i32>} : memref<16384xf32, #tpu.memory_space<vmem>>, vector<16xf32>,
        %mul3A_569 = arith.constant 8 : i32
        %mul3A_570 = arith.muli %add3A_435, %mul3A_569 : i32
        %add3A_571 = arith.constant 6 : i32
        %add3A_572 = arith.addi %mul3A_570, %add3A_571 : i32
        %mul3A_573 = arith.constant 16 : i32
        %mul3A_574 = arith.muli %add3A_572, %mul3A_573 : i32
        %swap3A_575 = arith.index_cast %mul3A_574 : i32 to index
        %swap3A_576 = tpu.vector_load %arg8[%swap3A_575] {strides = array<i32>} : memref<16384xf32, #tpu.memory_space<vmem>>, vector<16xf32>,
        tpu.vector_store %arg8[%swap3A_575], %gather3A_518 {strides = array<i32>} : memref<16384xf32, #tpu.memory_space<vmem>>, vector<16xf32>,
        %mul3A_577 = arith.constant 8 : i32
        %mul3A_578 = arith.muli %add3A_435, %mul3A_577 : i32
        %add3A_579 = arith.constant 7 : i32
        %add3A_580 = arith.addi %mul3A_578, %add3A_579 : i32
        %mul3A_581 = arith.constant 16 : i32
        %mul3A_582 = arith.muli %add3A_580, %mul3A_581 : i32
        %swap3A_583 = arith.index_cast %mul3A_582 : i32 to index
        %swap3A_584 = tpu.vector_load %arg8[%swap3A_583] {strides = array<i32>} : memref<16384xf32, #tpu.memory_space<vmem>>, vector<16xf32>,
        tpu.vector_store %arg8[%swap3A_583], %gather3A_521 {strides = array<i32>} : memref<16384xf32, #tpu.memory_space<vmem>>, vector<16xf32>,
      }
      %scan3A_392 = arith.constant 128 : i32
      %mul3A_393 = arith.constant 16 : i32
      %mul3A_394 = arith.muli %add3A_322, %mul3A_393 : i32
      %add3A_395 = arith.addi %mul3A_394, %mul3A_34 : i32
      %add3A_396 = arith.constant 2 : i32
      %add3A_397 = arith.addi %add3A_395, %add3A_396 : i32
      %dma_start3A_398 = arith.constant 0 : i32
      %dma_start3A_399 = tpu.memref_slice %arg4[%add3A_397, %dma_start3A_398] : memref<3200x16384xf32, #tpu.memory_space<hbm>> -> memref<1x16384xf32, #tpu.memory_space<hbm>>
      %dma_start3A_400 = tpu.memref_squeeze %dma_start3A_399 : memref<1x16384xf32, #tpu.memory_space<hbm>> -> memref<16384xf32, #tpu.memory_space<hbm>>
      %dma_start3A_401 = arith.constant 0 : i32
      %dma_start3A_402 = tpu.memref_slice %arg4[%add3A_397, %dma_start3A_401] : memref<3200x16384xf32, #tpu.memory_space<hbm>> -> memref<1x16384xf32, #tpu.memory_space<hbm>>
      %dma_start3A_403 = tpu.memref_squeeze %dma_start3A_402 : memref<1x16384xf32, #tpu.memory_space<hbm>> -> memref<16384xf32, #tpu.memory_space<hbm>>
      tpu.enqueue_dma source(%arg8 : memref<16384xf32, #tpu.memory_space<vmem>>) target(%dma_start3A_403 : memref<16384xf32, #tpu.memory_space<hbm>>) target_semaphore(%arg12 : memref<!tpu.dma_semaphore, #tpu.memory_space<semaphore_mem>>)
      %dma_wait3A_404 = arith.constant 0 : i32
      %dma_wait3A_405 = arith.constant 0 : i32
      %dma_wait3A_406 = tpu.memref_slice %arg4[%dma_wait3A_404, %dma_wait3A_405] : memref<3200x16384xf32, #tpu.memory_space<hbm>> -> memref<1x16384xf32, #tpu.memory_space<hbm>>
      %dma_wait3A_407 = tpu.memref_squeeze %dma_wait3A_406 : memref<1x16384xf32, #tpu.memory_space<hbm>> -> memref<16384xf32, #tpu.memory_space<hbm>>
      %dma_wait3A_408 = arith.constant 0 : i32
      %dma_wait3A_409 = tpu.memref_slice %arg4[%dma_wait3A_404, %dma_wait3A_408] : memref<3200x16384xf32, #tpu.memory_space<hbm>> -> memref<1x16384xf32, #tpu.memory_space<hbm>>
      %dma_wait3A_410 = tpu.memref_squeeze %dma_wait3A_409 : memref<1x16384xf32, #tpu.memory_space<hbm>> -> memref<16384xf32, #tpu.memory_space<hbm>>
      tpu.wait_dma2 semaphore(%arg13 : memref<!tpu.dma_semaphore, #tpu.memory_space<semaphore_mem>>) src(%arg9 : memref<16384xf32, #tpu.memory_space<vmem>>) dst(%dma_wait3A_410 : memref<16384xf32, #tpu.memory_space<hbm>>)
      %add3A_411 = arith.constant 3 : i32
      %add3A_412 = arith.addi %mul3A_34, %add3A_411 : i32
      %mul3A_413 = arith.constant 16 : i32
      %mul3A_414 = arith.muli %add3A_412, %mul3A_413 : i32
      %scan3A_415 = arith.constant 0 : i32
      %scan3A_416 = arith.constant 128 : i32
      %scan3A_417 = arith.addi %scan3A_415, %scan3A_416 : i32
      %scan3A_418 = arith.constant 1 : i32
      scf.for %scan3A_431 = %scan3A_415 to %scan3A_417 step %scan3A_418  : i32 {
        %mul3A_432 = arith.constant 1 : i32
        %mul3A_433 = arith.muli %scan3A_431, %mul3A_432 : i32
        %add3A_434 = arith.constant 0 : i32
        %add3A_435 = arith.addi %add3A_434, %mul3A_433 : i32
        %mul3A_436 = arith.constant 8 : i32
        %mul3A_437 = arith.muli %add3A_435, %mul3A_436 : i32
        %add3A_438 = arith.constant 0 : i32
        %add3A_439 = arith.addi %mul3A_437, %add3A_438 : i32
        %mul3A_440 = arith.constant 16 : i32
        %mul3A_441 = arith.muli %add3A_439, %mul3A_440 : i32
        %get3A = arith.index_cast %mul3A_441 : i32 to index
        %get3A_442 = tpu.vector_load %arg6[%get3A] {strides = array<i32>} : memref<16384xi32, #tpu.memory_space<vmem>>, vector<16xi32>,
        %mul3A_443 = arith.constant 8 : i32
        %mul3A_444 = arith.muli %add3A_435, %mul3A_443 : i32
        %add3A_445 = arith.constant 1 : i32
        %add3A_446 = arith.addi %mul3A_444, %add3A_445 : i32
        %mul3A_447 = arith.constant 16 : i32
        %mul3A_448 = arith.muli %add3A_446, %mul3A_447 : i32
        %get3A_449 = arith.index_cast %mul3A_448 : i32 to index
        %get3A_450 = tpu.vector_load %arg6[%get3A_449] {strides = array<i32>} : memref<16384xi32, #tpu.memory_space<vmem>>, vector<16xi32>,
        %mul3A_451 = arith.constant 8 : i32
        %mul3A_452 = arith.muli %add3A_435, %mul3A_451 : i32
        %add3A_453 = arith.constant 2 : i32
        %add3A_454 = arith.addi %mul3A_452, %add3A_453 : i32
        %mul3A_455 = arith.constant 16 : i32
        %mul3A_456 = arith.muli %add3A_454, %mul3A_455 : i32
        %get3A_457 = arith.index_cast %mul3A_456 : i32 to index
        %get3A_458 = tpu.vector_load %arg6[%get3A_457] {strides = array<i32>} : memref<16384xi32, #tpu.memory_space<vmem>>, vector<16xi32>,
        %mul3A_459 = arith.constant 8 : i32
        %mul3A_460 = arith.muli %add3A_435, %mul3A_459 : i32
        %add3A_461 = arith.constant 3 : i32
        %add3A_462 = arith.addi %mul3A_460, %add3A_461 : i32
        %mul3A_463 = arith.constant 16 : i32
        %mul3A_464 = arith.muli %add3A_462, %mul3A_463 : i32
        %get3A_465 = arith.index_cast %mul3A_464 : i32 to index
        %get3A_466 = tpu.vector_load %arg6[%get3A_465] {strides = array<i32>} : memref<16384xi32, #tpu.memory_space<vmem>>, vector<16xi32>,
        %mul3A_467 = arith.constant 8 : i32
        %mul3A_468 = arith.muli %add3A_435, %mul3A_467 : i32
        %add3A_469 = arith.constant 4 : i32
        %add3A_470 = arith.addi %mul3A_468, %add3A_469 : i32
        %mul3A_471 = arith.constant 16 : i32
        %mul3A_472 = arith.muli %add3A_470, %mul3A_471 : i32
        %get3A_473 = arith.index_cast %mul3A_472 : i32 to index
        %get3A_474 = tpu.vector_load %arg6[%get3A_473] {strides = array<i32>} : memref<16384xi32, #tpu.memory_space<vmem>>, vector<16xi32>,
        %mul3A_475 = arith.constant 8 : i32
        %mul3A_476 = arith.muli %add3A_435, %mul3A_475 : i32
        %add3A_477 = arith.constant 5 : i32
        %add3A_478 = arith.addi %mul3A_476, %add3A_477 : i32
        %mul3A_479 = arith.constant 16 : i32
        %mul3A_480 = arith.muli %add3A_478, %mul3A_479 : i32
        %get3A_481 = arith.index_cast %mul3A_480 : i32 to index
        %get3A_482 = tpu.vector_load %arg6[%get3A_481] {strides = array<i32>} : memref<16384xi32, #tpu.memory_space<vmem>>, vector<16xi32>,
        %mul3A_483 = arith.constant 8 : i32
        %mul3A_484 = arith.muli %add3A_435, %mul3A_483 : i32
        %add3A_485 = arith.constant 6 : i32
        %add3A_486 = arith.addi %mul3A_484, %add3A_485 : i32
        %mul3A_487 = arith.constant 16 : i32
        %mul3A_488 = arith.muli %add3A_486, %mul3A_487 : i32
        %get3A_489 = arith.index_cast %mul3A_488 : i32 to index
        %get3A_490 = tpu.vector_load %arg6[%get3A_489] {strides = array<i32>} : memref<16384xi32, #tpu.memory_space<vmem>>, vector<16xi32>,
        %mul3A_491 = arith.constant 8 : i32
        %mul3A_492 = arith.muli %add3A_435, %mul3A_491 : i32
        %add3A_493 = arith.constant 7 : i32
        %add3A_494 = arith.addi %mul3A_492, %add3A_493 : i32
        %mul3A_495 = arith.constant 16 : i32
        %mul3A_496 = arith.muli %add3A_494, %mul3A_495 : i32
        %get3A_497 = arith.index_cast %mul3A_496 : i32 to index
        %get3A_498 = tpu.vector_load %arg6[%get3A_497] {strides = array<i32>} : memref<16384xi32, #tpu.memory_space<vmem>>, vector<16xi32>,
        %add3A_499 = vector.broadcast %mul3A_414 : i32 to vector<16xi32>
        %add3A_500 = arith.addi %get3A_442, %add3A_499 : vector<16xi32>
        %gather3A = tpu.vector_load_idx %arg5[%add3A_500] : memref<256xf32, #tpu.memory_space<vmem>>[vector<16xi32>], vector<16xf32>,
        %add3A_501 = vector.broadcast %mul3A_414 : i32 to vector<16xi32>
        %add3A_502 = arith.addi %get3A_450, %add3A_501 : vector<16xi32>
        %gather3A_503 = tpu.vector_load_idx %arg5[%add3A_502] : memref<256xf32, #tpu.memory_space<vmem>>[vector<16xi32>], vector<16xf32>,
        %add3A_504 = vector.broadcast %mul3A_414 : i32 to vector<16xi32>
        %add3A_505 = arith.addi %get3A_458, %add3A_504 : vector<16xi32>
        %gather3A_506 = tpu.vector_load_idx %arg5[%add3A_505] : memref<256xf32, #tpu.memory_space<vmem>>[vector<16xi32>], vector<16xf32>,
        %add3A_507 = vector.broadcast %mul3A_414 : i32 to vector<16xi32>
        %add3A_508 = arith.addi %get3A_466, %add3A_507 : vector<16xi32>
        %gather3A_509 = tpu.vector_load_idx %arg5[%add3A_508] : memref<256xf32, #tpu.memory_space<vmem>>[vector<16xi32>], vector<16xf32>,
        %add3A_510 = vector.broadcast %mul3A_414 : i32 to vector<16xi32>
        %add3A_511 = arith.addi %get3A_474, %add3A_510 : vector<16xi32>
        %gather3A_512 = tpu.vector_load_idx %arg5[%add3A_511] : memref<256xf32, #tpu.memory_space<vmem>>[vector<16xi32>], vector<16xf32>,
        %add3A_513 = vector.broadcast %mul3A_414 : i32 to vector<16xi32>
        %add3A_514 = arith.addi %get3A_482, %add3A_513 : vector<16xi32>
        %gather3A_515 = tpu.vector_load_idx %arg5[%add3A_514] : memref<256xf32, #tpu.memory_space<vmem>>[vector<16xi32>], vector<16xf32>,
        %add3A_516 = vector.broadcast %mul3A_414 : i32 to vector<16xi32>
        %add3A_517 = arith.addi %get3A_490, %add3A_516 : vector<16xi32>
        %gather3A_518 = tpu.vector_load_idx %arg5[%add3A_517] : memref<256xf32, #tpu.memory_space<vmem>>[vector<16xi32>], vector<16xf32>,
        %add3A_519 = vector.broadcast %mul3A_414 : i32 to vector<16xi32>
        %add3A_520 = arith.addi %get3A_498, %add3A_519 : vector<16xi32>
        %gather3A_521 = tpu.vector_load_idx %arg5[%add3A_520] : memref<256xf32, #tpu.memory_space<vmem>>[vector<16xi32>], vector<16xf32>,
        %mul3A_522 = arith.constant 8 : i32
        %mul3A_523 = arith.muli %add3A_435, %mul3A_522 : i32
        %add3A_524 = arith.constant 0 : i32
        %add3A_525 = arith.addi %mul3A_523, %add3A_524 : i32
        %mul3A_526 = arith.constant 16 : i32
        %mul3A_527 = arith.muli %add3A_525, %mul3A_526 : i32
        %swap3A = arith.index_cast %mul3A_527 : i32 to index
        %swap3A_528 = tpu.vector_load %arg9[%swap3A] {strides = array<i32>} : memref<16384xf32, #tpu.memory_space<vmem>>, vector<16xf32>,
        tpu.vector_store %arg9[%swap3A], %gather3A {strides = array<i32>} : memref<16384xf32, #tpu.memory_space<vmem>>, vector<16xf32>,
        %mul3A_529 = arith.constant 8 : i32
        %mul3A_530 = arith.muli %add3A_435, %mul3A_529 : i32
        %add3A_531 = arith.constant 1 : i32
        %add3A_532 = arith.addi %mul3A_530, %add3A_531 : i32
        %mul3A_533 = arith.constant 16 : i32
        %mul3A_534 = arith.muli %add3A_532, %mul3A_533 : i32
        %swap3A_535 = arith.index_cast %mul3A_534 : i32 to index
        %swap3A_536 = tpu.vector_load %arg9[%swap3A_535] {strides = array<i32>} : memref<16384xf32, #tpu.memory_space<vmem>>, vector<16xf32>,
        tpu.vector_store %arg9[%swap3A_535], %gather3A_503 {strides = array<i32>} : memref<16384xf32, #tpu.memory_space<vmem>>, vector<16xf32>,
        %mul3A_537 = arith.constant 8 : i32
        %mul3A_538 = arith.muli %add3A_435, %mul3A_537 : i32
        %add3A_539 = arith.constant 2 : i32
        %add3A_540 = arith.addi %mul3A_538, %add3A_539 : i32
        %mul3A_541 = arith.constant 16 : i32
        %mul3A_542 = arith.muli %add3A_540, %mul3A_541 : i32
        %swap3A_543 = arith.index_cast %mul3A_542 : i32 to index
        %swap3A_544 = tpu.vector_load %arg9[%swap3A_543] {strides = array<i32>} : memref<16384xf32, #tpu.memory_space<vmem>>, vector<16xf32>,
        tpu.vector_store %arg9[%swap3A_543], %gather3A_506 {strides = array<i32>} : memref<16384xf32, #tpu.memory_space<vmem>>, vector<16xf32>,
        %mul3A_545 = arith.constant 8 : i32
        %mul3A_546 = arith.muli %add3A_435, %mul3A_545 : i32
        %add3A_547 = arith.constant 3 : i32
        %add3A_548 = arith.addi %mul3A_546, %add3A_547 : i32
        %mul3A_549 = arith.constant 16 : i32
        %mul3A_550 = arith.muli %add3A_548, %mul3A_549 : i32
        %swap3A_551 = arith.index_cast %mul3A_550 : i32 to index
        %swap3A_552 = tpu.vector_load %arg9[%swap3A_551] {strides = array<i32>} : memref<16384xf32, #tpu.memory_space<vmem>>, vector<16xf32>,
        tpu.vector_store %arg9[%swap3A_551], %gather3A_509 {strides = array<i32>} : memref<16384xf32, #tpu.memory_space<vmem>>, vector<16xf32>,
        %mul3A_553 = arith.constant 8 : i32
        %mul3A_554 = arith.muli %add3A_435, %mul3A_553 : i32
        %add3A_555 = arith.constant 4 : i32
        %add3A_556 = arith.addi %mul3A_554, %add3A_555 : i32
        %mul3A_557 = arith.constant 16 : i32
        %mul3A_558 = arith.muli %add3A_556, %mul3A_557 : i32
        %swap3A_559 = arith.index_cast %mul3A_558 : i32 to index
        %swap3A_560 = tpu.vector_load %arg9[%swap3A_559] {strides = array<i32>} : memref<16384xf32, #tpu.memory_space<vmem>>, vector<16xf32>,
        tpu.vector_store %arg9[%swap3A_559], %gather3A_512 {strides = array<i32>} : memref<16384xf32, #tpu.memory_space<vmem>>, vector<16xf32>,
        %mul3A_561 = arith.constant 8 : i32
        %mul3A_562 = arith.muli %add3A_435, %mul3A_561 : i32
        %add3A_563 = arith.constant 5 : i32
        %add3A_564 = arith.addi %mul3A_562, %add3A_563 : i32
        %mul3A_565 = arith.constant 16 : i32
        %mul3A_566 = arith.muli %add3A_564, %mul3A_565 : i32
        %swap3A_567 = arith.index_cast %mul3A_566 : i32 to index
        %swap3A_568 = tpu.vector_load %arg9[%swap3A_567] {strides = array<i32>} : memref<16384xf32, #tpu.memory_space<vmem>>, vector<16xf32>,
        tpu.vector_store %arg9[%swap3A_567], %gather3A_515 {strides = array<i32>} : memref<16384xf32, #tpu.memory_space<vmem>>, vector<16xf32>,
        %mul3A_569 = arith.constant 8 : i32
        %mul3A_570 = arith.muli %add3A_435, %mul3A_569 : i32
        %add3A_571 = arith.constant 6 : i32
        %add3A_572 = arith.addi %mul3A_570, %add3A_571 : i32
        %mul3A_573 = arith.constant 16 : i32
        %mul3A_574 = arith.muli %add3A_572, %mul3A_573 : i32
        %swap3A_575 = arith.index_cast %mul3A_574 : i32 to index
        %swap3A_576 = tpu.vector_load %arg9[%swap3A_575] {strides = array<i32>} : memref<16384xf32, #tpu.memory_space<vmem>>, vector<16xf32>,
        tpu.vector_store %arg9[%swap3A_575], %gather3A_518 {strides = array<i32>} : memref<16384xf32, #tpu.memory_space<vmem>>, vector<16xf32>,
        %mul3A_577 = arith.constant 8 : i32
        %mul3A_578 = arith.muli %add3A_435, %mul3A_577 : i32
        %add3A_579 = arith.constant 7 : i32
        %add3A_580 = arith.addi %mul3A_578, %add3A_579 : i32
        %mul3A_581 = arith.constant 16 : i32
        %mul3A_582 = arith.muli %add3A_580, %mul3A_581 : i32
        %swap3A_583 = arith.index_cast %mul3A_582 : i32 to index
        %swap3A_584 = tpu.vector_load %arg9[%swap3A_583] {strides = array<i32>} : memref<16384xf32, #tpu.memory_space<vmem>>, vector<16xf32>,
        tpu.vector_store %arg9[%swap3A_583], %gather3A_521 {strides = array<i32>} : memref<16384xf32, #tpu.memory_space<vmem>>, vector<16xf32>,
      }
      %scan3A_419 = arith.constant 128 : i32
      %mul3A_420 = arith.constant 16 : i32
      %mul3A_421 = arith.muli %add3A_322, %mul3A_420 : i32
      %add3A_422 = arith.addi %mul3A_421, %mul3A_34 : i32
      %add3A_423 = arith.constant 3 : i32
      %add3A_424 = arith.addi %add3A_422, %add3A_423 : i32
      %dma_start3A_425 = arith.constant 0 : i32
      %dma_start3A_426 = tpu.memref_slice %arg4[%add3A_424, %dma_start3A_425] : memref<3200x16384xf32, #tpu.memory_space<hbm>> -> memref<1x16384xf32, #tpu.memory_space<hbm>>
      %dma_start3A_427 = tpu.memref_squeeze %dma_start3A_426 : memref<1x16384xf32, #tpu.memory_space<hbm>> -> memref<16384xf32, #tpu.memory_space<hbm>>
      %dma_start3A_428 = arith.constant 0 : i32
      %dma_start3A_429 = tpu.memref_slice %arg4[%add3A_424, %dma_start3A_428] : memref<3200x16384xf32, #tpu.memory_space<hbm>> -> memref<1x16384xf32, #tpu.memory_space<hbm>>
      %dma_start3A_430 = tpu.memref_squeeze %dma_start3A_429 : memref<1x16384xf32, #tpu.memory_space<hbm>> -> memref<16384xf32, #tpu.memory_space<hbm>>
      tpu.enqueue_dma source(%arg9 : memref<16384xf32, #tpu.memory_space<vmem>>) target(%dma_start3A_430 : memref<16384xf32, #tpu.memory_space<hbm>>) target_semaphore(%arg13 : memref<!tpu.dma_semaphore, #tpu.memory_space<semaphore_mem>>)
    }
    %scan3A_154 = arith.constant 12 : i32
    %dma_wait3A_155 = arith.constant 0 : i32
    %dma_wait3A_156 = tpu.memref_slice %arg3[%mul3A_18, %dma_wait3A_155] : memref<200x16384xi32, #tpu.memory_space<hbm>> -> memref<1x16384xi32, #tpu.memory_space<hbm>>
    %dma_wait3A_157 = tpu.memref_squeeze %dma_wait3A_156 : memref<1x16384xi32, #tpu.memory_space<hbm>> -> memref<16384xi32, #tpu.memory_space<hbm>>
    %dma_wait3A_158 = arith.constant 0 : i32
    %dma_wait3A_159 = tpu.memref_slice %arg3[%mul3A_18, %dma_wait3A_158] : memref<200x16384xi32, #tpu.memory_space<hbm>> -> memref<1x16384xi32, #tpu.memory_space<hbm>>
    %dma_wait3A_160 = tpu.memref_squeeze %dma_wait3A_159 : memref<1x16384xi32, #tpu.memory_space<hbm>> -> memref<16384xi32, #tpu.memory_space<hbm>>
    tpu.wait_dma2 semaphore(%arg11 : memref<!tpu.dma_semaphore, #tpu.memory_space<semaphore_mem>>) src(%dma_wait3A_160 : memref<16384xi32, #tpu.memory_space<hbm>>) dst(%arg7 : memref<16384xi32, #tpu.memory_space<vmem>>)
    %dma_wait3A_161 = arith.constant 0 : i32
    %dma_wait3A_162 = arith.constant 0 : i32
    %dma_wait3A_163 = tpu.memref_slice %arg4[%dma_wait3A_161, %dma_wait3A_162] : memref<3200x16384xf32, #tpu.memory_space<hbm>> -> memref<1x16384xf32, #tpu.memory_space<hbm>>
    %dma_wait3A_164 = tpu.memref_squeeze %dma_wait3A_163 : memref<1x16384xf32, #tpu.memory_space<hbm>> -> memref<16384xf32, #tpu.memory_space<hbm>>
    %dma_wait3A_165 = arith.constant 0 : i32
    %dma_wait3A_166 = tpu.memref_slice %arg4[%dma_wait3A_161, %dma_wait3A_165] : memref<3200x16384xf32, #tpu.memory_space<hbm>> -> memref<1x16384xf32, #tpu.memory_space<hbm>>
    %dma_wait3A_167 = tpu.memref_squeeze %dma_wait3A_166 : memref<1x16384xf32, #tpu.memory_space<hbm>> -> memref<16384xf32, #tpu.memory_space<hbm>>
    tpu.wait_dma2 semaphore(%arg12 : memref<!tpu.dma_semaphore, #tpu.memory_space<semaphore_mem>>) src(%arg8 : memref<16384xf32, #tpu.memory_space<vmem>>) dst(%dma_wait3A_167 : memref<16384xf32, #tpu.memory_space<hbm>>)
    %dma_wait3A_168 = arith.constant 0 : i32
    %dma_wait3A_169 = arith.constant 0 : i32
    %dma_wait3A_170 = tpu.memref_slice %arg4[%dma_wait3A_168, %dma_wait3A_169] : memref<3200x16384xf32, #tpu.memory_space<hbm>> -> memref<1x16384xf32, #tpu.memory_space<hbm>>
    %dma_wait3A_171 = tpu.memref_squeeze %dma_wait3A_170 : memref<1x16384xf32, #tpu.memory_space<hbm>> -> memref<16384xf32, #tpu.memory_space<hbm>>
    %dma_wait3A_172 = arith.constant 0 : i32
    %dma_wait3A_173 = tpu.memref_slice %arg4[%dma_wait3A_168, %dma_wait3A_172] : memref<3200x16384xf32, #tpu.memory_space<hbm>> -> memref<1x16384xf32, #tpu.memory_space<hbm>>
    %dma_wait3A_174 = tpu.memref_squeeze %dma_wait3A_173 : memref<1x16384xf32, #tpu.memory_space<hbm>> -> memref<16384xf32, #tpu.memory_space<hbm>>
    tpu.wait_dma2 semaphore(%arg13 : memref<!tpu.dma_semaphore, #tpu.memory_space<semaphore_mem>>) src(%arg9 : memref<16384xf32, #tpu.memory_space<vmem>>) dst(%dma_wait3A_174 : memref<16384xf32, #tpu.memory_space<hbm>>)
    return
  }
}

module attributes {stable_mosaic.version = 14 : i64} {
  func.func @_table_body(%arg0: memref<16x16xf32, #tpu.memory_space<vmem>>, %arg1: memref<16x16xf32, #tpu.memory_space<vmem>>, %arg2: memref<16x1xf32, #tpu.memory_space<vmem>>, %arg3: memref<16x16xf32, #tpu.memory_space<vmem>>) attributes {dimension_semantics = [], scalar_prefetch = 0 : i64, scratch_operands = 0 : i64, tpu.core_type = #tpu.core_type<tc>} {
    %get3A = arith.constant 0 : index
    %get3A_0 = arith.constant 0 : index
    %get3A_1 = vector.load %arg1[%get3A, %get3A_0] : memref<16x16xf32, #tpu.memory_space<vmem>>, vector<16x16xf32>
    %get3A_2 = arith.constant 0 : index
    %get3A_3 = arith.constant 0 : index
    %get3A_4 = vector.load %arg0[%get3A_2, %get3A_3] : memref<16x16xf32, #tpu.memory_space<vmem>>, vector<16x16xf32>
    %dot_general3A = arith.constant dense<0.000000e+00> : vector<16x16xf32>
    %dot_general3A_5 = tpu.matmul %get3A_1, %get3A_4, %dot_general3A {dimension_numbers = #tpu.dot_dimension_numbers<[1], [1], [0], [0], [0, 0, 1, 0], [], []>, transpose_lhs_hint = false} : vector<16x16xf32>, vector<16x16xf32>, vector<16x16xf32> -> vector<16x16xf32>
    %get3A_6 = arith.constant 0 : index
    %get3A_7 = arith.constant 0 : index
    %get3A_8 = vector.load %arg2[%get3A_6, %get3A_7] : memref<16x1xf32, #tpu.memory_space<vmem>>, vector<16x1xf32>
    %add3A = vector.broadcast %get3A_8 : vector<16x1xf32> to vector<16x16xf32>
    %add3A_9 = arith.addf %dot_general3A_5, %add3A : vector<16x16xf32>
    %swap3A = arith.constant 0 : index
    %swap3A_10 = arith.constant 0 : index
    %swap3A_11 = vector.load %arg3[%swap3A, %swap3A_10] : memref<16x16xf32, #tpu.memory_space<vmem>>, vector<16x16xf32>
    tpu.vector_store %arg3[%swap3A, %swap3A_10], %add3A_9 {strides = array<i32>} : memref<16x16xf32, #tpu.memory_space<vmem>>, vector<16x16xf32>,
    return
  }
}

</mosaic_0001>

<sc_bundles>
// kernel: kernel.4.cloned.1.call-start
scs
__scs_entry_jumppad:
0x0: {  	(pc) =	sbr.rel $0x88, $3  }
0x1: {  	(tag) =	ssettag $0x0;
	lr =	simm.s32 $0x1  }
0x2: {  	[smem:$0x3F9D] =	sst lr;
	_ =	strace $0xD0000000  }
0x3: {  	_ = 	snop  }
0x4: {  	_ = 	snop  }
0x5: {  	_ = 	snop  }
0x6: {  	_ = 	snop  }
0x7: {  	_ = 	snop  }
__scs_overlays_trampoline_lowered:
0x8: {  	[smem:$0x3FAC] =	sst s0  }
0x9: {  	[smem:$0x3FAD] =	sst s1  }
0xa: {  	[smem:$0x3FAE] =	sst s2  }
0xb: {  	[smem:$0x3FAF] =	sst s3  }
0xc: {  	[smem:$0x3FB0] =	sst s4  }
0xd: {  	[smem:$0x3FB1] =	sst s5  }
0xe: {  	[smem:$0x3FB2] =	sst s6  }
0xf: {  	[smem:$0x3FB3] =	sst s7  }
0x10: {  	[smem:$0x3FB4] =	sst s8  }
0x11: {  	[smem:$0x3FB5] =	sst s9;
	s0 =	simm.s32 @!p0 $0x0  }
0x12: {  	s1 =	sld [smem:$0x3F9B];
	s0 =	simm.s32 @p0 $0x1  }
0x13: {  	[smem:$0x3FB6] =	sst s0;
	s0 =	simm.s32 @!p1 $0x0  }
0x14: {  	s2 =	sld [smem:$0x3F9A];
	s0 =	simm.s32 @p1 $0x1  }
0x15: {  	[smem:$0x3FB7] =	sst s0;
	s0 =	simm.s32 @!p2 $0x0  }
0x16: {  	s3 =	sld [smem:$0x3FDB];
	s0 =	simm.s32 @p2 $0x1  }
0x17: {  	s4 =	simm.s32 $0x1BF5;
	[smem:$0x3FB9] =	sst s0  }
0x18: {  	s0 =	sld [smem:$0x3F9C];
	_ =	swait.ge [sflag:s4], $0x0  }
0x19: {  	s7 =	sld [smem:$0x3F9D]  }
0x1a: {  	s8 =	sadd.s32 $0xFFFFE003, lr  }
0x1b: {  	s9 =	sadd.s32 $0xFFFFFEF7, lr;
	s5 =	simm.s32 $0xFFFFFFFF;
	p2 =	slt.u32 s8, $0xFFFFF086  }
0x1c: {  	p1 =	slt.u32 s9, $0xF7A;
	s5 =	simm.s32 @!p2 $0x0  }
0x1d: {  	s5 =	simm.s32 @p1 $0x1;
	p0 =	seq.s32 s7, s2  }
0x1e: {  	s7 =	smul.u32 @!p0 $0xF7A, s2;
	p2 =	seq.s32 @!p0 s5, $0x0  }
0x1f: {  	s9 =	smul.u32 $0xF7A, s1;
	s8 =	simm.s32 @!p0 $0x1BF5;
	p2 =	por !p2, p0  }
0x20: {  	[sflag:s8] =	ssyncset.s32 @!p0 $0xFFFFF086;
	s6 =	sadd.s32 @!p0 s3, s7;
	s7 =	simm.s32 @!p0 $0x108  }
0x21: {  	s3 =	sadd.s32 s3, s9;
	s6 =	sadd.s32 @!p0 $0x88, s6;
	s7 =	simm.s32 @p2 $0x1082  }
0x22: {  	[simem:s7], [sflag:s8] =	dma.local @!p0 [hbm:s6], $0xF7A  }
0x23: {  	s9 =	sor.u32 $0xD0000000, s2;
	s6 =	simm.s32 $0x108;
	_ =	swait.ge @!p0 [sflag:s8], $0x0  }
0x24: {  	s3 =	sadd.s32 $0x88, s3;
	s6 =	simm.s32 @!p1 $0x1082;
	[sflag:s4] =	ssyncset.s32 $0xFFFFF086  }
0x25: {  	[simem:s6], [sflag:s4] =	dma.local [hbm:s3], $0xF7A  }
0x26: {  	[smem:$0x3F9D] =	sst s1;
	(tag) =	ssettag s2;
	_ =	strace s9  }
0x27: {  	s1 =	sld [smem:$0x3FAD]  }
0x28: {  	s2 =	sld [smem:$0x3FAE]  }
0x29: {  	s4 =	sld [smem:$0x3FB0]  }
0x2a: {  	p0 =	seq.s32 s5, $0x0;
	s5 =	sld [smem:$0x3FB1]  }
0x2b: {  	s6 =	sld [smem:$0x3FB2]  }
0x2c: {  	s7 =	sld [smem:$0x3FB3]  }
0x2d: {  	s3 =	simm.s32 $0x108;
	s8 =	sld [smem:$0x3FB4]  }
0x2e: {  	s3 =	simm.s32 @!p0 $0x1082;
	s9 =	sld [smem:$0x3FB5]  }
0x2f: {  	lr =	sadd.s32 s0, s3;
	s0 =	sld [smem:$0x3FAC]  }
0x30: {  	s3 =	sld [smem:$0x3FAF]  }
0x31: {  	[smem:$0x3FB8] =	sst s10  }
0x32: {  	s10 =	sld [smem:$0x3FB6];
	_ =	sdelay $0x3  }
0x33: {  	p0 =	seq.s32 s10, $0x1;
	s10 =	sld [smem:$0x3FB8];
	_ =	sdelay $0x3  }
0x34: {  	[smem:$0x3FB8] =	sst s10  }
0x35: {  	s10 =	sld [smem:$0x3FB7];
	_ =	sdelay $0x3  }
0x36: {  	p1 =	seq.s32 s10, $0x1;
	s10 =	sld [smem:$0x3FB8];
	_ =	sdelay $0x3  }
0x37: {  	[smem:$0x3FB8] =	sst s10  }
0x38: {  	s10 =	sld [smem:$0x3FB9]  }
0x39: {  	_ = 	snop;
	(pc) =	sbr.ind lr, $3  }
0x3a: {  	_ = 	snop  }
0x3b: {  	_ = 	snop  }
0x3c: {  	p2 =	seq.s32 s10, $0x1;
	s10 =	sld [smem:$0x3FB8]  }
0x3d: {  	_ =	shalt  }
0x3e: {  	_ =	shalt  }
0x3f: {  	_ =	shalt  }
0x40: {  	_ =	shalt  }
0x41: {  	_ =	shalt  }
0x42: {  	_ =	shalt  }
0x43: {  	_ =	shalt  }
0x44: {  	_ =	shalt  }
0x45: {  	_ =	shalt  }
0x46: {  	_ =	shalt  }
0x47: {  	_ =	shalt  }
0x48: {  	_ =	shalt  }
0x49: {  	_ =	shalt  }
0x4a: {  	_ =	shalt  }
0x4b: {  	_ =	shalt  }
0x4c: {  	_ =	shalt  }
0x4d: {  	_ =	shalt  }
0x4e: {  	_ =	shalt  }
0x4f: {  	_ =	shalt  }
0x50: {  	_ =	shalt  }
0x51: {  	_ =	shalt  }
0x52: {  	_ =	shalt  }
0x53: {  	_ =	shalt  }
0x54: {  	_ =	shalt  }
0x55: {  	_ =	shalt  }
0x56: {  	_ =	shalt  }
0x57: {  	_ =	shalt  }
0x58: {  	_ =	shalt  }
0x59: {  	_ =	shalt  }
0x5a: {  	_ =	shalt  }
0x5b: {  	_ =	shalt  }
0x5c: {  	_ =	shalt  }
0x5d: {  	_ =	shalt  }
0x5e: {  	_ =	shalt  }
0x5f: {  	_ =	shalt  }
0x60: {  	_ =	shalt  }
0x61: {  	_ =	shalt  }
0x62: {  	_ =	shalt  }
0x63: {  	_ =	shalt  }
0x64: {  	_ =	shalt  }
0x65: {  	_ =	shalt  }
0x66: {  	_ =	shalt  }
0x67: {  	_ =	shalt  }
0x68: {  	_ =	shalt  }
0x69: {  	_ =	shalt  }
0x6a: {  	_ =	shalt  }
0x6b: {  	_ =	shalt  }
0x6c: {  	_ =	shalt  }
0x6d: {  	_ =	shalt  }
0x6e: {  	_ =	shalt  }
0x6f: {  	_ =	shalt  }
0x70: {  	_ =	shalt  }
0x71: {  	_ =	shalt  }
0x72: {  	_ =	shalt  }
0x73: {  	_ =	shalt  }
0x74: {  	_ =	shalt  }
0x75: {  	_ =	shalt  }
0x76: {  	_ =	shalt  }
0x77: {  	_ =	shalt  }
0x78: {  	_ =	shalt  }
0x79: {  	_ =	shalt  }
0x7a: {  	_ =	shalt  }
0x7b: {  	_ =	shalt  }
0x7c: {  	_ =	shalt  }
0x7d: {  	_ =	shalt  }
0x7e: {  	_ =	shalt  }
0x7f: {  	_ =	shalt  }
0x80: {  	_ =	shalt  }
0x81: {  	_ =	shalt  }
0x82: {  	_ =	shalt  }
0x83: {  	_ =	shalt  }
0x84: {  	_ =	shalt  }
0x85: {  	_ =	shalt  }
0x86: {  	_ =	shalt  }
0x87: {  	_ =	shalt  }
.Lfunc_end0:
.L_simem_size_0:
called_computation_lowered:
.L_overlay_start_0:
0x88: {  	s2 =	sld [smem:$0x3FD9]  }
0x89: {  	s3 =	sld [smem:$0x3FFE];
	_ =	sdelay $0x1  }
0x8a: {  	s1 =	srdreg.scid  }
0x8b: {  	s0 =	sand.u32 $0x1, s1  }
0x8c: {  	s17 =	sshll.u32 s0, $0xA;
	s2 =	sadd.s32 s3, s2  }
0x8d: {  	s2 =	sadd.s32 s2, s17  }
0x8e: {  	[smem:$0x3FC4] =	sst s2  }
0x8f: {  	_ = 	snop  }
0x90: {  	s2 =	sld [smem:$0x3FC9]  }
0x91: {  	s18 =	sld [smem:$0x3FD0];
	(tm) =	ssettm $0x1  }
0x92: {  	s4 =	sld [smem:$0x3FFB];
	_ =	sdelay $0x3  }
0x93: {  	_ =	strace s4  }
0x94: {  	s4 =	sld [smem:$0x3FFC];
	_ =	sdelay $0x3  }
0x95: {  	_ =	strace s4  }
0x96: {  	s4 =	sld [smem:$0x3FFD];
	_ =	sdelay $0x3  }
0x97: {  	_ =	strace s4  }
0x98: {  	_ =	strace $0x8FFFFFFF  }
0x99: {  	s19 =	sld [smem:$0x3FDB];
	_ =	sdelay $0x1  }
0x9a: {  	s5 =	simm.s32 $_scs_section_size  }
0x9b: {  	s6 =	simm.s32 $_size__tile_overlayer_lowered;
	s7 =	simm.s32 $_tile_overlayer_lowered  }
0x9c: {  	s22 =	simm.s32 $0x1BFF;
	s21 =	sshll.u32 s7, $0x1;
	s4 =	sadd.s32 s5, s19  }
0x9d: {  	s8 =	simm.s32 $0x0;
	s20 =	sshll.u32 s6, $0x1;
	s6 =	sadd.s32 s21, s4  }
0x9e: {  	[timem:s8], [sflag:s22] =	dma.local [hbm:s6], s20  }
0x9f: {  	_ =	swait.ge [sflag:s22], s20  }
0xa0: {  	s5 =	ssub.s32 $0x0, s20;
	[sflag:s22] =	ssyncset.done $0x0  }
0xa1: {  	[sflag:s22] =	ssyncadd.s32 s5;
	_ =	sdelay $0x1  }
0xa2: {  	s23 =	simm.s32 $0x1B8B  }
0xa3: {  	_ =	swait.ge [sflag:s23], $0x1  }
0xa4: {  	[sflag:s23] =	ssyncset.done $0x0  }
0xa5: {  	s25 =	simm.s32 $0x1B8E;
	s24 =	sld [smem:$0x3FFE];
	[sflag:s23] =	ssyncadd.s32 $0xFFFFFFFF  }
0xa6: {  	s26 =	simm.s32 $execute0_lowered;
	[smem:$0x3FD2] =	sst s25  }
0xa7: {  	s6 =	sshll.u32 s26, $0x1;
	_ =	strace $0x80000046;
	[dreg:$0x1] =	wrdreg $0xFFFFFFFF  }
0xa8: {  	s28 =	simm.s32 $_size_execute0_lowered;
	s4 =	sadd.s32 s4, s6;
	[dreg:$0x0] =	wrdreg $0x0  }
0xa9: {  	s6 =	sshll.u32 s28, $0x1;
	[dreg:$0x2] =	wrdreg s4  }
0xaa: {  	[dreg:$0x3] =	wrdreg s6  }
0xab: {  	[dreg:$0x4] =	wrdreg $0xC0  }
0xac: {  	_ =	task [dreg:s8], $0x5FFFF  }
0xad: {  	[dreg:$0x1] =	wrdreg $0xFFFFFFFF  }
0xae: {  	[dreg:$0x0] =	wrdreg $0x60  }
0xaf: {  	[dreg:$0x2] =	wrdreg s24  }
0xb0: {  	[dreg:$0x3] =	wrdreg s2  }
0xb1: {  	[dreg:$0x4] =	wrdreg s18  }
0xb2: {  	[dreg:$0x5] =	wrdreg $0x9  }
0xb3: {  	_ =	task.clear_ibuf [dreg:s8], $0x6FFFF;
	_ =	strace $0x90000046  }
0xb4: {  	s29 =	simm.s32 $0x9;
	_ =	strace $0x80000048  }
0xb5: {  	_ =	swait.ge [sflag:s29], $0x1  }
0xb6: {  	[sflag:s29] =	ssyncadd.s32 $0xFFFFFFFF  }
0xb7: {  	_ =	strace $0x90000048  }
0xb8: {  	_ =	sfence  }
0xb9: {  	s30 =	sld [smem:$0x0];
	_ =	sdelay $0x2  }
0xba: {  	s31 =	sshll.u32 s1, $0xD;
	s1 =	sshrl.u32 s1, $0x2  }
0xbb: {  	s3 =	sand.u32 $0x4000, s31;
	s1 =	sadd.s32 s1, s30  }
0xbc: {  	s0 =	sor.u32 s3, s0;
	s1 =	sshll.u32 s1, $0x11  }
0xbd: {  	s0 =	sor.u32 s1, s0  }
0xbe: {  	s0 =	sadd.s32 $0x8F2B, s0  }
0xbf: {  	[sflag:s0] =	ssyncadd.remote.s32 $0x1  }
0xc0: {  	_ =	sfence.sel $0xFFFF  }
0xc1: {  	[dreg:$0x0] =	wrdreg $0xFFFFFFFF;
	(pc) =	sbr.abs _section_cstart, $3  }
0xc2: {  	[dreg:$0x1] =	wrdreg $0xFFFFFFFF  }
0xc3: {  	_ =	task.clear_ibuf [dreg:s8], $0x2FFFF;
	_ =	strace $0x9FFFFFFF  }
0xc4: {  	(tm) =	ssettm $0x7FFFFFFF  }
0xc5: {  	_ =	shalt  }
tec
execute0_lowered:
.L_overlay_start_1:
0x0: {  	(tag) =	ssettag $0x1  }
0x1: {  	s0 =	rddreg [dreg:$0x0]  }
0x2: {  	s1 =	rddreg [dreg:$0x1]  }
0x3: {  	s2 =	rddreg [dreg:$0x2];
	s4 =	simm.s32 $0x0  }
0x4: {  	s3 =	srdreg.scid;
	s6 =	stileid.u32;
	s21 =	simm.s32 $0x5  }
0x5: {  	s28 =	simm.s32 $0x8100;
	s29 =	simm.s32 $0xC100;
	s30 =	simm.s32 $0x3  }
0x6: {  	s31 =	simm.s32 $0x4;
	[smem:$0x7FF] =	sst s4;
	s3 =	sand.u32 $0x1, s3  }
0x7: {  	s5 =	sshll.u32 s6, $0x1;
	s6 =	sshrl.u32 s6, $0x1;
	s0 =	sadd.s32 $0x800, s0  }
0x8: {  	_ =	strace $0x80000047;
	s7 =	ssub.s32 $0x2, s3;
	s8 =	smul.u32 $0x64000, s6  }
0x9: {  	s5 =	sand.u32 $0x2, s5;
	[dreg:$0x4] =	wrdreg s0;
	s10 =	smul.u32 $0x190, s6  }
0xa: {  	s9 =	sshll.u32 s6, $0x7;
	s12 =	smul.u32 $0x19, s6;
	s22 =	sshrl.u32 s7, $0x1  }
0xb: {  	s11 =	sor.u32 s3, s5;
	s16 =	sshll.u32 s5, $0x10;
	s8 =	sand.u32 $0x3E0000, s8  }
0xc: {  	s6 =	sshll.u32 s11, $0x2;
	s0 =	ssub.s32 s7, s22;
	s7 =	sadd.s32 $0x18, s12  }
0xd: {  	s13 =	sshll.u32 s11, $0x6;
	s22 =	simm.s32 $0x80;
	s8 =	sor.u32 s9, s8  }
0xe: {  	s23 =	sor.u32 s10, s6;
	s9 =	sadd.s32 $0x1, s12;
	s10 =	sshll.u32 s3, $0x9  }
0xf: {  	s14 =	sor.u32 $0x10, s13;
	s15 =	sor.u32 $0x20, s13;
	s20 =	sor.u32 $0x30, s13  }
0x10: {  	s0 =	smax.u32 s0, $0x1;
	s8 =	sshrl.u32 s8, $0x3;
	s24 =	sshll.u32 s23, $0xE  }
0x11: {  	s25 =	sshll.u32 s9, $0xB;
	s12 =	sshll.u32 s9, $0x4;
	s17 =	sor.u32 $0x80, s10  }
0x12: {  	s18 =	sor.u32 $0x100, s10;
	[dreg:$0xb] =	wrdreg s0;
	s8 =	sadd.s32 s1, s8  }
0x13: {  	s12 =	sand.u32 $0x70, s12;
	[dreg:$0x5] =	wrdreg s8;
	s8 =	sand.u32 $0x3FE0000, s24  }
0x14: {  	s3 =	sand.u32 $0xFC000, s25;
	s12 =	sadd.s32 s1, s12;
	s8 =	sor.u32 s10, s8  }
0x15: {  	s23 =	simm.s32 $0x400;
	s3 =	sadd.s32 s3, s12;
	s8 =	sshrl.u32 s8, $0x3  }
0x16: {  	s0 =	simm.s32 $0x2;
	[dreg:$0x7] =	wrdreg s3;
	s26 =	sadd.s32 s2, s8  }
0x17: {  	s25 =	simm.s32 $0x1;
	s8 =	sadd.s32 $0x10, s26;
	[dreg:$0x6] =	wrdreg s26  }
0x18: {  	s24 =	simm.s32 $0x100;
	s19 =	sadd.s32 $0x20, s26;
	[dreg:$0x8] =	wrdreg s8  }
0x19: {  	v0 =	vmov s13;
	s3 =	simm.s32 $0x0;
	s11 =	sadd.s32 $0x30, s26;
	[dreg:$0x9] =	wrdreg s19  }
0x1a: {  	v1 =	vmov s14;
	v2 =	vmov s15;
	v3 =	vmov s20;
	s26 =	simm.s32 $0x4100;
	[dreg:$0xa] =	wrdreg s11;
	s19 =	sor.u32 $0x180, s10  }
.LBB2_1:
0x1b: {  	s5 =	rddreg [dreg:$0x4]  }
0x1c: {  	[tilespmem:s4], [sflag:$0x5] =	stream.linear.gather [hbm4b:s5+s4], $0x100, $0x38;
	[tilespmem:$0x10100] =	vst v63  }
0x1d: {  	_ =	swait.ge [sflag:s21], $0x100  }
0x1e: {  	[sflag:s21] =	ssyncset.done $0x0  }
0x1f: {  	s15 =	rddreg [dreg:$0x5];
	[sflag:s21] =	ssyncadd.s32 $0xFFFFFF00  }
0x20: {  	[tilespmem:s24], [sflag:$0x1] =	stream.strided.gather [hbm4b:s15+s22], $0x4000, s23, s22, $0x38;
	[tilespmem:$0x10100] =	vst v63  }
0x21: {  	_ =	swait.ge [sflag:s25], $0x4000  }
0x22: {  	[sflag:s25] =	ssyncset.done $0x0  }
0x23: {  	s8 =	simm.s32 $0x0;
	s20 =	rddreg [dreg:$0x7];
	[sflag:s25] =	ssyncadd.s32 $0xFFFFC000  }
0x24: {  	[tilespmem:s26], [sflag:$0x2] =	stream.strided.gather [hbm4b:s20+s22], $0x4000, s23, s22, $0x38;
	[tilespmem:$0x10100] =	vst v63  }
0x25: {  	v4 =	vld [tilespmem:s8+$0x100]  }
0x26: {  	v5 =	vld [tilespmem:s8+$0x170]  }
0x27: {  	v6 =	vld [tilespmem:s8+$0x110]  }
0x28: {  	v7 =	vld [tilespmem:s8+$0x120]  }
0x29: {  	v8 =	vld [tilespmem:s8+$0x130]  }
0x2a: {  	v9 =	vld [tilespmem:s8+$0x140];
	v10 =	vadd.s32 v0, v4  }
0x2b: {  	v11 =	vld [tilespmem:s8+$0x150];
	v12 =	vadd.s32 v0, v5  }
0x2c: {  	s5 =	simm.s32 $0x80;
	v13 =	vld [tilespmem:s8+$0x160];
	v6 =	vadd.s32 v0, v6  }
0x2d: {  	v4 =	vld [tilespmem:s5+$0x100];
	v7 =	vadd.s32 v0, v7  }
0x2e: {  	v5 =	vld [tilespmem:s5+$0x170];
	v14 =	vadd.s32 v0, v8  }
0x2f: {  	v15 =	vadd.s32 v0, v9;
	v8 =	vld.idx.msk [tilespmem:v10+s4+$0x0], $0xffff  }
0x30: {  	v16 =	vadd.s32 v0, v11;
	v12 =	vld.idx.msk [tilespmem:v12+s4+$0x0], $0xffff  }
0x31: {  	v13 =	vadd.s32 v0, v13;
	v11 =	vld.idx.msk [tilespmem:v6+s4+$0x0], $0xffff  }
0x32: {  	v10 =	vld.idx.msk [tilespmem:v7+s4+$0x0], $0xffff  }
0x33: {  	v9 =	vld.idx.msk [tilespmem:v14+s4+$0x0], $0xffff  }
0x34: {  	v7 =	vld.idx.msk [tilespmem:v15+s4+$0x0], $0xffff  }
0x35: {  	s12 =	simm.s32 $0x400;
	v6 =	vld.idx.msk [tilespmem:v16+s4+$0x0], $0xffff  }
.LBB2_2:
0x36: {  	p0 =	sne.s32 s12, $0xFE00;
	v13 =	vld.idx.msk [tilespmem:v13+s4+$0x0], $0xffff;
	[tilespmem:s8+$0x8170] =	vst v12  }
0x37: {  	v12 =	vld [tilespmem:s5+$0x110];
	[tilespmem:s8+$0x8100] =	vst v8  }
0x38: {  	v8 =	vld [tilespmem:s5+$0x120];
	[tilespmem:s8+$0x8110] =	vst v11  }
0x39: {  	v11 =	vld [tilespmem:s5+$0x130];
	[tilespmem:s8+$0x8120] =	vst v10  }
0x3a: {  	v14 =	vadd.s32 v0, v4;
	v10 =	vld [tilespmem:s5+$0x140];
	[tilespmem:s8+$0x8130] =	vst v9  }
0x3b: {  	v15 =	vadd.s32 v0, v5;
	v9 =	vld [tilespmem:s5+$0x150];
	[tilespmem:s8+$0x8140] =	vst v7  }
0x3c: {  	s13 =	sshra.s32 s12, $0x2;
	v7 =	vld [tilespmem:s5+$0x160];
	v16 =	vadd.s32 v0, v12;
	[tilespmem:s8+$0x8150] =	vst v6  }
0x3d: {  	v4 =	vld [tilespmem:s13+$0x100];
	v6 =	vadd.s32 v0, v8;
	[tilespmem:s8+$0x8160] =	vst v13;
	s8 =	smov.u32 s5;
	s5 =	smov.u32 s13  }
0x3e: {  	v5 =	vld [tilespmem:s5+$0x170];
	v17 =	vadd.s32 v0, v11  }
0x3f: {  	v8 =	vld.idx.msk [tilespmem:v14+s4+$0x0], $0xffff;
	v14 =	vadd.s32 v0, v10  }
0x40: {  	v18 =	vadd.s32 v0, v9;
	v12 =	vld.idx.msk [tilespmem:v15+s4+$0x0], $0xffff  }
.Ltmp0:
0x41: {  	v11 =	vld.idx.msk [tilespmem:v16+s4+$0x0], $0xffff;
	v13 =	vadd.s32 v0, v7;
	(pc) =	sbr.rel @p0 .LBB2_2-.Ltmp0, $4  }
0x42: {  	v10 =	vld.idx.msk [tilespmem:v6+s4+$0x0], $0xffff  }
0x43: {  	v9 =	vld.idx.msk [tilespmem:v17+s4+$0x0], $0xffff  }
0x44: {  	v7 =	vld.idx.msk [tilespmem:v14+s4+$0x0], $0xffff  }
0x45: {  	s12 =	sadd.s32 $0x200, s12;
	v6 =	vld.idx.msk [tilespmem:v18+s4+$0x0], $0xffff  }
0x46: {  	_ =	sdelay $0x3  }
0x47: {  	v13 =	vld.idx.msk [tilespmem:v13+s4+$0x0], $0xffff;
	[tilespmem:s8+$0x8170] =	vst v12  }
0x48: {  	v12 =	vld [tilespmem:s5+$0x110];
	[tilespmem:s8+$0x8100] =	vst v8  }
0x49: {  	v8 =	vld [tilespmem:s5+$0x120];
	[tilespmem:s8+$0x8110] =	vst v11  }
0x4a: {  	v11 =	vld [tilespmem:s5+$0x130];
	[tilespmem:s8+$0x8120] =	vst v10  }
0x4b: {  	v4 =	vadd.s32 v0, v4;
	v10 =	vld [tilespmem:s5+$0x140];
	[tilespmem:s8+$0x8130] =	vst v9  }
0x4c: {  	v5 =	vadd.s32 v0, v5;
	v9 =	vld [tilespmem:s5+$0x150];
	[tilespmem:s8+$0x8140] =	vst v7  }
0x4d: {  	v7 =	vld [tilespmem:s5+$0x160];
	v12 =	vadd.s32 v0, v12  }
0x4e: {  	[tilespmem:s8+$0x8150] =	vst v6;
	v6 =	vadd.s32 v0, v8  }
0x4f: {  	[tilespmem:s8+$0x8160] =	vst v13;
	v8 =	vadd.s32 v0, v11  }
0x50: {  	v4 =	vld.idx.msk [tilespmem:v4+s4+$0x0], $0xffff;
	v10 =	vadd.s32 v0, v10  }
0x51: {  	v5 =	vld.idx.msk [tilespmem:v5+s4+$0x0], $0xffff;
	v9 =	vadd.s32 v0, v9  }
0x52: {  	v11 =	vld.idx.msk [tilespmem:v12+s4+$0x0], $0xffff;
	v7 =	vadd.s32 v0, v7  }
0x53: {  	v6 =	vld.idx.msk [tilespmem:v6+s4+$0x0], $0xffff  }
0x54: {  	v8 =	vld.idx.msk [tilespmem:v8+s4+$0x0], $0xffff  }
0x55: {  	v10 =	vld.idx.msk [tilespmem:v10+s4+$0x0], $0xffff  }
0x56: {  	v9 =	vld.idx.msk [tilespmem:v9+s4+$0x0], $0xffff  }
0x57: {  	v7 =	vld.idx.msk [tilespmem:v7+s4+$0x0], $0xffff;
	[tilespmem:s5+$0x8170] =	vst v5  }
0x58: {  	[tilespmem:s5+$0x8100] =	vst v4  }
0x59: {  	[tilespmem:s5+$0x8110] =	vst v11  }
0x5a: {  	[tilespmem:s5+$0x8120] =	vst v6  }
0x5b: {  	[tilespmem:s5+$0x8130] =	vst v8  }
0x5c: {  	[tilespmem:s5+$0x8140] =	vst v10  }
0x5d: {  	[tilespmem:s5+$0x8150] =	vst v9  }
0x5e: {  	s20 =	rddreg [dreg:$0x6];
	s8 =	simm.s32 $0x0;
	[tilespmem:s5+$0x8160] =	vst v7  }
0x5f: {  	[hbm4b:s20+s22] =	stream.strided.scatter [tilespmem:s28], [sflag:$0x3], $0x4000, s23, s22, $0x38;
	[tilespmem:$0x10100] =	vst v63  }
0x60: {  	v4 =	vld [tilespmem:s8+$0x100]  }
0x61: {  	v5 =	vld [tilespmem:s8+$0x170]  }
0x62: {  	v6 =	vld [tilespmem:s8+$0x110]  }
0x63: {  	v7 =	vld [tilespmem:s8+$0x120]  }
0x64: {  	v8 =	vld [tilespmem:s8+$0x130]  }
0x65: {  	v9 =	vld [tilespmem:s8+$0x140];
	v10 =	vadd.s32 v1, v4  }
0x66: {  	v11 =	vld [tilespmem:s8+$0x150];
	v12 =	vadd.s32 v1, v5  }
0x67: {  	s5 =	simm.s32 $0x80;
	v13 =	vld [tilespmem:s8+$0x160];
	v6 =	vadd.s32 v1, v6  }
0x68: {  	v4 =	vld [tilespmem:s5+$0x100];
	v7 =	vadd.s32 v1, v7  }
0x69: {  	v5 =	vld [tilespmem:s5+$0x170];
	v14 =	vadd.s32 v1, v8  }
0x6a: {  	v15 =	vadd.s32 v1, v9;
	v8 =	vld.idx.msk [tilespmem:v10+s4+$0x0], $0xffff  }
0x6b: {  	v16 =	vadd.s32 v1, v11;
	v12 =	vld.idx.msk [tilespmem:v12+s4+$0x0], $0xffff  }
0x6c: {  	v13 =	vadd.s32 v1, v13;
	v11 =	vld.idx.msk [tilespmem:v6+s4+$0x0], $0xffff  }
0x6d: {  	v10 =	vld.idx.msk [tilespmem:v7+s4+$0x0], $0xffff  }
0x6e: {  	v9 =	vld.idx.msk [tilespmem:v14+s4+$0x0], $0xffff  }
0x6f: {  	v7 =	vld.idx.msk [tilespmem:v15+s4+$0x0], $0xffff  }
0x70: {  	s12 =	simm.s32 $0x400;
	v6 =	vld.idx.msk [tilespmem:v16+s4+$0x0], $0xffff  }
.LBB2_4:
0x71: {  	p0 =	sne.s32 s12, $0xFE00;
	v13 =	vld.idx.msk [tilespmem:v13+s4+$0x0], $0xffff;
	[tilespmem:s8+$0xC170] =	vst v12  }
0x72: {  	v12 =	vld [tilespmem:s5+$0x110];
	[tilespmem:s8+$0xC100] =	vst v8  }
0x73: {  	v8 =	vld [tilespmem:s5+$0x120];
	[tilespmem:s8+$0xC110] =	vst v11  }
0x74: {  	v11 =	vld [tilespmem:s5+$0x130];
	[tilespmem:s8+$0xC120] =	vst v10  }
0x75: {  	v14 =	vadd.s32 v1, v4;
	v10 =	vld [tilespmem:s5+$0x140];
	[tilespmem:s8+$0xC130] =	vst v9  }
0x76: {  	v15 =	vadd.s32 v1, v5;
	v9 =	vld [tilespmem:s5+$0x150];
	[tilespmem:s8+$0xC140] =	vst v7  }
0x77: {  	s13 =	sshra.s32 s12, $0x2;
	v7 =	vld [tilespmem:s5+$0x160];
	v16 =	vadd.s32 v1, v12;
	[tilespmem:s8+$0xC150] =	vst v6  }
0x78: {  	v4 =	vld [tilespmem:s13+$0x100];
	v6 =	vadd.s32 v1, v8;
	[tilespmem:s8+$0xC160] =	vst v13;
	s8 =	smov.u32 s5;
	s5 =	smov.u32 s13  }
0x79: {  	v5 =	vld [tilespmem:s5+$0x170];
	v17 =	vadd.s32 v1, v11  }
0x7a: {  	v8 =	vld.idx.msk [tilespmem:v14+s4+$0x0], $0xffff;
	v14 =	vadd.s32 v1, v10  }
0x7b: {  	v18 =	vadd.s32 v1, v9;
	v12 =	vld.idx.msk [tilespmem:v15+s4+$0x0], $0xffff  }
.Ltmp1:
0x7c: {  	v11 =	vld.idx.msk [tilespmem:v16+s4+$0x0], $0xffff;
	v13 =	vadd.s32 v1, v7;
	(pc) =	sbr.rel @p0 .LBB2_4-.Ltmp1, $4  }
0x7d: {  	v10 =	vld.idx.msk [tilespmem:v6+s4+$0x0], $0xffff  }
0x7e: {  	v9 =	vld.idx.msk [tilespmem:v17+s4+$0x0], $0xffff  }
0x7f: {  	v7 =	vld.idx.msk [tilespmem:v14+s4+$0x0], $0xffff  }
0x80: {  	s12 =	sadd.s32 $0x200, s12;
	v6 =	vld.idx.msk [tilespmem:v18+s4+$0x0], $0xffff  }
0x81: {  	_ =	sdelay $0x3  }
0x82: {  	v13 =	vld.idx.msk [tilespmem:v13+s4+$0x0], $0xffff;
	[tilespmem:s8+$0xC170] =	vst v12  }
0x83: {  	v12 =	vld [tilespmem:s5+$0x110];
	[tilespmem:s8+$0xC100] =	vst v8  }
0x84: {  	v8 =	vld [tilespmem:s5+$0x120];
	[tilespmem:s8+$0xC110] =	vst v11  }
0x85: {  	v11 =	vld [tilespmem:s5+$0x130];
	[tilespmem:s8+$0xC120] =	vst v10  }
0x86: {  	v4 =	vadd.s32 v1, v4;
	v10 =	vld [tilespmem:s5+$0x140];
	[tilespmem:s8+$0xC130] =	vst v9  }
0x87: {  	v5 =	vadd.s32 v1, v5;
	v9 =	vld [tilespmem:s5+$0x150];
	[tilespmem:s8+$0xC140] =	vst v7  }
0x88: {  	v7 =	vld [tilespmem:s5+$0x160];
	v12 =	vadd.s32 v1, v12  }
0x89: {  	[tilespmem:s8+$0xC150] =	vst v6;
	v6 =	vadd.s32 v1, v8  }
0x8a: {  	[tilespmem:s8+$0xC160] =	vst v13;
	v8 =	vadd.s32 v1, v11  }
0x8b: {  	v4 =	vld.idx.msk [tilespmem:v4+s4+$0x0], $0xffff;
	v10 =	vadd.s32 v1, v10  }
0x8c: {  	v5 =	vld.idx.msk [tilespmem:v5+s4+$0x0], $0xffff;
	v9 =	vadd.s32 v1, v9  }
0x8d: {  	v11 =	vld.idx.msk [tilespmem:v12+s4+$0x0], $0xffff;
	v7 =	vadd.s32 v1, v7  }
0x8e: {  	v6 =	vld.idx.msk [tilespmem:v6+s4+$0x0], $0xffff  }
0x8f: {  	v8 =	vld.idx.msk [tilespmem:v8+s4+$0x0], $0xffff  }
0x90: {  	v10 =	vld.idx.msk [tilespmem:v10+s4+$0x0], $0xffff  }
0x91: {  	v9 =	vld.idx.msk [tilespmem:v9+s4+$0x0], $0xffff  }
0x92: {  	v7 =	vld.idx.msk [tilespmem:v7+s4+$0x0], $0xffff;
	[tilespmem:s5+$0xC170] =	vst v5  }
0x93: {  	[tilespmem:s5+$0xC100] =	vst v4  }
0x94: {  	[tilespmem:s5+$0xC110] =	vst v11  }
0x95: {  	[tilespmem:s5+$0xC120] =	vst v6  }
0x96: {  	[tilespmem:s5+$0xC130] =	vst v8  }
0x97: {  	[tilespmem:s5+$0xC140] =	vst v10  }
0x98: {  	[tilespmem:s5+$0xC150] =	vst v9  }
0x99: {  	s20 =	rddreg [dreg:$0x8];
	[tilespmem:s5+$0xC160] =	vst v7  }
0x9a: {  	[hbm4b:s20+s22] =	stream.strided.scatter [tilespmem:s29], [sflag:$0x4], $0x4000, s23, s22, $0x38;
	[tilespmem:$0x10100] =	vst v63  }
0x9b: {  	_ =	swait.ge [sflag:s30], $0x4000  }
0x9c: {  	[sflag:s30] =	ssyncset.done $0x0  }
0x9d: {  	s8 =	simm.s32 $0x0;
	[sflag:s30] =	ssyncadd.s32 $0xFFFFC000  }
0x9e: {  	v4 =	vld [tilespmem:s8+$0x100]  }
0x9f: {  	v5 =	vld [tilespmem:s8+$0x170]  }
0xa0: {  	v6 =	vld [tilespmem:s8+$0x110]  }
0xa1: {  	v7 =	vld [tilespmem:s8+$0x120]  }
0xa2: {  	v8 =	vld [tilespmem:s8+$0x130]  }
0xa3: {  	v9 =	vld [tilespmem:s8+$0x140];
	v10 =	vadd.s32 v2, v4  }
0xa4: {  	v11 =	vld [tilespmem:s8+$0x150];
	v12 =	vadd.s32 v2, v5  }
0xa5: {  	s5 =	simm.s32 $0x80;
	v13 =	vld [tilespmem:s8+$0x160];
	v6 =	vadd.s32 v2, v6  }
0xa6: {  	v4 =	vld [tilespmem:s5+$0x100];
	v7 =	vadd.s32 v2, v7  }
0xa7: {  	v5 =	vld [tilespmem:s5+$0x170];
	v14 =	vadd.s32 v2, v8  }
0xa8: {  	v15 =	vadd.s32 v2, v9;
	v8 =	vld.idx.msk [tilespmem:v10+s4+$0x0], $0xffff  }
0xa9: {  	v16 =	vadd.s32 v2, v11;
	v12 =	vld.idx.msk [tilespmem:v12+s4+$0x0], $0xffff  }
0xaa: {  	v13 =	vadd.s32 v2, v13;
	v11 =	vld.idx.msk [tilespmem:v6+s4+$0x0], $0xffff  }
0xab: {  	v10 =	vld.idx.msk [tilespmem:v7+s4+$0x0], $0xffff  }
0xac: {  	v9 =	vld.idx.msk [tilespmem:v14+s4+$0x0], $0xffff  }
0xad: {  	v7 =	vld.idx.msk [tilespmem:v15+s4+$0x0], $0xffff  }
0xae: {  	s12 =	simm.s32 $0x400;
	v6 =	vld.idx.msk [tilespmem:v16+s4+$0x0], $0xffff  }
.LBB2_6:
0xaf: {  	p0 =	sne.s32 s12, $0xFE00;
	v13 =	vld.idx.msk [tilespmem:v13+s4+$0x0], $0xffff;
	[tilespmem:s8+$0x8170] =	vst v12  }
0xb0: {  	v12 =	vld [tilespmem:s5+$0x110];
	[tilespmem:s8+$0x8100] =	vst v8  }
0xb1: {  	v8 =	vld [tilespmem:s5+$0x120];
	[tilespmem:s8+$0x8110] =	vst v11  }
0xb2: {  	v11 =	vld [tilespmem:s5+$0x130];
	[tilespmem:s8+$0x8120] =	vst v10  }
0xb3: {  	v14 =	vadd.s32 v2, v4;
	v10 =	vld [tilespmem:s5+$0x140];
	[tilespmem:s8+$0x8130] =	vst v9  }
0xb4: {  	v15 =	vadd.s32 v2, v5;
	v9 =	vld [tilespmem:s5+$0x150];
	[tilespmem:s8+$0x8140] =	vst v7  }
0xb5: {  	s13 =	sshra.s32 s12, $0x2;
	v7 =	vld [tilespmem:s5+$0x160];
	v16 =	vadd.s32 v2, v12;
	[tilespmem:s8+$0x8150] =	vst v6  }
0xb6: {  	v4 =	vld [tilespmem:s13+$0x100];
	v6 =	vadd.s32 v2, v8;
	[tilespmem:s8+$0x8160] =	vst v13;
	s8 =	smov.u32 s5;
	s5 =	smov.u32 s13  }
0xb7: {  	v5 =	vld [tilespmem:s5+$0x170];
	v17 =	vadd.s32 v2, v11  }
0xb8: {  	v8 =	vld.idx.msk [tilespmem:v14+s4+$0x0], $0xffff;
	v14 =	vadd.s32 v2, v10  }
0xb9: {  	v18 =	vadd.s32 v2, v9;
	v12 =	vld.idx.msk [tilespmem:v15+s4+$0x0], $0xffff  }
.Ltmp2:
0xba: {  	v11 =	vld.idx.msk [tilespmem:v16+s4+$0x0], $0xffff;
	v13 =	vadd.s32 v2, v7;
	(pc) =	sbr.rel @p0 .LBB2_6-.Ltmp2, $4  }
0xbb: {  	v10 =	vld.idx.msk [tilespmem:v6+s4+$0x0], $0xffff  }
0xbc: {  	v9 =	vld.idx.msk [tilespmem:v17+s4+$0x0], $0xffff  }
0xbd: {  	v7 =	vld.idx.msk [tilespmem:v14+s4+$0x0], $0xffff  }
0xbe: {  	s12 =	sadd.s32 $0x200, s12;
	v6 =	vld.idx.msk [tilespmem:v18+s4+$0x0], $0xffff  }
0xbf: {  	_ =	sdelay $0x3  }
0xc0: {  	v13 =	vld.idx.msk [tilespmem:v13+s4+$0x0], $0xffff;
	[tilespmem:s8+$0x8170] =	vst v12  }
0xc1: {  	v12 =	vld [tilespmem:s5+$0x110];
	[tilespmem:s8+$0x8100] =	vst v8  }
0xc2: {  	v8 =	vld [tilespmem:s5+$0x120];
	[tilespmem:s8+$0x8110] =	vst v11  }
0xc3: {  	v11 =	vld [tilespmem:s5+$0x130];
	[tilespmem:s8+$0x8120] =	vst v10  }
0xc4: {  	v4 =	vadd.s32 v2, v4;
	v10 =	vld [tilespmem:s5+$0x140];
	[tilespmem:s8+$0x8130] =	vst v9  }
0xc5: {  	v5 =	vadd.s32 v2, v5;
	v9 =	vld [tilespmem:s5+$0x150];
	[tilespmem:s8+$0x8140] =	vst v7  }
0xc6: {  	v7 =	vld [tilespmem:s5+$0x160];
	v12 =	vadd.s32 v2, v12  }
0xc7: {  	[tilespmem:s8+$0x8150] =	vst v6;
	v6 =	vadd.s32 v2, v8  }
0xc8: {  	[tilespmem:s8+$0x8160] =	vst v13;
	v8 =	vadd.s32 v2, v11  }
0xc9: {  	v4 =	vld.idx.msk [tilespmem:v4+s4+$0x0], $0xffff;
	v10 =	vadd.s32 v2, v10  }
0xca: {  	v5 =	vld.idx.msk [tilespmem:v5+s4+$0x0], $0xffff;
	v9 =	vadd.s32 v2, v9  }
0xcb: {  	v11 =	vld.idx.msk [tilespmem:v12+s4+$0x0], $0xffff;
	v7 =	vadd.s32 v2, v7  }
0xcc: {  	v6 =	vld.idx.msk [tilespmem:v6+s4+$0x0], $0xffff  }
0xcd: {  	v8 =	vld.idx.msk [tilespmem:v8+s4+$0x0], $0xffff  }
0xce: {  	v10 =	vld.idx.msk [tilespmem:v10+s4+$0x0], $0xffff  }
0xcf: {  	v9 =	vld.idx.msk [tilespmem:v9+s4+$0x0], $0xffff  }
0xd0: {  	v7 =	vld.idx.msk [tilespmem:v7+s4+$0x0], $0xffff;
	[tilespmem:s5+$0x8170] =	vst v5  }
0xd1: {  	[tilespmem:s5+$0x8100] =	vst v4  }
0xd2: {  	[tilespmem:s5+$0x8110] =	vst v11  }
0xd3: {  	[tilespmem:s5+$0x8120] =	vst v6  }
0xd4: {  	[tilespmem:s5+$0x8130] =	vst v8  }
0xd5: {  	[tilespmem:s5+$0x8140] =	vst v10  }
0xd6: {  	[tilespmem:s5+$0x8150] =	vst v9  }
0xd7: {  	s20 =	rddreg [dreg:$0x9];
	[tilespmem:s5+$0x8160] =	vst v7  }
0xd8: {  	[hbm4b:s20+s22] =	stream.strided.scatter [tilespmem:s28], [sflag:$0x3], $0x4000, s23, s22, $0x38;
	[tilespmem:$0x10100] =	vst v63  }
0xd9: {  	_ =	swait.ge [sflag:s31], $0x4000  }
0xda: {  	[sflag:s31] =	ssyncset.done $0x0  }
0xdb: {  	s8 =	simm.s32 $0x0;
	[sflag:s31] =	ssyncadd.s32 $0xFFFFC000  }
0xdc: {  	v4 =	vld [tilespmem:s8+$0x100]  }
0xdd: {  	v5 =	vld [tilespmem:s8+$0x170]  }
0xde: {  	v6 =	vld [tilespmem:s8+$0x110]  }
0xdf: {  	v7 =	vld [tilespmem:s8+$0x120]  }
0xe0: {  	v8 =	vld [tilespmem:s8+$0x130]  }
0xe1: {  	v9 =	vld [tilespmem:s8+$0x140];
	v10 =	vadd.s32 v3, v4  }
0xe2: {  	v11 =	vld [tilespmem:s8+$0x150];
	v12 =	vadd.s32 v3, v5  }
0xe3: {  	s5 =	simm.s32 $0x80;
	v13 =	vld [tilespmem:s8+$0x160];
	v6 =	vadd.s32 v3, v6  }
0xe4: {  	v4 =	vld [tilespmem:s5+$0x100];
	v7 =	vadd.s32 v3, v7  }
0xe5: {  	v5 =	vld [tilespmem:s5+$0x170];
	v14 =	vadd.s32 v3, v8  }
0xe6: {  	v15 =	vadd.s32 v3, v9;
	v8 =	vld.idx.msk [tilespmem:v10+s4+$0x0], $0xffff  }
0xe7: {  	v16 =	vadd.s32 v3, v11;
	v12 =	vld.idx.msk [tilespmem:v12+s4+$0x0], $0xffff  }
0xe8: {  	v13 =	vadd.s32 v3, v13;
	v11 =	vld.idx.msk [tilespmem:v6+s4+$0x0], $0xffff  }
0xe9: {  	v10 =	vld.idx.msk [tilespmem:v7+s4+$0x0], $0xffff  }
0xea: {  	v9 =	vld.idx.msk [tilespmem:v14+s4+$0x0], $0xffff  }
0xeb: {  	v7 =	vld.idx.msk [tilespmem:v15+s4+$0x0], $0xffff  }
0xec: {  	s12 =	simm.s32 $0x400;
	v6 =	vld.idx.msk [tilespmem:v16+s4+$0x0], $0xffff  }
.LBB2_8:
0xed: {  	p0 =	sne.s32 s12, $0xFE00;
	v13 =	vld.idx.msk [tilespmem:v13+s4+$0x0], $0xffff;
	[tilespmem:s8+$0xC170] =	vst v12  }
0xee: {  	v12 =	vld [tilespmem:s5+$0x110];
	[tilespmem:s8+$0xC100] =	vst v8  }
0xef: {  	v8 =	vld [tilespmem:s5+$0x120];
	[tilespmem:s8+$0xC110] =	vst v11  }
0xf0: {  	v11 =	vld [tilespmem:s5+$0x130];
	[tilespmem:s8+$0xC120] =	vst v10  }
0xf1: {  	v14 =	vadd.s32 v3, v4;
	v10 =	vld [tilespmem:s5+$0x140];
	[tilespmem:s8+$0xC130] =	vst v9  }
0xf2: {  	v15 =	vadd.s32 v3, v5;
	v9 =	vld [tilespmem:s5+$0x150];
	[tilespmem:s8+$0xC140] =	vst v7  }
0xf3: {  	s13 =	sshra.s32 s12, $0x2;
	v7 =	vld [tilespmem:s5+$0x160];
	v16 =	vadd.s32 v3, v12;
	[tilespmem:s8+$0xC150] =	vst v6  }
0xf4: {  	v4 =	vld [tilespmem:s13+$0x100];
	v6 =	vadd.s32 v3, v8;
	[tilespmem:s8+$0xC160] =	vst v13;
	s8 =	smov.u32 s5;
	s5 =	smov.u32 s13  }
0xf5: {  	v5 =	vld [tilespmem:s5+$0x170];
	v17 =	vadd.s32 v3, v11  }
0xf6: {  	v8 =	vld.idx.msk [tilespmem:v14+s4+$0x0], $0xffff;
	v14 =	vadd.s32 v3, v10  }
0xf7: {  	v18 =	vadd.s32 v3, v9;
	v12 =	vld.idx.msk [tilespmem:v15+s4+$0x0], $0xffff  }
.Ltmp3:
0xf8: {  	v11 =	vld.idx.msk [tilespmem:v16+s4+$0x0], $0xffff;
	v13 =	vadd.s32 v3, v7;
	(pc) =	sbr.rel @p0 .LBB2_8-.Ltmp3, $4  }
0xf9: {  	v10 =	vld.idx.msk [tilespmem:v6+s4+$0x0], $0xffff  }
0xfa: {  	v9 =	vld.idx.msk [tilespmem:v17+s4+$0x0], $0xffff  }
0xfb: {  	v7 =	vld.idx.msk [tilespmem:v14+s4+$0x0], $0xffff  }
0xfc: {  	s12 =	sadd.s32 $0x200, s12;
	v6 =	vld.idx.msk [tilespmem:v18+s4+$0x0], $0xffff  }
0xfd: {  	_ =	sdelay $0x3  }
0xfe: {  	v13 =	vld.idx.msk [tilespmem:v13+s4+$0x0], $0xffff;
	[tilespmem:s8+$0xC170] =	vst v12  }
0xff: {  	v12 =	vld [tilespmem:s5+$0x110];
	[tilespmem:s8+$0xC100] =	vst v8  }
0x100: {  	v8 =	vld [tilespmem:s5+$0x120];
	[tilespmem:s8+$0xC110] =	vst v11  }
0x101: {  	v11 =	vld [tilespmem:s5+$0x130];
	[tilespmem:s8+$0xC120] =	vst v10  }
0x102: {  	v4 =	vadd.s32 v3, v4;
	v10 =	vld [tilespmem:s5+$0x140];
	[tilespmem:s8+$0xC130] =	vst v9  }
0x103: {  	v5 =	vadd.s32 v3, v5;
	v9 =	vld [tilespmem:s5+$0x150];
	[tilespmem:s8+$0xC140] =	vst v7  }
0x104: {  	v7 =	vld [tilespmem:s5+$0x160];
	v12 =	vadd.s32 v3, v12  }
0x105: {  	[tilespmem:s8+$0xC150] =	vst v6;
	v61 =	vadd.s32 v3, v8  }
0x106: {  	[tilespmem:s8+$0xC160] =	vst v13;
	v62 =	vadd.s32 v3, v11  }
0x107: {  	v4 =	vld.idx.msk [tilespmem:v4+s4+$0x0], $0xffff;
	v10 =	vadd.s32 v3, v10  }
0x108: {  	v5 =	vld.idx.msk [tilespmem:v5+s4+$0x0], $0xffff;
	v9 =	vadd.s32 v3, v9  }
0x109: {  	v63 =	vld.idx.msk [tilespmem:v12+s4+$0x0], $0xffff;
	v7 =	vadd.s32 v3, v7  }
0x10a: {  	v6 =	vld.idx.msk [tilespmem:v61+s4+$0x0], $0xffff  }
0x10b: {  	v8 =	vld.idx.msk [tilespmem:v62+s4+$0x0], $0xffff  }
0x10c: {  	v10 =	vld.idx.msk [tilespmem:v10+s4+$0x0], $0xffff  }
0x10d: {  	v9 =	vld.idx.msk [tilespmem:v9+s4+$0x0], $0xffff  }
0x10e: {  	v7 =	vld.idx.msk [tilespmem:v7+s4+$0x0], $0xffff;
	[tilespmem:s5+$0xC170] =	vst v5  }
0x10f: {  	[tilespmem:s5+$0xC100] =	vst v4  }
0x110: {  	[tilespmem:s5+$0xC110] =	vst v63  }
0x111: {  	[tilespmem:s5+$0xC120] =	vst v6  }
0x112: {  	[tilespmem:s5+$0xC130] =	vst v8  }
0x113: {  	[tilespmem:s5+$0xC140] =	vst v10  }
0x114: {  	[tilespmem:s5+$0xC150] =	vst v9  }
0x115: {  	s20 =	rddreg [dreg:$0xa];
	[tilespmem:s5+$0xC160] =	vst v7;
	s5 =	simm.s32 $0x0  }
0x116: {  	[hbm4b:s20+s22] =	stream.strided.scatter [tilespmem:s29], [sflag:$0x4], $0x4000, s23, s22, $0x38;
	[tilespmem:$0x10100] =	vst v63  }
.LBB2_10:
0x117: {  	s8 =	sshll.u32 s5, $0x1  }
0x118: {  	s12 =	sadd.s32 s9, s8  }
0x119: {  	s13 =	sadd.s32 $0x1, s12  }
0x11a: {  	s8 =	sshll.u32 s13, $0x4  }
0x11b: {  	_ =	swait.ge [sflag:s0], $0x4000;
	s13 =	sshll.u32 s13, $0xB;
	s14 =	sand.u32 $0x70, s8  }
0x11c: {  	[sflag:s0] =	ssyncset.done $0x0;
	s13 =	sand.u32 $0xFFFC000, s13;
	s14 =	sadd.s32 s1, s14  }
0x11d: {  	[sflag:s0] =	ssyncadd.s32 $0xFFFFC000;
	s13 =	sadd.s32 s13, s14  }
0x11e: {  	[tilespmem:s24], [sflag:$0x1] =	stream.strided.gather [hbm4b:s13+s22], $0x4000, s23, s22, $0x38;
	[tilespmem:$0x10100] =	vst v63  }
0x11f: {  	_ =	swait.ge [sflag:s30], $0x4000  }
0x120: {  	[sflag:s30] =	ssyncset.done $0x0  }
0x121: {  	s13 =	simm.s32 $0x0;
	[sflag:s30] =	ssyncadd.s32 $0xFFFFC000  }
0x122: {  	v4 =	vld [tilespmem:s13+$0x4100]  }
0x123: {  	v5 =	vld [tilespmem:s13+$0x4170]  }
0x124: {  	v6 =	vld [tilespmem:s13+$0x4110]  }
0x125: {  	v7 =	vld [tilespmem:s13+$0x4120]  }
0x126: {  	v8 =	vld [tilespmem:s13+$0x4130]  }
0x127: {  	v9 =	vld [tilespmem:s13+$0x4140];
	v10 =	vadd.s32 v0, v4  }
0x128: {  	v11 =	vld [tilespmem:s13+$0x4150];
	v12 =	vadd.s32 v0, v5  }
0x129: {  	s14 =	simm.s32 $0x80;
	v13 =	vld [tilespmem:s13+$0x4160];
	v6 =	vadd.s32 v0, v6  }
0x12a: {  	v4 =	vld [tilespmem:s14+$0x4100];
	v7 =	vadd.s32 v0, v7  }
0x12b: {  	v5 =	vld [tilespmem:s14+$0x4170];
	v14 =	vadd.s32 v0, v8  }
0x12c: {  	v15 =	vadd.s32 v0, v9;
	v8 =	vld.idx.msk [tilespmem:v10+s4+$0x0], $0xffff  }
0x12d: {  	v16 =	vadd.s32 v0, v11;
	v12 =	vld.idx.msk [tilespmem:v12+s4+$0x0], $0xffff  }
0x12e: {  	v13 =	vadd.s32 v0, v13;
	v11 =	vld.idx.msk [tilespmem:v6+s4+$0x0], $0xffff  }
0x12f: {  	v10 =	vld.idx.msk [tilespmem:v7+s4+$0x0], $0xffff  }
0x130: {  	v9 =	vld.idx.msk [tilespmem:v14+s4+$0x0], $0xffff  }
0x131: {  	v7 =	vld.idx.msk [tilespmem:v15+s4+$0x0], $0xffff  }
0x132: {  	s15 =	simm.s32 $0x400;
	v6 =	vld.idx.msk [tilespmem:v16+s4+$0x0], $0xffff  }
.LBB2_11:
0x133: {  	p0 =	sne.s32 s15, $0xFE00;
	v13 =	vld.idx.msk [tilespmem:v13+s4+$0x0], $0xffff;
	[tilespmem:s13+$0x8170] =	vst v12  }
0x134: {  	v12 =	vld [tilespmem:s14+$0x4110];
	[tilespmem:s13+$0x8100] =	vst v8  }
0x135: {  	v8 =	vld [tilespmem:s14+$0x4120];
	[tilespmem:s13+$0x8110] =	vst v11  }
0x136: {  	v11 =	vld [tilespmem:s14+$0x4130];
	[tilespmem:s13+$0x8120] =	vst v10  }
0x137: {  	v14 =	vadd.s32 v0, v4;
	v10 =	vld [tilespmem:s14+$0x4140];
	[tilespmem:s13+$0x8130] =	vst v9  }
0x138: {  	v15 =	vadd.s32 v0, v5;
	v9 =	vld [tilespmem:s14+$0x4150];
	[tilespmem:s13+$0x8140] =	vst v7  }
0x139: {  	s20 =	sshra.s32 s15, $0x2;
	v7 =	vld [tilespmem:s14+$0x4160];
	v16 =	vadd.s32 v0, v12;
	[tilespmem:s13+$0x8150] =	vst v6  }
0x13a: {  	v4 =	vld [tilespmem:s20+$0x4100];
	v6 =	vadd.s32 v0, v8;
	[tilespmem:s13+$0x8160] =	vst v13;
	s13 =	smov.u32 s14;
	s14 =	smov.u32 s20  }
0x13b: {  	v5 =	vld [tilespmem:s14+$0x4170];
	v17 =	vadd.s32 v0, v11  }
0x13c: {  	v8 =	vld.idx.msk [tilespmem:v14+s4+$0x0], $0xffff;
	v14 =	vadd.s32 v0, v10  }
0x13d: {  	v18 =	vadd.s32 v0, v9;
	v12 =	vld.idx.msk [tilespmem:v15+s4+$0x0], $0xffff  }
.Ltmp4:
0x13e: {  	v11 =	vld.idx.msk [tilespmem:v16+s4+$0x0], $0xffff;
	v13 =	vadd.s32 v0, v7;
	(pc) =	sbr.rel @p0 .LBB2_11-.Ltmp4, $4  }
0x13f: {  	v10 =	vld.idx.msk [tilespmem:v6+s4+$0x0], $0xffff  }
0x140: {  	v9 =	vld.idx.msk [tilespmem:v17+s4+$0x0], $0xffff  }
0x141: {  	v7 =	vld.idx.msk [tilespmem:v14+s4+$0x0], $0xffff  }
0x142: {  	s15 =	sadd.s32 $0x200, s15;
	v6 =	vld.idx.msk [tilespmem:v18+s4+$0x0], $0xffff  }
0x143: {  	_ =	sdelay $0x3  }
0x144: {  	v13 =	vld.idx.msk [tilespmem:v13+s4+$0x0], $0xffff;
	[tilespmem:s13+$0x8170] =	vst v12  }
0x145: {  	v12 =	vld [tilespmem:s14+$0x4110];
	[tilespmem:s13+$0x8100] =	vst v8  }
0x146: {  	v8 =	vld [tilespmem:s14+$0x4120];
	[tilespmem:s13+$0x8110] =	vst v11  }
0x147: {  	v11 =	vld [tilespmem:s14+$0x4130];
	[tilespmem:s13+$0x8120] =	vst v10  }
0x148: {  	v4 =	vadd.s32 v0, v4;
	v10 =	vld [tilespmem:s14+$0x4140];
	[tilespmem:s13+$0x8130] =	vst v9  }
0x149: {  	v5 =	vadd.s32 v0, v5;
	v9 =	vld [tilespmem:s14+$0x4150];
	[tilespmem:s13+$0x8140] =	vst v7  }
0x14a: {  	v7 =	vld [tilespmem:s14+$0x4160];
	v12 =	vadd.s32 v0, v12  }
0x14b: {  	[tilespmem:s13+$0x8150] =	vst v6;
	v6 =	vadd.s32 v0, v8  }
0x14c: {  	[tilespmem:s13+$0x8160] =	vst v13;
	v8 =	vadd.s32 v0, v11  }
0x14d: {  	v4 =	vld.idx.msk [tilespmem:v4+s4+$0x0], $0xffff;
	v10 =	vadd.s32 v0, v10  }
0x14e: {  	v5 =	vld.idx.msk [tilespmem:v5+s4+$0x0], $0xffff;
	v9 =	vadd.s32 v0, v9  }
0x14f: {  	v11 =	vld.idx.msk [tilespmem:v12+s4+$0x0], $0xffff;
	v7 =	vadd.s32 v0, v7  }
0x150: {  	v6 =	vld.idx.msk [tilespmem:v6+s4+$0x0], $0xffff  }
0x151: {  	v8 =	vld.idx.msk [tilespmem:v8+s4+$0x0], $0xffff  }
0x152: {  	v10 =	vld.idx.msk [tilespmem:v10+s4+$0x0], $0xffff  }
0x153: {  	v9 =	vld.idx.msk [tilespmem:v9+s4+$0x0], $0xffff  }
0x154: {  	v7 =	vld.idx.msk [tilespmem:v7+s4+$0x0], $0xffff;
	[tilespmem:s14+$0x8170] =	vst v5  }
0x155: {  	[tilespmem:s14+$0x8100] =	vst v4  }
0x156: {  	[tilespmem:s14+$0x8110] =	vst v11  }
0x157: {  	s15 =	sshll.u32 s12, $0x12;
	[tilespmem:s14+$0x8120] =	vst v6  }
0x158: {  	s13 =	sor.u32 s16, s15;
	[tilespmem:s14+$0x8130] =	vst v8  }
0x159: {  	s15 =	sor.u32 s10, s13;
	[tilespmem:s14+$0x8140] =	vst v10  }
0x15a: {  	s15 =	sshrl.u32 s15, $0x3;
	[tilespmem:s14+$0x8150] =	vst v9  }
0x15b: {  	s20 =	sadd.s32 s2, s15;
	[tilespmem:s14+$0x8160] =	vst v7  }
0x15c: {  	[hbm4b:s20+s22] =	stream.strided.scatter [tilespmem:s28], [sflag:$0x3], $0x4000, s23, s22, $0x38;
	[tilespmem:$0x10100] =	vst v63  }
0x15d: {  	_ =	swait.ge [sflag:s31], $0x4000  }
0x15e: {  	[sflag:s31] =	ssyncset.done $0x0  }
0x15f: {  	s15 =	simm.s32 $0x0;
	[sflag:s31] =	ssyncadd.s32 $0xFFFFC000  }
0x160: {  	v4 =	vld [tilespmem:s15+$0x4100]  }
0x161: {  	v5 =	vld [tilespmem:s15+$0x4170]  }
0x162: {  	v6 =	vld [tilespmem:s15+$0x4110]  }
0x163: {  	v7 =	vld [tilespmem:s15+$0x4120]  }
0x164: {  	v8 =	vld [tilespmem:s15+$0x4130]  }
0x165: {  	v9 =	vld [tilespmem:s15+$0x4140];
	v10 =	vadd.s32 v1, v4  }
0x166: {  	v11 =	vld [tilespmem:s15+$0x4150];
	v12 =	vadd.s32 v1, v5  }
0x167: {  	s14 =	simm.s32 $0x80;
	v13 =	vld [tilespmem:s15+$0x4160];
	v6 =	vadd.s32 v1, v6  }
0x168: {  	v4 =	vld [tilespmem:s14+$0x4100];
	v7 =	vadd.s32 v1, v7  }
0x169: {  	v5 =	vld [tilespmem:s14+$0x4170];
	v14 =	vadd.s32 v1, v8  }
0x16a: {  	v15 =	vadd.s32 v1, v9;
	v8 =	vld.idx.msk [tilespmem:v10+s4+$0x0], $0xffff  }
0x16b: {  	v16 =	vadd.s32 v1, v11;
	v12 =	vld.idx.msk [tilespmem:v12+s4+$0x0], $0xffff  }
0x16c: {  	v13 =	vadd.s32 v1, v13;
	v11 =	vld.idx.msk [tilespmem:v6+s4+$0x0], $0xffff  }
0x16d: {  	v10 =	vld.idx.msk [tilespmem:v7+s4+$0x0], $0xffff  }
0x16e: {  	v9 =	vld.idx.msk [tilespmem:v14+s4+$0x0], $0xffff  }
0x16f: {  	v7 =	vld.idx.msk [tilespmem:v15+s4+$0x0], $0xffff  }
0x170: {  	s20 =	simm.s32 $0x400;
	v6 =	vld.idx.msk [tilespmem:v16+s4+$0x0], $0xffff  }
.LBB2_13:
0x171: {  	p0 =	sne.s32 s20, $0xFE00;
	v13 =	vld.idx.msk [tilespmem:v13+s4+$0x0], $0xffff;
	[tilespmem:s15+$0xC170] =	vst v12  }
0x172: {  	v12 =	vld [tilespmem:s14+$0x4110];
	[tilespmem:s15+$0xC100] =	vst v8  }
0x173: {  	v8 =	vld [tilespmem:s14+$0x4120];
	[tilespmem:s15+$0xC110] =	vst v11  }
0x174: {  	v11 =	vld [tilespmem:s14+$0x4130];
	[tilespmem:s15+$0xC120] =	vst v10  }
0x175: {  	v14 =	vadd.s32 v1, v4;
	v10 =	vld [tilespmem:s14+$0x4140];
	[tilespmem:s15+$0xC130] =	vst v9  }
0x176: {  	v15 =	vadd.s32 v1, v5;
	v9 =	vld [tilespmem:s14+$0x4150];
	[tilespmem:s15+$0xC140] =	vst v7  }
0x177: {  	s11 =	sshra.s32 s20, $0x2;
	v7 =	vld [tilespmem:s14+$0x4160];
	v16 =	vadd.s32 v1, v12;
	[tilespmem:s15+$0xC150] =	vst v6  }
0x178: {  	v4 =	vld [tilespmem:s11+$0x4100];
	v6 =	vadd.s32 v1, v8;
	[tilespmem:s15+$0xC160] =	vst v13;
	s15 =	smov.u32 s14;
	s14 =	smov.u32 s11  }
0x179: {  	v5 =	vld [tilespmem:s14+$0x4170];
	v17 =	vadd.s32 v1, v11  }
0x17a: {  	v8 =	vld.idx.msk [tilespmem:v14+s4+$0x0], $0xffff;
	v14 =	vadd.s32 v1, v10  }
0x17b: {  	v18 =	vadd.s32 v1, v9;
	v12 =	vld.idx.msk [tilespmem:v15+s4+$0x0], $0xffff  }
.Ltmp5:
0x17c: {  	v11 =	vld.idx.msk [tilespmem:v16+s4+$0x0], $0xffff;
	v13 =	vadd.s32 v1, v7;
	(pc) =	sbr.rel @p0 .LBB2_13-.Ltmp5, $4  }
0x17d: {  	v10 =	vld.idx.msk [tilespmem:v6+s4+$0x0], $0xffff  }
0x17e: {  	v9 =	vld.idx.msk [tilespmem:v17+s4+$0x0], $0xffff  }
0x17f: {  	v7 =	vld.idx.msk [tilespmem:v14+s4+$0x0], $0xffff  }
0x180: {  	s20 =	sadd.s32 $0x200, s20;
	v6 =	vld.idx.msk [tilespmem:v18+s4+$0x0], $0xffff  }
0x181: {  	_ =	sdelay $0x3  }
0x182: {  	v13 =	vld.idx.msk [tilespmem:v13+s4+$0x0], $0xffff;
	[tilespmem:s15+$0xC170] =	vst v12  }
0x183: {  	v12 =	vld [tilespmem:s14+$0x4110];
	[tilespmem:s15+$0xC100] =	vst v8  }
0x184: {  	v8 =	vld [tilespmem:s14+$0x4120];
	[tilespmem:s15+$0xC110] =	vst v11  }
0x185: {  	v11 =	vld [tilespmem:s14+$0x4130];
	[tilespmem:s15+$0xC120] =	vst v10  }
0x186: {  	v4 =	vadd.s32 v1, v4;
	v10 =	vld [tilespmem:s14+$0x4140];
	[tilespmem:s15+$0xC130] =	vst v9  }
0x187: {  	v5 =	vadd.s32 v1, v5;
	v9 =	vld [tilespmem:s14+$0x4150];
	[tilespmem:s15+$0xC140] =	vst v7  }
0x188: {  	v7 =	vld [tilespmem:s14+$0x4160];
	v12 =	vadd.s32 v1, v12  }
0x189: {  	[tilespmem:s15+$0xC150] =	vst v6;
	v6 =	vadd.s32 v1, v8  }
0x18a: {  	[tilespmem:s15+$0xC160] =	vst v13;
	v8 =	vadd.s32 v1, v11  }
0x18b: {  	v4 =	vld.idx.msk [tilespmem:v4+s4+$0x0], $0xffff;
	v10 =	vadd.s32 v1, v10  }
0x18c: {  	v5 =	vld.idx.msk [tilespmem:v5+s4+$0x0], $0xffff;
	v9 =	vadd.s32 v1, v9  }
0x18d: {  	v11 =	vld.idx.msk [tilespmem:v12+s4+$0x0], $0xffff;
	v7 =	vadd.s32 v1, v7  }
0x18e: {  	v6 =	vld.idx.msk [tilespmem:v6+s4+$0x0], $0xffff  }
0x18f: {  	v8 =	vld.idx.msk [tilespmem:v8+s4+$0x0], $0xffff  }
0x190: {  	v10 =	vld.idx.msk [tilespmem:v10+s4+$0x0], $0xffff  }
0x191: {  	v9 =	vld.idx.msk [tilespmem:v9+s4+$0x0], $0xffff  }
0x192: {  	v7 =	vld.idx.msk [tilespmem:v7+s4+$0x0], $0xffff;
	[tilespmem:s14+$0xC170] =	vst v5  }
0x193: {  	[tilespmem:s14+$0xC100] =	vst v4  }
0x194: {  	[tilespmem:s14+$0xC110] =	vst v11  }
0x195: {  	[tilespmem:s14+$0xC120] =	vst v6  }
0x196: {  	[tilespmem:s14+$0xC130] =	vst v8  }
0x197: {  	s11 =	sor.u32 s17, s13;
	[tilespmem:s14+$0xC140] =	vst v10  }
0x198: {  	s11 =	sshrl.u32 s11, $0x3;
	[tilespmem:s14+$0xC150] =	vst v9  }
0x199: {  	s11 =	sadd.s32 s2, s11;
	[tilespmem:s14+$0xC160] =	vst v7  }
0x19a: {  	[hbm4b:s11+s22] =	stream.strided.scatter [tilespmem:s29], [sflag:$0x4], $0x4000, s23, s22, $0x38;
	[tilespmem:$0x10100] =	vst v63  }
0x19b: {  	_ =	swait.ge [sflag:s30], $0x4000  }
0x19c: {  	[sflag:s30] =	ssyncset.done $0x0  }
0x19d: {  	s15 =	simm.s32 $0x0;
	[sflag:s30] =	ssyncadd.s32 $0xFFFFC000  }
0x19e: {  	v4 =	vld [tilespmem:s15+$0x4100]  }
0x19f: {  	v5 =	vld [tilespmem:s15+$0x4170]  }
0x1a0: {  	v6 =	vld [tilespmem:s15+$0x4110]  }
0x1a1: {  	v7 =	vld [tilespmem:s15+$0x4120]  }
0x1a2: {  	v8 =	vld [tilespmem:s15+$0x4130]  }
0x1a3: {  	v9 =	vld [tilespmem:s15+$0x4140];
	v10 =	vadd.s32 v2, v4  }
0x1a4: {  	v11 =	vld [tilespmem:s15+$0x4150];
	v12 =	vadd.s32 v2, v5  }
0x1a5: {  	s14 =	simm.s32 $0x80;
	v13 =	vld [tilespmem:s15+$0x4160];
	v6 =	vadd.s32 v2, v6  }
0x1a6: {  	v4 =	vld [tilespmem:s14+$0x4100];
	v7 =	vadd.s32 v2, v7  }
0x1a7: {  	v5 =	vld [tilespmem:s14+$0x4170];
	v14 =	vadd.s32 v2, v8  }
0x1a8: {  	v15 =	vadd.s32 v2, v9;
	v8 =	vld.idx.msk [tilespmem:v10+s4+$0x0], $0xffff  }
0x1a9: {  	v16 =	vadd.s32 v2, v11;
	v12 =	vld.idx.msk [tilespmem:v12+s4+$0x0], $0xffff  }
0x1aa: {  	v13 =	vadd.s32 v2, v13;
	v11 =	vld.idx.msk [tilespmem:v6+s4+$0x0], $0xffff  }
0x1ab: {  	v10 =	vld.idx.msk [tilespmem:v7+s4+$0x0], $0xffff  }
0x1ac: {  	v9 =	vld.idx.msk [tilespmem:v14+s4+$0x0], $0xffff  }
0x1ad: {  	v7 =	vld.idx.msk [tilespmem:v15+s4+$0x0], $0xffff  }
0x1ae: {  	s20 =	simm.s32 $0x400;
	v6 =	vld.idx.msk [tilespmem:v16+s4+$0x0], $0xffff  }
.LBB2_15:
0x1af: {  	p0 =	sne.s32 s20, $0xFE00;
	v13 =	vld.idx.msk [tilespmem:v13+s4+$0x0], $0xffff;
	[tilespmem:s15+$0x8170] =	vst v12  }
0x1b0: {  	v12 =	vld [tilespmem:s14+$0x4110];
	[tilespmem:s15+$0x8100] =	vst v8  }
0x1b1: {  	v8 =	vld [tilespmem:s14+$0x4120];
	[tilespmem:s15+$0x8110] =	vst v11  }
0x1b2: {  	v11 =	vld [tilespmem:s14+$0x4130];
	[tilespmem:s15+$0x8120] =	vst v10  }
0x1b3: {  	v14 =	vadd.s32 v2, v4;
	v10 =	vld [tilespmem:s14+$0x4140];
	[tilespmem:s15+$0x8130] =	vst v9  }
0x1b4: {  	v15 =	vadd.s32 v2, v5;
	v9 =	vld [tilespmem:s14+$0x4150];
	[tilespmem:s15+$0x8140] =	vst v7  }
0x1b5: {  	s11 =	sshra.s32 s20, $0x2;
	v7 =	vld [tilespmem:s14+$0x4160];
	v16 =	vadd.s32 v2, v12;
	[tilespmem:s15+$0x8150] =	vst v6  }
0x1b6: {  	v4 =	vld [tilespmem:s11+$0x4100];
	v6 =	vadd.s32 v2, v8;
	[tilespmem:s15+$0x8160] =	vst v13;
	s15 =	smov.u32 s14;
	s14 =	smov.u32 s11  }
0x1b7: {  	v5 =	vld [tilespmem:s14+$0x4170];
	v17 =	vadd.s32 v2, v11  }
0x1b8: {  	v8 =	vld.idx.msk [tilespmem:v14+s4+$0x0], $0xffff;
	v14 =	vadd.s32 v2, v10  }
0x1b9: {  	v18 =	vadd.s32 v2, v9;
	v12 =	vld.idx.msk [tilespmem:v15+s4+$0x0], $0xffff  }
.Ltmp6:
0x1ba: {  	v11 =	vld.idx.msk [tilespmem:v16+s4+$0x0], $0xffff;
	v13 =	vadd.s32 v2, v7;
	(pc) =	sbr.rel @p0 .LBB2_15-.Ltmp6, $4  }
0x1bb: {  	v10 =	vld.idx.msk [tilespmem:v6+s4+$0x0], $0xffff  }
0x1bc: {  	v9 =	vld.idx.msk [tilespmem:v17+s4+$0x0], $0xffff  }
0x1bd: {  	v7 =	vld.idx.msk [tilespmem:v14+s4+$0x0], $0xffff  }
0x1be: {  	s20 =	sadd.s32 $0x200, s20;
	v6 =	vld.idx.msk [tilespmem:v18+s4+$0x0], $0xffff  }
0x1bf: {  	_ =	sdelay $0x3  }
0x1c0: {  	v13 =	vld.idx.msk [tilespmem:v13+s4+$0x0], $0xffff;
	[tilespmem:s15+$0x8170] =	vst v12  }
0x1c1: {  	v12 =	vld [tilespmem:s14+$0x4110];
	[tilespmem:s15+$0x8100] =	vst v8  }
0x1c2: {  	v8 =	vld [tilespmem:s14+$0x4120];
	[tilespmem:s15+$0x8110] =	vst v11  }
0x1c3: {  	v11 =	vld [tilespmem:s14+$0x4130];
	[tilespmem:s15+$0x8120] =	vst v10  }
0x1c4: {  	v4 =	vadd.s32 v2, v4;
	v10 =	vld [tilespmem:s14+$0x4140];
	[tilespmem:s15+$0x8130] =	vst v9  }
0x1c5: {  	v5 =	vadd.s32 v2, v5;
	v9 =	vld [tilespmem:s14+$0x4150];
	[tilespmem:s15+$0x8140] =	vst v7  }
0x1c6: {  	v7 =	vld [tilespmem:s14+$0x4160];
	v12 =	vadd.s32 v2, v12  }
0x1c7: {  	[tilespmem:s15+$0x8150] =	vst v6;
	v6 =	vadd.s32 v2, v8  }
0x1c8: {  	[tilespmem:s15+$0x8160] =	vst v13;
	v8 =	vadd.s32 v2, v11  }
0x1c9: {  	v4 =	vld.idx.msk [tilespmem:v4+s4+$0x0], $0xffff;
	v10 =	vadd.s32 v2, v10  }
0x1ca: {  	v5 =	vld.idx.msk [tilespmem:v5+s4+$0x0], $0xffff;
	v9 =	vadd.s32 v2, v9  }
0x1cb: {  	v11 =	vld.idx.msk [tilespmem:v12+s4+$0x0], $0xffff;
	v7 =	vadd.s32 v2, v7  }
0x1cc: {  	v6 =	vld.idx.msk [tilespmem:v6+s4+$0x0], $0xffff  }
0x1cd: {  	v8 =	vld.idx.msk [tilespmem:v8+s4+$0x0], $0xffff  }
0x1ce: {  	v10 =	vld.idx.msk [tilespmem:v10+s4+$0x0], $0xffff  }
0x1cf: {  	v9 =	vld.idx.msk [tilespmem:v9+s4+$0x0], $0xffff  }
0x1d0: {  	v7 =	vld.idx.msk [tilespmem:v7+s4+$0x0], $0xffff;
	[tilespmem:s14+$0x8170] =	vst v5  }
0x1d1: {  	[tilespmem:s14+$0x8100] =	vst v4  }
0x1d2: {  	[tilespmem:s14+$0x8110] =	vst v11  }
0x1d3: {  	[tilespmem:s14+$0x8120] =	vst v6  }
0x1d4: {  	[tilespmem:s14+$0x8130] =	vst v8  }
0x1d5: {  	s11 =	sor.u32 s18, s13;
	[tilespmem:s14+$0x8140] =	vst v10  }
0x1d6: {  	s11 =	sshrl.u32 s11, $0x3;
	[tilespmem:s14+$0x8150] =	vst v9  }
0x1d7: {  	s11 =	sadd.s32 s2, s11;
	[tilespmem:s14+$0x8160] =	vst v7  }
0x1d8: {  	[hbm4b:s11+s22] =	stream.strided.scatter [tilespmem:s28], [sflag:$0x3], $0x4000, s23, s22, $0x38;
	[tilespmem:$0x10100] =	vst v63  }
0x1d9: {  	_ =	swait.ge [sflag:s31], $0x4000  }
0x1da: {  	[sflag:s31] =	ssyncset.done $0x0  }
0x1db: {  	s15 =	simm.s32 $0x0;
	[sflag:s31] =	ssyncadd.s32 $0xFFFFC000  }
0x1dc: {  	v4 =	vld [tilespmem:s15+$0x4100]  }
0x1dd: {  	v5 =	vld [tilespmem:s15+$0x4170]  }
0x1de: {  	v6 =	vld [tilespmem:s15+$0x4110]  }
0x1df: {  	v7 =	vld [tilespmem:s15+$0x4120]  }
0x1e0: {  	v8 =	vld [tilespmem:s15+$0x4130]  }
0x1e1: {  	v9 =	vld [tilespmem:s15+$0x4140];
	v10 =	vadd.s32 v3, v4  }
0x1e2: {  	v11 =	vld [tilespmem:s15+$0x4150];
	v12 =	vadd.s32 v3, v5  }
0x1e3: {  	s14 =	simm.s32 $0x80;
	v13 =	vld [tilespmem:s15+$0x4160];
	v6 =	vadd.s32 v3, v6  }
0x1e4: {  	v4 =	vld [tilespmem:s14+$0x4100];
	v7 =	vadd.s32 v3, v7  }
0x1e5: {  	v5 =	vld [tilespmem:s14+$0x4170];
	v14 =	vadd.s32 v3, v8  }
0x1e6: {  	v15 =	vadd.s32 v3, v9;
	v8 =	vld.idx.msk [tilespmem:v10+s4+$0x0], $0xffff  }
0x1e7: {  	v16 =	vadd.s32 v3, v11;
	v12 =	vld.idx.msk [tilespmem:v12+s4+$0x0], $0xffff  }
0x1e8: {  	v13 =	vadd.s32 v3, v13;
	v11 =	vld.idx.msk [tilespmem:v6+s4+$0x0], $0xffff  }
0x1e9: {  	v10 =	vld.idx.msk [tilespmem:v7+s4+$0x0], $0xffff  }
0x1ea: {  	v9 =	vld.idx.msk [tilespmem:v14+s4+$0x0], $0xffff  }
0x1eb: {  	v7 =	vld.idx.msk [tilespmem:v15+s4+$0x0], $0xffff  }
0x1ec: {  	s20 =	simm.s32 $0x400;
	v6 =	vld.idx.msk [tilespmem:v16+s4+$0x0], $0xffff  }
.LBB2_17:
0x1ed: {  	p0 =	sne.s32 s20, $0xFE00;
	v13 =	vld.idx.msk [tilespmem:v13+s4+$0x0], $0xffff;
	[tilespmem:s15+$0xC170] =	vst v12  }
0x1ee: {  	v12 =	vld [tilespmem:s14+$0x4110];
	[tilespmem:s15+$0xC100] =	vst v8  }
0x1ef: {  	v8 =	vld [tilespmem:s14+$0x4120];
	[tilespmem:s15+$0xC110] =	vst v11  }
0x1f0: {  	v11 =	vld [tilespmem:s14+$0x4130];
	[tilespmem:s15+$0xC120] =	vst v10  }
0x1f1: {  	v14 =	vadd.s32 v3, v4;
	v10 =	vld [tilespmem:s14+$0x4140];
	[tilespmem:s15+$0xC130] =	vst v9  }
0x1f2: {  	v15 =	vadd.s32 v3, v5;
	v9 =	vld [tilespmem:s14+$0x4150];
	[tilespmem:s15+$0xC140] =	vst v7  }
0x1f3: {  	s11 =	sshra.s32 s20, $0x2;
	v7 =	vld [tilespmem:s14+$0x4160];
	v16 =	vadd.s32 v3, v12;
	[tilespmem:s15+$0xC150] =	vst v6  }
0x1f4: {  	v4 =	vld [tilespmem:s11+$0x4100];
	v6 =	vadd.s32 v3, v8;
	[tilespmem:s15+$0xC160] =	vst v13;
	s15 =	smov.u32 s14;
	s14 =	smov.u32 s11  }
0x1f5: {  	v5 =	vld [tilespmem:s14+$0x4170];
	v17 =	vadd.s32 v3, v11  }
0x1f6: {  	v8 =	vld.idx.msk [tilespmem:v14+s4+$0x0], $0xffff;
	v14 =	vadd.s32 v3, v10  }
0x1f7: {  	v18 =	vadd.s32 v3, v9;
	v12 =	vld.idx.msk [tilespmem:v15+s4+$0x0], $0xffff  }
.Ltmp7:
0x1f8: {  	v11 =	vld.idx.msk [tilespmem:v16+s4+$0x0], $0xffff;
	v13 =	vadd.s32 v3, v7;
	(pc) =	sbr.rel @p0 .LBB2_17-.Ltmp7, $4  }
0x1f9: {  	v10 =	vld.idx.msk [tilespmem:v6+s4+$0x0], $0xffff  }
0x1fa: {  	v9 =	vld.idx.msk [tilespmem:v17+s4+$0x0], $0xffff  }
0x1fb: {  	v7 =	vld.idx.msk [tilespmem:v14+s4+$0x0], $0xffff  }
0x1fc: {  	s20 =	sadd.s32 $0x200, s20;
	v6 =	vld.idx.msk [tilespmem:v18+s4+$0x0], $0xffff  }
0x1fd: {  	_ =	sdelay $0x3  }
0x1fe: {  	v13 =	vld.idx.msk [tilespmem:v13+s4+$0x0], $0xffff;
	[tilespmem:s15+$0xC170] =	vst v12  }
0x1ff: {  	v12 =	vld [tilespmem:s14+$0x4110];
	[tilespmem:s15+$0xC100] =	vst v8  }
0x200: {  	v8 =	vld [tilespmem:s14+$0x4120];
	[tilespmem:s15+$0xC110] =	vst v11  }
0x201: {  	v11 =	vld [tilespmem:s14+$0x4130];
	[tilespmem:s15+$0xC120] =	vst v10  }
0x202: {  	v4 =	vadd.s32 v3, v4;
	v10 =	vld [tilespmem:s14+$0x4140];
	[tilespmem:s15+$0xC130] =	vst v9  }
0x203: {  	v5 =	vadd.s32 v3, v5;
	v9 =	vld [tilespmem:s14+$0x4150];
	[tilespmem:s15+$0xC140] =	vst v7  }
0x204: {  	v7 =	vld [tilespmem:s14+$0x4160];
	v12 =	vadd.s32 v3, v12  }
0x205: {  	[tilespmem:s15+$0xC150] =	vst v6;
	v6 =	vadd.s32 v3, v8  }
0x206: {  	[tilespmem:s15+$0xC160] =	vst v13;
	v8 =	vadd.s32 v3, v11  }
0x207: {  	v4 =	vld.idx.msk [tilespmem:v4+s4+$0x0], $0xffff;
	v10 =	vadd.s32 v3, v10  }
0x208: {  	v5 =	vld.idx.msk [tilespmem:v5+s4+$0x0], $0xffff;
	v9 =	vadd.s32 v3, v9  }
0x209: {  	v11 =	vld.idx.msk [tilespmem:v12+s4+$0x0], $0xffff;
	v7 =	vadd.s32 v3, v7  }
0x20a: {  	v6 =	vld.idx.msk [tilespmem:v6+s4+$0x0], $0xffff  }
0x20b: {  	v8 =	vld.idx.msk [tilespmem:v8+s4+$0x0], $0xffff  }
0x20c: {  	v10 =	vld.idx.msk [tilespmem:v10+s4+$0x0], $0xffff  }
0x20d: {  	v9 =	vld.idx.msk [tilespmem:v9+s4+$0x0], $0xffff  }
0x20e: {  	v7 =	vld.idx.msk [tilespmem:v7+s4+$0x0], $0xffff;
	[tilespmem:s14+$0xC170] =	vst v5  }
0x20f: {  	[tilespmem:s14+$0xC100] =	vst v4  }
0x210: {  	[tilespmem:s14+$0xC110] =	vst v11  }
0x211: {  	[tilespmem:s14+$0xC120] =	vst v6  }
0x212: {  	[tilespmem:s14+$0xC130] =	vst v8  }
0x213: {  	s11 =	sor.u32 s19, s13;
	[tilespmem:s14+$0xC140] =	vst v10  }
0x214: {  	s11 =	sshrl.u32 s11, $0x3;
	[tilespmem:s14+$0xC150] =	vst v9  }
0x215: {  	s11 =	sadd.s32 s2, s11;
	s15 =	sadd.s32 $0x2, s12;
	[tilespmem:s14+$0xC160] =	vst v7  }
0x216: {  	[hbm4b:s11+s22] =	stream.strided.scatter [tilespmem:s29], [sflag:$0x4], $0x4000, s23, s22, $0x38;
	[tilespmem:$0x10100] =	vst v63  }
0x217: {  	s11 =	smin.u32 s15, s7  }
0x218: {  	s20 =	sshll.u32 s11, $0x4  }
0x219: {  	_ =	swait.ge [sflag:s25], $0x4000;
	s11 =	sshll.u32 s11, $0xB;
	s12 =	sand.u32 $0x70, s20  }
0x21a: {  	[sflag:s25] =	ssyncset.done $0x0;
	s11 =	sand.u32 $0xFC000, s11;
	s12 =	sadd.s32 s1, s12  }
0x21b: {  	[sflag:s25] =	ssyncadd.s32 $0xFFFFC000;
	s11 =	sadd.s32 s11, s12  }
0x21c: {  	[tilespmem:s26], [sflag:$0x2] =	stream.strided.gather [hbm4b:s11+s22], $0x4000, s23, s22, $0x38;
	[tilespmem:$0x10100] =	vst v63  }
0x21d: {  	_ =	swait.ge [sflag:s30], $0x4000  }
0x21e: {  	[sflag:s30] =	ssyncset.done $0x0  }
0x21f: {  	s13 =	simm.s32 $0x0;
	[sflag:s30] =	ssyncadd.s32 $0xFFFFC000  }
0x220: {  	v4 =	vld [tilespmem:s13+$0x100]  }
0x221: {  	v5 =	vld [tilespmem:s13+$0x170]  }
0x222: {  	v6 =	vld [tilespmem:s13+$0x110]  }
0x223: {  	v7 =	vld [tilespmem:s13+$0x120]  }
0x224: {  	v8 =	vld [tilespmem:s13+$0x130]  }
0x225: {  	v9 =	vld [tilespmem:s13+$0x140];
	v10 =	vadd.s32 v0, v4  }
0x226: {  	v11 =	vld [tilespmem:s13+$0x150];
	v12 =	vadd.s32 v0, v5  }
0x227: {  	s12 =	simm.s32 $0x80;
	v13 =	vld [tilespmem:s13+$0x160];
	v6 =	vadd.s32 v0, v6  }
0x228: {  	v4 =	vld [tilespmem:s12+$0x100];
	v7 =	vadd.s32 v0, v7  }
0x229: {  	v5 =	vld [tilespmem:s12+$0x170];
	v14 =	vadd.s32 v0, v8  }
0x22a: {  	v15 =	vadd.s32 v0, v9;
	v8 =	vld.idx.msk [tilespmem:v10+s4+$0x0], $0xffff  }
0x22b: {  	v16 =	vadd.s32 v0, v11;
	v12 =	vld.idx.msk [tilespmem:v12+s4+$0x0], $0xffff  }
0x22c: {  	v13 =	vadd.s32 v0, v13;
	v11 =	vld.idx.msk [tilespmem:v6+s4+$0x0], $0xffff  }
0x22d: {  	v10 =	vld.idx.msk [tilespmem:v7+s4+$0x0], $0xffff  }
0x22e: {  	v9 =	vld.idx.msk [tilespmem:v14+s4+$0x0], $0xffff  }
0x22f: {  	v7 =	vld.idx.msk [tilespmem:v15+s4+$0x0], $0xffff  }
0x230: {  	s14 =	simm.s32 $0x400;
	v6 =	vld.idx.msk [tilespmem:v16+s4+$0x0], $0xffff  }
.LBB2_19:
0x231: {  	p0 =	sne.s32 s14, $0xFE00;
	v13 =	vld.idx.msk [tilespmem:v13+s4+$0x0], $0xffff;
	[tilespmem:s13+$0x8170] =	vst v12  }
0x232: {  	v12 =	vld [tilespmem:s12+$0x110];
	[tilespmem:s13+$0x8100] =	vst v8  }
0x233: {  	v8 =	vld [tilespmem:s12+$0x120];
	[tilespmem:s13+$0x8110] =	vst v11  }
0x234: {  	v11 =	vld [tilespmem:s12+$0x130];
	[tilespmem:s13+$0x8120] =	vst v10  }
0x235: {  	v14 =	vadd.s32 v0, v4;
	v10 =	vld [tilespmem:s12+$0x140];
	[tilespmem:s13+$0x8130] =	vst v9  }
0x236: {  	v15 =	vadd.s32 v0, v5;
	v9 =	vld [tilespmem:s12+$0x150];
	[tilespmem:s13+$0x8140] =	vst v7  }
0x237: {  	s11 =	sshra.s32 s14, $0x2;
	v7 =	vld [tilespmem:s12+$0x160];
	v16 =	vadd.s32 v0, v12;
	[tilespmem:s13+$0x8150] =	vst v6  }
0x238: {  	v4 =	vld [tilespmem:s11+$0x100];
	v6 =	vadd.s32 v0, v8;
	[tilespmem:s13+$0x8160] =	vst v13;
	s13 =	smov.u32 s12;
	s12 =	smov.u32 s11  }
0x239: {  	v5 =	vld [tilespmem:s12+$0x170];
	v17 =	vadd.s32 v0, v11  }
0x23a: {  	v8 =	vld.idx.msk [tilespmem:v14+s4+$0x0], $0xffff;
	v14 =	vadd.s32 v0, v10  }
0x23b: {  	v18 =	vadd.s32 v0, v9;
	v12 =	vld.idx.msk [tilespmem:v15+s4+$0x0], $0xffff  }
.Ltmp8:
0x23c: {  	v11 =	vld.idx.msk [tilespmem:v16+s4+$0x0], $0xffff;
	v13 =	vadd.s32 v0, v7;
	(pc) =	sbr.rel @p0 .LBB2_19-.Ltmp8, $4  }
0x23d: {  	v10 =	vld.idx.msk [tilespmem:v6+s4+$0x0], $0xffff  }
0x23e: {  	v9 =	vld.idx.msk [tilespmem:v17+s4+$0x0], $0xffff  }
0x23f: {  	v7 =	vld.idx.msk [tilespmem:v14+s4+$0x0], $0xffff  }
0x240: {  	s14 =	sadd.s32 $0x200, s14;
	v6 =	vld.idx.msk [tilespmem:v18+s4+$0x0], $0xffff  }
0x241: {  	_ =	sdelay $0x3  }
0x242: {  	v13 =	vld.idx.msk [tilespmem:v13+s4+$0x0], $0xffff;
	[tilespmem:s13+$0x8170] =	vst v12  }
0x243: {  	v12 =	vld [tilespmem:s12+$0x110];
	[tilespmem:s13+$0x8100] =	vst v8  }
0x244: {  	v8 =	vld [tilespmem:s12+$0x120];
	[tilespmem:s13+$0x8110] =	vst v11  }
0x245: {  	v11 =	vld [tilespmem:s12+$0x130];
	[tilespmem:s13+$0x8120] =	vst v10  }
0x246: {  	v4 =	vadd.s32 v0, v4;
	v10 =	vld [tilespmem:s12+$0x140];
	[tilespmem:s13+$0x8130] =	vst v9  }
0x247: {  	v5 =	vadd.s32 v0, v5;
	v9 =	vld [tilespmem:s12+$0x150];
	[tilespmem:s13+$0x8140] =	vst v7  }
0x248: {  	v7 =	vld [tilespmem:s12+$0x160];
	v12 =	vadd.s32 v0, v12  }
0x249: {  	[tilespmem:s13+$0x8150] =	vst v6;
	v6 =	vadd.s32 v0, v8  }
0x24a: {  	[tilespmem:s13+$0x8160] =	vst v13;
	v8 =	vadd.s32 v0, v11  }
0x24b: {  	v4 =	vld.idx.msk [tilespmem:v4+s4+$0x0], $0xffff;
	v10 =	vadd.s32 v0, v10  }
0x24c: {  	v5 =	vld.idx.msk [tilespmem:v5+s4+$0x0], $0xffff;
	v9 =	vadd.s32 v0, v9  }
0x24d: {  	v11 =	vld.idx.msk [tilespmem:v12+s4+$0x0], $0xffff;
	v7 =	vadd.s32 v0, v7  }
0x24e: {  	v6 =	vld.idx.msk [tilespmem:v6+s4+$0x0], $0xffff  }
0x24f: {  	v8 =	vld.idx.msk [tilespmem:v8+s4+$0x0], $0xffff  }
0x250: {  	v10 =	vld.idx.msk [tilespmem:v10+s4+$0x0], $0xffff  }
0x251: {  	v9 =	vld.idx.msk [tilespmem:v9+s4+$0x0], $0xffff  }
0x252: {  	v7 =	vld.idx.msk [tilespmem:v7+s4+$0x0], $0xffff;
	[tilespmem:s12+$0x8170] =	vst v5  }
0x253: {  	[tilespmem:s12+$0x8100] =	vst v4  }
0x254: {  	s8 =	sor.u32 s6, s8;
	[tilespmem:s12+$0x8110] =	vst v11  }
0x255: {  	s8 =	sshll.u32 s8, $0xE;
	[tilespmem:s12+$0x8120] =	vst v6  }
0x256: {  	s8 =	sand.u32 $0xFFFE0000, s8;
	[tilespmem:s12+$0x8130] =	vst v8  }
0x257: {  	s11 =	sor.u32 s10, s8;
	[tilespmem:s12+$0x8140] =	vst v10  }
0x258: {  	s11 =	sshrl.u32 s11, $0x3;
	[tilespmem:s12+$0x8150] =	vst v9  }
0x259: {  	s11 =	sadd.s32 s2, s11;
	[tilespmem:s12+$0x8160] =	vst v7  }
0x25a: {  	[hbm4b:s11+s22] =	stream.strided.scatter [tilespmem:s28], [sflag:$0x3], $0x4000, s23, s22, $0x38;
	[tilespmem:$0x10100] =	vst v63  }
0x25b: {  	_ =	swait.ge [sflag:s31], $0x4000  }
0x25c: {  	[sflag:s31] =	ssyncset.done $0x0  }
0x25d: {  	s13 =	simm.s32 $0x0;
	[sflag:s31] =	ssyncadd.s32 $0xFFFFC000  }
0x25e: {  	v4 =	vld [tilespmem:s13+$0x100]  }
0x25f: {  	v5 =	vld [tilespmem:s13+$0x170]  }
0x260: {  	v6 =	vld [tilespmem:s13+$0x110]  }
0x261: {  	v7 =	vld [tilespmem:s13+$0x120]  }
0x262: {  	v8 =	vld [tilespmem:s13+$0x130]  }
0x263: {  	v9 =	vld [tilespmem:s13+$0x140];
	v10 =	vadd.s32 v1, v4  }
0x264: {  	v11 =	vld [tilespmem:s13+$0x150];
	v12 =	vadd.s32 v1, v5  }
0x265: {  	s12 =	simm.s32 $0x80;
	v13 =	vld [tilespmem:s13+$0x160];
	v6 =	vadd.s32 v1, v6  }
0x266: {  	v4 =	vld [tilespmem:s12+$0x100];
	v7 =	vadd.s32 v1, v7  }
0x267: {  	v5 =	vld [tilespmem:s12+$0x170];
	v14 =	vadd.s32 v1, v8  }
0x268: {  	v15 =	vadd.s32 v1, v9;
	v8 =	vld.idx.msk [tilespmem:v10+s4+$0x0], $0xffff  }
0x269: {  	v16 =	vadd.s32 v1, v11;
	v12 =	vld.idx.msk [tilespmem:v12+s4+$0x0], $0xffff  }
0x26a: {  	v13 =	vadd.s32 v1, v13;
	v11 =	vld.idx.msk [tilespmem:v6+s4+$0x0], $0xffff  }
0x26b: {  	v10 =	vld.idx.msk [tilespmem:v7+s4+$0x0], $0xffff  }
0x26c: {  	v9 =	vld.idx.msk [tilespmem:v14+s4+$0x0], $0xffff  }
0x26d: {  	v7 =	vld.idx.msk [tilespmem:v15+s4+$0x0], $0xffff  }
0x26e: {  	s14 =	simm.s32 $0x400;
	v6 =	vld.idx.msk [tilespmem:v16+s4+$0x0], $0xffff  }
.LBB2_21:
0x26f: {  	p0 =	sne.s32 s14, $0xFE00;
	v13 =	vld.idx.msk [tilespmem:v13+s4+$0x0], $0xffff;
	[tilespmem:s13+$0xC170] =	vst v12  }
0x270: {  	v12 =	vld [tilespmem:s12+$0x110];
	[tilespmem:s13+$0xC100] =	vst v8  }
0x271: {  	v8 =	vld [tilespmem:s12+$0x120];
	[tilespmem:s13+$0xC110] =	vst v11  }
0x272: {  	v11 =	vld [tilespmem:s12+$0x130];
	[tilespmem:s13+$0xC120] =	vst v10  }
0x273: {  	v14 =	vadd.s32 v1, v4;
	v10 =	vld [tilespmem:s12+$0x140];
	[tilespmem:s13+$0xC130] =	vst v9  }
0x274: {  	v15 =	vadd.s32 v1, v5;
	v9 =	vld [tilespmem:s12+$0x150];
	[tilespmem:s13+$0xC140] =	vst v7  }
0x275: {  	s11 =	sshra.s32 s14, $0x2;
	v7 =	vld [tilespmem:s12+$0x160];
	v16 =	vadd.s32 v1, v12;
	[tilespmem:s13+$0xC150] =	vst v6  }
0x276: {  	v4 =	vld [tilespmem:s11+$0x100];
	v6 =	vadd.s32 v1, v8;
	[tilespmem:s13+$0xC160] =	vst v13;
	s13 =	smov.u32 s12;
	s12 =	smov.u32 s11  }
0x277: {  	v5 =	vld [tilespmem:s12+$0x170];
	v17 =	vadd.s32 v1, v11  }
0x278: {  	v8 =	vld.idx.msk [tilespmem:v14+s4+$0x0], $0xffff;
	v14 =	vadd.s32 v1, v10  }
0x279: {  	v18 =	vadd.s32 v1, v9;
	v12 =	vld.idx.msk [tilespmem:v15+s4+$0x0], $0xffff  }
.Ltmp9:
0x27a: {  	v11 =	vld.idx.msk [tilespmem:v16+s4+$0x0], $0xffff;
	v13 =	vadd.s32 v1, v7;
	(pc) =	sbr.rel @p0 .LBB2_21-.Ltmp9, $4  }
0x27b: {  	v10 =	vld.idx.msk [tilespmem:v6+s4+$0x0], $0xffff  }
0x27c: {  	v9 =	vld.idx.msk [tilespmem:v17+s4+$0x0], $0xffff  }
0x27d: {  	v7 =	vld.idx.msk [tilespmem:v14+s4+$0x0], $0xffff  }
0x27e: {  	s14 =	sadd.s32 $0x200, s14;
	v6 =	vld.idx.msk [tilespmem:v18+s4+$0x0], $0xffff  }
0x27f: {  	_ =	sdelay $0x3  }
0x280: {  	v13 =	vld.idx.msk [tilespmem:v13+s4+$0x0], $0xffff;
	[tilespmem:s13+$0xC170] =	vst v12  }
0x281: {  	v12 =	vld [tilespmem:s12+$0x110];
	[tilespmem:s13+$0xC100] =	vst v8  }
0x282: {  	v8 =	vld [tilespmem:s12+$0x120];
	[tilespmem:s13+$0xC110] =	vst v11  }
0x283: {  	v11 =	vld [tilespmem:s12+$0x130];
	[tilespmem:s13+$0xC120] =	vst v10  }
0x284: {  	v4 =	vadd.s32 v1, v4;
	v10 =	vld [tilespmem:s12+$0x140];
	[tilespmem:s13+$0xC130] =	vst v9  }
0x285: {  	v5 =	vadd.s32 v1, v5;
	v9 =	vld [tilespmem:s12+$0x150];
	[tilespmem:s13+$0xC140] =	vst v7  }
0x286: {  	v7 =	vld [tilespmem:s12+$0x160];
	v12 =	vadd.s32 v1, v12  }
0x287: {  	[tilespmem:s13+$0xC150] =	vst v6;
	v6 =	vadd.s32 v1, v8  }
0x288: {  	[tilespmem:s13+$0xC160] =	vst v13;
	v8 =	vadd.s32 v1, v11  }
0x289: {  	v4 =	vld.idx.msk [tilespmem:v4+s4+$0x0], $0xffff;
	v10 =	vadd.s32 v1, v10  }
0x28a: {  	v5 =	vld.idx.msk [tilespmem:v5+s4+$0x0], $0xffff;
	v9 =	vadd.s32 v1, v9  }
0x28b: {  	v11 =	vld.idx.msk [tilespmem:v12+s4+$0x0], $0xffff;
	v7 =	vadd.s32 v1, v7  }
0x28c: {  	v6 =	vld.idx.msk [tilespmem:v6+s4+$0x0], $0xffff  }
0x28d: {  	v8 =	vld.idx.msk [tilespmem:v8+s4+$0x0], $0xffff  }
0x28e: {  	v10 =	vld.idx.msk [tilespmem:v10+s4+$0x0], $0xffff  }
0x28f: {  	v9 =	vld.idx.msk [tilespmem:v9+s4+$0x0], $0xffff  }
0x290: {  	v7 =	vld.idx.msk [tilespmem:v7+s4+$0x0], $0xffff;
	[tilespmem:s12+$0xC170] =	vst v5  }
0x291: {  	[tilespmem:s12+$0xC100] =	vst v4  }
0x292: {  	[tilespmem:s12+$0xC110] =	vst v11  }
0x293: {  	[tilespmem:s12+$0xC120] =	vst v6  }
0x294: {  	[tilespmem:s12+$0xC130] =	vst v8  }
0x295: {  	s11 =	sor.u32 s17, s8;
	[tilespmem:s12+$0xC140] =	vst v10  }
0x296: {  	s11 =	sshrl.u32 s11, $0x3;
	[tilespmem:s12+$0xC150] =	vst v9  }
0x297: {  	s11 =	sadd.s32 s2, s11;
	[tilespmem:s12+$0xC160] =	vst v7  }
0x298: {  	[hbm4b:s11+s22] =	stream.strided.scatter [tilespmem:s29], [sflag:$0x4], $0x4000, s23, s22, $0x38;
	[tilespmem:$0x10100] =	vst v63  }
0x299: {  	_ =	swait.ge [sflag:s30], $0x4000  }
0x29a: {  	[sflag:s30] =	ssyncset.done $0x0  }
0x29b: {  	s13 =	simm.s32 $0x0;
	[sflag:s30] =	ssyncadd.s32 $0xFFFFC000  }
0x29c: {  	v4 =	vld [tilespmem:s13+$0x100]  }
0x29d: {  	v5 =	vld [tilespmem:s13+$0x170]  }
0x29e: {  	v6 =	vld [tilespmem:s13+$0x110]  }
0x29f: {  	v7 =	vld [tilespmem:s13+$0x120]  }
0x2a0: {  	v8 =	vld [tilespmem:s13+$0x130]  }
0x2a1: {  	v9 =	vld [tilespmem:s13+$0x140];
	v10 =	vadd.s32 v2, v4  }
0x2a2: {  	v11 =	vld [tilespmem:s13+$0x150];
	v12 =	vadd.s32 v2, v5  }
0x2a3: {  	s12 =	simm.s32 $0x80;
	v13 =	vld [tilespmem:s13+$0x160];
	v6 =	vadd.s32 v2, v6  }
0x2a4: {  	v4 =	vld [tilespmem:s12+$0x100];
	v7 =	vadd.s32 v2, v7  }
0x2a5: {  	v5 =	vld [tilespmem:s12+$0x170];
	v14 =	vadd.s32 v2, v8  }
0x2a6: {  	v15 =	vadd.s32 v2, v9;
	v8 =	vld.idx.msk [tilespmem:v10+s4+$0x0], $0xffff  }
0x2a7: {  	v16 =	vadd.s32 v2, v11;
	v12 =	vld.idx.msk [tilespmem:v12+s4+$0x0], $0xffff  }
0x2a8: {  	v13 =	vadd.s32 v2, v13;
	v11 =	vld.idx.msk [tilespmem:v6+s4+$0x0], $0xffff  }
0x2a9: {  	v10 =	vld.idx.msk [tilespmem:v7+s4+$0x0], $0xffff  }
0x2aa: {  	v9 =	vld.idx.msk [tilespmem:v14+s4+$0x0], $0xffff  }
0x2ab: {  	v7 =	vld.idx.msk [tilespmem:v15+s4+$0x0], $0xffff  }
0x2ac: {  	s14 =	simm.s32 $0x400;
	v6 =	vld.idx.msk [tilespmem:v16+s4+$0x0], $0xffff  }
.LBB2_23:
0x2ad: {  	p0 =	sne.s32 s14, $0xFE00;
	v13 =	vld.idx.msk [tilespmem:v13+s4+$0x0], $0xffff;
	[tilespmem:s13+$0x8170] =	vst v12  }
0x2ae: {  	v12 =	vld [tilespmem:s12+$0x110];
	[tilespmem:s13+$0x8100] =	vst v8  }
0x2af: {  	v8 =	vld [tilespmem:s12+$0x120];
	[tilespmem:s13+$0x8110] =	vst v11  }
0x2b0: {  	v11 =	vld [tilespmem:s12+$0x130];
	[tilespmem:s13+$0x8120] =	vst v10  }
0x2b1: {  	v14 =	vadd.s32 v2, v4;
	v10 =	vld [tilespmem:s12+$0x140];
	[tilespmem:s13+$0x8130] =	vst v9  }
0x2b2: {  	v15 =	vadd.s32 v2, v5;
	v9 =	vld [tilespmem:s12+$0x150];
	[tilespmem:s13+$0x8140] =	vst v7  }
0x2b3: {  	s11 =	sshra.s32 s14, $0x2;
	v7 =	vld [tilespmem:s12+$0x160];
	v16 =	vadd.s32 v2, v12;
	[tilespmem:s13+$0x8150] =	vst v6  }
0x2b4: {  	v4 =	vld [tilespmem:s11+$0x100];
	v6 =	vadd.s32 v2, v8;
	[tilespmem:s13+$0x8160] =	vst v13;
	s13 =	smov.u32 s12;
	s12 =	smov.u32 s11  }
0x2b5: {  	v5 =	vld [tilespmem:s12+$0x170];
	v17 =	vadd.s32 v2, v11  }
0x2b6: {  	v8 =	vld.idx.msk [tilespmem:v14+s4+$0x0], $0xffff;
	v14 =	vadd.s32 v2, v10  }
0x2b7: {  	v18 =	vadd.s32 v2, v9;
	v12 =	vld.idx.msk [tilespmem:v15+s4+$0x0], $0xffff  }
.Ltmp10:
0x2b8: {  	v11 =	vld.idx.msk [tilespmem:v16+s4+$0x0], $0xffff;
	v13 =	vadd.s32 v2, v7;
	(pc) =	sbr.rel @p0 .LBB2_23-.Ltmp10, $4  }
0x2b9: {  	v10 =	vld.idx.msk [tilespmem:v6+s4+$0x0], $0xffff  }
0x2ba: {  	v9 =	vld.idx.msk [tilespmem:v17+s4+$0x0], $0xffff  }
0x2bb: {  	v7 =	vld.idx.msk [tilespmem:v14+s4+$0x0], $0xffff  }
0x2bc: {  	s14 =	sadd.s32 $0x200, s14;
	v6 =	vld.idx.msk [tilespmem:v18+s4+$0x0], $0xffff  }
0x2bd: {  	_ =	sdelay $0x3  }
0x2be: {  	v13 =	vld.idx.msk [tilespmem:v13+s4+$0x0], $0xffff;
	[tilespmem:s13+$0x8170] =	vst v12  }
0x2bf: {  	v12 =	vld [tilespmem:s12+$0x110];
	[tilespmem:s13+$0x8100] =	vst v8  }
0x2c0: {  	v8 =	vld [tilespmem:s12+$0x120];
	[tilespmem:s13+$0x8110] =	vst v11  }
0x2c1: {  	v11 =	vld [tilespmem:s12+$0x130];
	[tilespmem:s13+$0x8120] =	vst v10  }
0x2c2: {  	v4 =	vadd.s32 v2, v4;
	v10 =	vld [tilespmem:s12+$0x140];
	[tilespmem:s13+$0x8130] =	vst v9  }
0x2c3: {  	v5 =	vadd.s32 v2, v5;
	v9 =	vld [tilespmem:s12+$0x150];
	[tilespmem:s13+$0x8140] =	vst v7  }
0x2c4: {  	v7 =	vld [tilespmem:s12+$0x160];
	v12 =	vadd.s32 v2, v12  }
0x2c5: {  	[tilespmem:s13+$0x8150] =	vst v6;
	v6 =	vadd.s32 v2, v8  }
0x2c6: {  	[tilespmem:s13+$0x8160] =	vst v13;
	v8 =	vadd.s32 v2, v11  }
0x2c7: {  	v4 =	vld.idx.msk [tilespmem:v4+s4+$0x0], $0xffff;
	v10 =	vadd.s32 v2, v10  }
0x2c8: {  	v5 =	vld.idx.msk [tilespmem:v5+s4+$0x0], $0xffff;
	v9 =	vadd.s32 v2, v9  }
0x2c9: {  	v11 =	vld.idx.msk [tilespmem:v12+s4+$0x0], $0xffff;
	v7 =	vadd.s32 v2, v7  }
0x2ca: {  	v6 =	vld.idx.msk [tilespmem:v6+s4+$0x0], $0xffff  }
0x2cb: {  	v8 =	vld.idx.msk [tilespmem:v8+s4+$0x0], $0xffff  }
0x2cc: {  	v10 =	vld.idx.msk [tilespmem:v10+s4+$0x0], $0xffff  }
0x2cd: {  	v9 =	vld.idx.msk [tilespmem:v9+s4+$0x0], $0xffff  }
0x2ce: {  	v7 =	vld.idx.msk [tilespmem:v7+s4+$0x0], $0xffff;
	[tilespmem:s12+$0x8170] =	vst v5  }
0x2cf: {  	[tilespmem:s12+$0x8100] =	vst v4  }
0x2d0: {  	[tilespmem:s12+$0x8110] =	vst v11  }
0x2d1: {  	[tilespmem:s12+$0x8120] =	vst v6  }
0x2d2: {  	[tilespmem:s12+$0x8130] =	vst v8  }
0x2d3: {  	s11 =	sor.u32 s18, s8;
	[tilespmem:s12+$0x8140] =	vst v10  }
0x2d4: {  	s11 =	sshrl.u32 s11, $0x3;
	[tilespmem:s12+$0x8150] =	vst v9  }
0x2d5: {  	s11 =	sadd.s32 s2, s11;
	[tilespmem:s12+$0x8160] =	vst v7  }
0x2d6: {  	[hbm4b:s11+s22] =	stream.strided.scatter [tilespmem:s28], [sflag:$0x3], $0x4000, s23, s22, $0x38;
	[tilespmem:$0x10100] =	vst v63  }
0x2d7: {  	_ =	swait.ge [sflag:s31], $0x4000  }
0x2d8: {  	[sflag:s31] =	ssyncset.done $0x0  }
0x2d9: {  	s13 =	simm.s32 $0x0;
	[sflag:s31] =	ssyncadd.s32 $0xFFFFC000  }
0x2da: {  	v4 =	vld [tilespmem:s13+$0x100]  }
0x2db: {  	v5 =	vld [tilespmem:s13+$0x170]  }
0x2dc: {  	v6 =	vld [tilespmem:s13+$0x110]  }
0x2dd: {  	v7 =	vld [tilespmem:s13+$0x120]  }
0x2de: {  	v8 =	vld [tilespmem:s13+$0x130]  }
0x2df: {  	v9 =	vld [tilespmem:s13+$0x140];
	v10 =	vadd.s32 v3, v4  }
0x2e0: {  	v11 =	vld [tilespmem:s13+$0x150];
	v12 =	vadd.s32 v3, v5  }
0x2e1: {  	s12 =	simm.s32 $0x80;
	v13 =	vld [tilespmem:s13+$0x160];
	v6 =	vadd.s32 v3, v6  }
0x2e2: {  	v4 =	vld [tilespmem:s12+$0x100];
	v7 =	vadd.s32 v3, v7  }
0x2e3: {  	v5 =	vld [tilespmem:s12+$0x170];
	v14 =	vadd.s32 v3, v8  }
0x2e4: {  	v15 =	vadd.s32 v3, v9;
	v8 =	vld.idx.msk [tilespmem:v10+s4+$0x0], $0xffff  }
0x2e5: {  	v16 =	vadd.s32 v3, v11;
	v12 =	vld.idx.msk [tilespmem:v12+s4+$0x0], $0xffff  }
0x2e6: {  	v13 =	vadd.s32 v3, v13;
	v11 =	vld.idx.msk [tilespmem:v6+s4+$0x0], $0xffff  }
0x2e7: {  	v10 =	vld.idx.msk [tilespmem:v7+s4+$0x0], $0xffff  }
0x2e8: {  	v9 =	vld.idx.msk [tilespmem:v14+s4+$0x0], $0xffff  }
0x2e9: {  	v7 =	vld.idx.msk [tilespmem:v15+s4+$0x0], $0xffff  }
0x2ea: {  	s14 =	simm.s32 $0x400;
	v6 =	vld.idx.msk [tilespmem:v16+s4+$0x0], $0xffff  }
.LBB2_25:
0x2eb: {  	p0 =	sne.s32 s14, $0xFE00;
	v13 =	vld.idx.msk [tilespmem:v13+s4+$0x0], $0xffff;
	[tilespmem:s13+$0xC170] =	vst v12  }
0x2ec: {  	v12 =	vld [tilespmem:s12+$0x110];
	[tilespmem:s13+$0xC100] =	vst v8  }
0x2ed: {  	v8 =	vld [tilespmem:s12+$0x120];
	[tilespmem:s13+$0xC110] =	vst v11  }
0x2ee: {  	v11 =	vld [tilespmem:s12+$0x130];
	[tilespmem:s13+$0xC120] =	vst v10  }
0x2ef: {  	v14 =	vadd.s32 v3, v4;
	v10 =	vld [tilespmem:s12+$0x140];
	[tilespmem:s13+$0xC130] =	vst v9  }
0x2f0: {  	v15 =	vadd.s32 v3, v5;
	v9 =	vld [tilespmem:s12+$0x150];
	[tilespmem:s13+$0xC140] =	vst v7  }
0x2f1: {  	s11 =	sshra.s32 s14, $0x2;
	v7 =	vld [tilespmem:s12+$0x160];
	v16 =	vadd.s32 v3, v12;
	[tilespmem:s13+$0xC150] =	vst v6  }
0x2f2: {  	v4 =	vld [tilespmem:s11+$0x100];
	v6 =	vadd.s32 v3, v8;
	[tilespmem:s13+$0xC160] =	vst v13;
	s13 =	smov.u32 s12;
	s12 =	smov.u32 s11  }
0x2f3: {  	v5 =	vld [tilespmem:s12+$0x170];
	v17 =	vadd.s32 v3, v11  }
0x2f4: {  	v8 =	vld.idx.msk [tilespmem:v14+s4+$0x0], $0xffff;
	v14 =	vadd.s32 v3, v10  }
0x2f5: {  	v18 =	vadd.s32 v3, v9;
	v12 =	vld.idx.msk [tilespmem:v15+s4+$0x0], $0xffff  }
.Ltmp11:
0x2f6: {  	v11 =	vld.idx.msk [tilespmem:v16+s4+$0x0], $0xffff;
	v13 =	vadd.s32 v3, v7;
	(pc) =	sbr.rel @p0 .LBB2_25-.Ltmp11, $4  }
0x2f7: {  	v10 =	vld.idx.msk [tilespmem:v6+s4+$0x0], $0xffff  }
0x2f8: {  	v9 =	vld.idx.msk [tilespmem:v17+s4+$0x0], $0xffff  }
0x2f9: {  	v7 =	vld.idx.msk [tilespmem:v14+s4+$0x0], $0xffff  }
0x2fa: {  	s14 =	sadd.s32 $0x200, s14;
	v6 =	vld.idx.msk [tilespmem:v18+s4+$0x0], $0xffff  }
0x2fb: {  	_ =	sdelay $0x3  }
0x2fc: {  	v13 =	vld.idx.msk [tilespmem:v13+s4+$0x0], $0xffff;
	[tilespmem:s13+$0xC170] =	vst v12  }
0x2fd: {  	v12 =	vld [tilespmem:s12+$0x110];
	[tilespmem:s13+$0xC100] =	vst v8  }
0x2fe: {  	v8 =	vld [tilespmem:s12+$0x120];
	[tilespmem:s13+$0xC110] =	vst v11  }
0x2ff: {  	v11 =	vld [tilespmem:s12+$0x130];
	[tilespmem:s13+$0xC120] =	vst v10  }
0x300: {  	v4 =	vadd.s32 v3, v4;
	v10 =	vld [tilespmem:s12+$0x140];
	[tilespmem:s13+$0xC130] =	vst v9  }
0x301: {  	v5 =	vadd.s32 v3, v5;
	v9 =	vld [tilespmem:s12+$0x150];
	[tilespmem:s13+$0xC140] =	vst v7  }
0x302: {  	v7 =	vld [tilespmem:s12+$0x160];
	v12 =	vadd.s32 v3, v12  }
0x303: {  	[tilespmem:s13+$0xC150] =	vst v6;
	v61 =	vadd.s32 v3, v8  }
0x304: {  	[tilespmem:s13+$0xC160] =	vst v13;
	v62 =	vadd.s32 v3, v11  }
0x305: {  	v4 =	vld.idx.msk [tilespmem:v4+s4+$0x0], $0xffff;
	v10 =	vadd.s32 v3, v10  }
0x306: {  	v5 =	vld.idx.msk [tilespmem:v5+s4+$0x0], $0xffff;
	v9 =	vadd.s32 v3, v9  }
0x307: {  	v63 =	vld.idx.msk [tilespmem:v12+s4+$0x0], $0xffff;
	v7 =	vadd.s32 v3, v7  }
0x308: {  	v6 =	vld.idx.msk [tilespmem:v61+s4+$0x0], $0xffff  }
0x309: {  	v8 =	vld.idx.msk [tilespmem:v62+s4+$0x0], $0xffff  }
0x30a: {  	v10 =	vld.idx.msk [tilespmem:v10+s4+$0x0], $0xffff  }
0x30b: {  	v9 =	vld.idx.msk [tilespmem:v9+s4+$0x0], $0xffff  }
0x30c: {  	v7 =	vld.idx.msk [tilespmem:v7+s4+$0x0], $0xffff;
	[tilespmem:s12+$0xC170] =	vst v5  }
0x30d: {  	[tilespmem:s12+$0xC100] =	vst v4  }
0x30e: {  	s5 =	sadd.s32 $0x1, s5;
	[tilespmem:s12+$0xC110] =	vst v63  }
0x30f: {  	p0 =	sne.s32 s5, $0xC;
	[tilespmem:s12+$0xC120] =	vst v6  }
.Ltmp12:
0x310: {  	[tilespmem:s12+$0xC130] =	vst v8;
	(pc) =	sbr.rel @p0 .LBB2_10-.Ltmp12, $4  }
0x311: {  	s8 =	sor.u32 s19, s8;
	[tilespmem:s12+$0xC140] =	vst v10  }
0x312: {  	s8 =	sshrl.u32 s8, $0x3;
	[tilespmem:s12+$0xC150] =	vst v9  }
0x313: {  	s8 =	sadd.s32 s2, s8;
	[tilespmem:s12+$0xC160] =	vst v7  }
0x314: {  	[hbm4b:s8+s22] =	stream.strided.scatter [tilespmem:s29], [sflag:$0x4], $0x4000, s23, s22, $0x38;
	[tilespmem:$0x10100] =	vst v63  }
0x315: {  	_ =	swait.ge [sflag:s0], $0x4000  }
0x316: {  	[sflag:s0] =	ssyncset.done $0x0  }
0x317: {  	[sflag:s0] =	ssyncadd.s32 $0xFFFFC000  }
0x318: {  	_ =	swait.ge [sflag:s30], $0x4000  }
0x319: {  	[sflag:s30] =	ssyncset.done $0x0  }
0x31a: {  	[sflag:s30] =	ssyncadd.s32 $0xFFFFC000  }
0x31b: {  	_ =	swait.ge [sflag:s31], $0x4000  }
0x31c: {  	s3 =	sadd.s32 $0x1, s3;
	s5 =	rddreg [dreg:$0xb]  }
0x31d: {  	p0 =	sne.s32 s3, s5  }
.Ltmp13:
0x31e: {  	_ = 	snop;
	(pc) =	sbr.rel @p0 .LBB2_1-.Ltmp13, $3  }
0x31f: {  	_ =	sdelay $0x1  }
0x320: {  	[sflag:s31] =	ssyncset.done $0x0  }
0x321: {  	[sflag:s31] =	ssyncadd.s32 $0xFFFFC000  }
0x322: {  	_ =	sfence.sel $0x180000  }
0x323: {  	[bflag:$0x0] =	sbarrier.arrive $0xFFFF  }
0x324: {  	_ =	strace $0x90000047  }
0x325: {  	s0 =	stileid.u32;
	[bflag:$0x2] =	sbarrier.arrive $0xFFFF  }
0x326: {  	p0 =	sne.s32 s0, $0x0;
	s0 =	rddreg [dreg:$0x3]  }
0x327: {  	s0 =	sadd.s32 @!p0 $0x100000, s0  }
0x328: {  	[sflag:s0] =	ssyncadd.tile.s32 @!p0 $0x1;
	_ =	shalt  }
.Lfunc_end2:
_tile_overlayer_lowered:
.L_overlay_start_2:
0x329: {  	(tag) =	ssettag $0x2  }
0x32a: {  	s0 =	rddreg [dreg:$0x0];
	s2 =	stileid.u32  }
0x32b: {  	s1 =	rddreg [dreg:$0x1];
	p0 =	sne.s32 s2, $0x0  }
0x32c: {  	s3 =	rddreg [dreg:$0x2];
	[bflag:$0x3] =	sbarrier.arrive $0xFFFF;
	s2 =	simm.s32 @!p0 $0x1C05  }
0x32d: {  	[timem:s3], [sflag:s2] =	dma.local @!p0 [hbm:s0], s1  }
0x32e: {  	s0 =	simm.s32 @!p0 $0x5  }
0x32f: {  	_ =	swait.ge @!p0 [sflag:s0], s1  }
0x330: {  	s1 =	ssub.s32 @!p0 $0x0, s1;
	[sflag:s0] =	ssyncset.done @!p0 $0x0  }
0x331: {  	[sflag:s0] =	ssyncadd.s32 @!p0 s1  }
0x332: {  	[bflag:$0x3] =	sbarrier.arrive $0xFFFF  }
0x333: {  	_ =	shalt  }

</sc_bundles>
